<compile_context>
chip_gen: v7x
topology: tpu7x:2x2x1
jax: 0.10.2.dev20260603
libtpu: 0.0.44.dev20260713+nightly
codegen_flags: <defaults>
</compile_context>

<pallas_src>
import functools

import jax
import jax.numpy as jnp
from jax import lax
from jax.experimental import pallas as pl
from jax.experimental.pallas import tpu as pltpu
from jax.experimental.pallas import tpu_sc as plsc

Q = 1000
C = 91
CP = 128
D = 256
K = Q * C
NW = 32
CHUNK = 2848
KPAD = NW * CHUNK
W = 128
NWIN = CHUNK // W + 1
NVREG = NWIN * W // 16
LROWS = 32


def _wid():
    return lax.axis_index("s") * 2 + lax.axis_index("c")


def _compact_body(prob_hbm, boxflat_hbm, ts_hbm, logflat_hbm,
                  compact_hbm, counts_hbm, btable_hbm, logpad_hbm,
                  probbuf, segbuf, cbuf, bbuf, btbuf, tsbuf, lbuf, lpbuf):
    wid = _wid()
    start = wid * CHUNK
    iota = lax.iota(jnp.int32, 16)

    pltpu.sync_copy(prob_hbm.at[pl.ds(start, CHUNK)], probbuf)

    def step(i, ptr):
        v = probbuf[pl.ds(i * 16, 16)]
        m = v > 0.1
        ids = start + i * 16 + iota
        mi = m.astype(jnp.int32)
        pos = ptr + plsc.cumsum(mi) - mi
        plsc.store_scatter(segbuf, [pos], ids, mask=m)
        return ptr + jnp.sum(mi)

    n = lax.fori_loop(0, CHUNK // 16, step, jnp.int32(0))

    pltpu.sync_copy(segbuf.at[pl.ds(0, CHUNK)],
                    compact_hbm.at[pl.ds(start, CHUNK)])
    cbuf[pl.ds(0, 16)] = jnp.zeros((16,), jnp.int32) + n
    pltpu.sync_copy(cbuf.at[pl.ds(0, 8)], counts_hbm.at[pl.ds(wid * 8, 8)])

    def pad_rows(nrows):
        pltpu.sync_copy(logflat_hbm.at[pl.ds(wid * (LROWS * C), nrows * C)],
                        lbuf.at[pl.ds(0, nrows * C)])

        def prow(k, _):
            for t in range(6):
                lpbuf[k, pl.ds(t * 16, 16)] = plsc.load_gather(
                    lbuf, [k * C + t * 16 + iota])
            return 0

        lax.fori_loop(0, nrows, prow, 0)
        pltpu.sync_copy(lpbuf.at[pl.ds(0, nrows)],
                        logpad_hbm.at[pl.ds(wid * LROWS, nrows)])

    @pl.when(wid < NW - 1)
    def _pad_full():
        pad_rows(LROWS)

    @pl.when(wid == NW - 1)
    def _pad_tail():
        pad_rows(Q - (NW - 1) * LROWS)

    @pl.when(wid == 0)
    def _box_table():
        pltpu.sync_copy(boxflat_hbm, bbuf)
        pltpu.sync_copy(ts_hbm, tsbuf)
        sidx = jnp.where(iota % 2 == 0, 1, 0)
        sv = plsc.load_gather(tsbuf, [sidx]).astype(jnp.float32)
        patt = (iota // 4) * 4 + (iota % 2)
        sgn = jnp.where((iota % 4) < 2, -0.5, 0.5).astype(jnp.float32)

        def bstep(i, _):
            base = i * 16
            a = plsc.load_gather(bbuf, [base + patt])
            d = plsc.load_gather(bbuf, [base + patt + 2])
            btbuf[pl.ds(base, 16)] = (a + sgn * d) * sv
            return 0

        lax.fori_loop(0, Q * 4 // 16, bstep, 0)
        pltpu.sync_copy(btbuf, btable_hbm)


def _gather_body(compact_hbm, counts_hbm, prob_hbm, bt_hbm, ob_hbm,
                 logpad_hbm, pen_hbm,
                 scores_hbm, labels_hbm, boxes_hbm, origb_hbm,
                 nlog_hbm, npen_hbm,
                 cntbuf, ebuf, srcbuf, idxbuf, ibuf, rbuf,
                 labbuf, scorebuf, btab, otab, boxbuf, obuf,
                 penwin, logwin, sem):
    wid = _wid()
    start = wid * CHUNK
    iota = lax.iota(jnp.int32, 16)

    pltpu.sync_copy(counts_hbm, cntbuf)
    c_lo = plsc.load_gather(cntbuf, [iota * 8])
    c_hi = plsc.load_gather(cntbuf, [128 + iota * 8])
    tot_lo = jnp.sum(c_lo)
    n_total = tot_lo + jnp.sum(c_hi)
    e_lo = plsc.cumsum(c_lo) - c_lo
    e_hi = plsc.cumsum(c_hi) - c_hi + tot_lo
    ebuf[pl.ds(0, 16)] = e_lo
    ebuf[pl.ds(16, 16)] = e_hi

    pltpu.sync_copy(bt_hbm, btab)
    pltpu.sync_copy(ob_hbm, otab)

    def src_step(i, _):
        p = start + i * 16 + iota
        s = jnp.zeros((16,), jnp.int32)
        for step in (16, 8, 4, 2, 1):
            t = s + step
            et = plsc.load_gather(ebuf, [t])
            s = jnp.where(et <= p, t, s)
        es = plsc.load_gather(ebuf, [s])
        src = s * CHUNK + (p - es)
        src = jnp.where(p < n_total, src, 0)
        srcbuf[i // 8, pl.ds((i % 8) * 16, 16)] = src
        return 0

    lax.fori_loop(0, NVREG, src_step, 0)

    def idx_step(j, _):
        pltpu.async_copy(compact_hbm.at[srcbuf.at[j]],
                         idxbuf.at[pl.ds(j * W, W)], sem).wait()
        return 0

    lax.fori_loop(0, NWIN, idx_step, 0)

    rcp = jnp.float32(1.0 / 91.0)

    def rl_step(i, _):
        p = start + i * 16 + iota
        iv = idxbuf[pl.ds(i * 16, 16)]
        iv = jnp.where(p < n_total, iv, 0)
        r0 = (iv.astype(jnp.float32) * rcp).astype(jnp.int32)
        lab0 = iv - r0 * C
        r = r0 + (lab0 >= C).astype(jnp.int32) - (lab0 < 0).astype(jnp.int32)
        lab = iv - r * C
        rbuf[i // 8, pl.ds((i % 8) * 16, 16)] = r
        ibuf[i // 8, pl.ds((i % 8) * 16, 16)] = iv
        labbuf[pl.ds(i * 16, 16)] = lab
        return 0

    lax.fori_loop(0, NVREG, rl_step, 0)

    def sc_step(j, _):
        pltpu.async_copy(prob_hbm.at[ibuf.at[j]],
                         scorebuf.at[pl.ds(j * W, W)], sem).wait()
        return 0

    lax.fori_loop(0, NWIN, sc_step, 0)

    def box_step(j, _):
        q = j * 16 + iota
        b = q >> 2
        comp = q & 3
        rb = plsc.load_gather(rbuf, [b >> 7, b & 127])
        addr = rb * 4 + comp
        boxbuf[pl.ds(j * 16, 16)] = plsc.load_gather(btab, [addr])
        obuf[pl.ds(j * 16, 16)] = plsc.load_gather(otab, [addr])
        return 0

    lax.fori_loop(0, CHUNK * 4 // 16, box_step, 0)

    def gather_window(j):
        cp1 = pltpu.async_copy(pen_hbm.at[rbuf.at[j]], penwin, sem)
        cp2 = pltpu.async_copy(logpad_hbm.at[rbuf.at[j]], logwin, sem)
        cp1.wait()
        cp2.wait()

    def write_window(j, rows):
        row0 = start + j * W
        pltpu.sync_copy(penwin.at[pl.ds(0, rows)],
                        npen_hbm.at[pl.ds(row0, rows)])
        pltpu.sync_copy(logwin.at[pl.ds(0, rows)],
                        nlog_hbm.at[pl.ds(row0, rows)])

    def do_range(nfull, tail, size):
        def wbody(j, _):
            gather_window(j)
            write_window(j, W)
            return 0

        lax.fori_loop(0, nfull, wbody, 0)
        gather_window(nfull)
        write_window(nfull, tail)
        pltpu.sync_copy(scorebuf.at[pl.ds(0, size)],
                        scores_hbm.at[pl.ds(start, size)])
        pltpu.sync_copy(labbuf.at[pl.ds(0, size)],
                        labels_hbm.at[pl.ds(start, size)])
        pltpu.sync_copy(boxbuf.at[pl.ds(0, size * 4)],
                        boxes_hbm.at[pl.ds(start * 4, size * 4)])
        pltpu.sync_copy(obuf.at[pl.ds(0, size * 4)],
                        origb_hbm.at[pl.ds(start * 4, size * 4)])

    @pl.when(wid < NW - 1)
    def _full():
        do_range(22, 32, CHUNK)

    @pl.when(wid == NW - 1)
    def _last():
        do_range(21, 24, K - (NW - 1) * CHUNK)


@functools.cache
def _build():
    mesh = plsc.VectorSubcoreMesh(core_axis_name="c", subcore_axis_name="s",
                                  num_cores=2, num_subcores=16)
    params = pltpu.CompilerParams(needs_layout_passes=False)

    compact_kernel = pl.kernel(
        _compact_body,
        out_type=(
            jax.ShapeDtypeStruct((KPAD,), jnp.int32),
            jax.ShapeDtypeStruct((NW * 8,), jnp.int32),
            jax.ShapeDtypeStruct((Q * 4,), jnp.float32),
            jax.ShapeDtypeStruct((Q, CP), jnp.float32),
        ),
        mesh=mesh,
        compiler_params=params,
        scratch_types=(
            pltpu.VMEM((CHUNK,), jnp.float32),
            pltpu.VMEM((CHUNK + 16,), jnp.int32),
            pltpu.VMEM((16,), jnp.int32),
            pltpu.VMEM((Q * 4,), jnp.float32),
            pltpu.VMEM((Q * 4,), jnp.float32),
            pltpu.VMEM((8,), jnp.int32),
            pltpu.VMEM((LROWS * C + 16,), jnp.float32),
            pltpu.VMEM((LROWS, CP), jnp.float32),
        ),
    )

    gather_kernel = pl.kernel(
        _gather_body,
        out_type=(
            jax.ShapeDtypeStruct((K,), jnp.float32),
            jax.ShapeDtypeStruct((K,), jnp.int32),
            jax.ShapeDtypeStruct((K * 4,), jnp.float32),
            jax.ShapeDtypeStruct((K * 4,), jnp.float32),
            jax.ShapeDtypeStruct((K, CP), jnp.float32),
            jax.ShapeDtypeStruct((K, D), jnp.float32),
        ),
        mesh=mesh,
        compiler_params=params,
        scratch_types=(
            pltpu.VMEM((NW * 8,), jnp.int32),
            pltpu.VMEM((32,), jnp.int32),
            pltpu.VMEM((NWIN, W), jnp.int32),
            pltpu.VMEM((NWIN * W,), jnp.int32),
            pltpu.VMEM((NWIN, W), jnp.int32),
            pltpu.VMEM((NWIN, W), jnp.int32),
            pltpu.VMEM((NWIN * W,), jnp.int32),
            pltpu.VMEM((NWIN * W,), jnp.float32),
            pltpu.VMEM((Q * 4,), jnp.float32),
            pltpu.VMEM((Q * 4,), jnp.float32),
            pltpu.VMEM((CHUNK * 4,), jnp.float32),
            pltpu.VMEM((CHUNK * 4,), jnp.float32),
            pltpu.VMEM((W, D), jnp.float32),
            pltpu.VMEM((W, CP), jnp.float32),
            pltpu.SemaphoreType.DMA,
        ),
    )
    return compact_kernel, gather_kernel


def kernel(pred_logits, pred_boxes, pen_features, target_sizes):
    compact_kernel, gather_kernel = _build()

    prob = jax.nn.sigmoid(pred_logits)
    flat = prob.reshape(-1)
    prob_pad = jnp.concatenate([flat, jnp.zeros((KPAD - K,), jnp.float32)])
    boxflat = pred_boxes.reshape(-1)
    logflat = pred_logits.reshape(-1)
    ts_pad = jnp.concatenate(
        [target_sizes.reshape(-1), jnp.zeros((6,), jnp.int32)])

    compact, counts, btflat, logpad = compact_kernel(
        prob_pad, boxflat, ts_pad, logflat)
    scores, labels, boxes, origb, nlog, npen = gather_kernel(
        compact, counts, prob_pad, btflat, boxflat,
        logpad, pen_features.reshape(Q, D))

    return (scores[None], labels[None], boxes.reshape(1, K, 4),
            origb.reshape(1, K, 4), nlog[:, :C][None], npen[None])

# --- scband reference (transcript-rebuilt; emitter-appended) ---
"""Pipeline reference for scband-post-process-84207128805904 (READ-ONLY COPY).

The authoritative reference and input builder live on the scoring server;
editing this copy changes nothing except your own understanding.
"""

import jax, jax.numpy as jnp
import numpy as np


def box_cxcywh_to_xyxy(b):
    cx, cy, w, h = b[..., 0], b[..., 1], b[..., 2], b[..., 3]
    return jnp.stack([cx - 0.5 * w, cy - 0.5 * h, cx + 0.5 * w, cy + 0.5 * h], axis=-1)


def setup_inputs(seed: int = 0) -> dict:
    key = jax.random.key(seed)
    k1, k2, k3, k4 = jax.random.split(key, 4)
    pred_logits = jax.random.normal(k1, (1, 1000, 91), dtype=jnp.float32)
    pred_boxes = jax.random.uniform(k2, (1, 1000, 4), dtype=jnp.float32)
    pen_features = jax.random.normal(k3, (1, 1000, 256), dtype=jnp.float32)
    target_sizes = jax.random.randint(k4, (1, 2), 1, 1333).astype(jnp.int32)
    return {
        "pred_logits": pred_logits,
        "pred_boxes": pred_boxes,
        "pen_features": pen_features,
        "target_sizes": target_sizes,
    }


def reference(pred_logits, pred_boxes, pen_features, target_sizes):
    B, Q, C = pred_logits.shape
    D = pen_features.shape[2]
    prob = jax.nn.sigmoid(pred_logits)
    flat = prob.reshape(-1)
    K = flat.shape[0]  # static upper bound = Q*C (nearly all entries pass 0.1 threshold)
    (idx,) = jnp.nonzero(flat > 0.1, size=K, fill_value=0)
    topk_indexes = idx.reshape(1, -1)
    scores = flat[topk_indexes[0]].reshape(1, -1)
    topk_boxes = topk_indexes // C
    labels = topk_indexes % C
    boxes_xyxy = box_cxcywh_to_xyxy(pred_boxes)
    ib = jnp.broadcast_to(topk_boxes[..., None], (B, K, 4))
    boxes1 = jnp.take_along_axis(boxes_xyxy, ib, axis=1)
    original_boxes = jnp.take_along_axis(pred_boxes, ib, axis=1)
    il = jnp.broadcast_to(topk_boxes[..., None], (B, K, C))
    new_ped_logits = jnp.take_along_axis(pred_logits, il, axis=1)
    ip = jnp.broadcast_to(topk_boxes[..., None], (B, K, D))
    out_pen_features = jnp.take_along_axis(pen_features, ip, axis=1)
    img_h = target_sizes[:, 0]
    img_w = target_sizes[:, 1]
    scale_fct = jnp.stack([img_w, img_h, img_w, img_h], axis=1).astype(jnp.float32)
    boxes = boxes1 * scale_fct[:, None, :]
    return (scores, labels, boxes, original_boxes, new_ped_logits, out_pen_features)

if __name__ == "__main__":
    import jax
    _d = setup_inputs()
    print(jax.jit(kernel)(*tuple(_d.values())))

</pallas_src>

<mosaic_0001>
#map = affine_map<(d0, d1) -> (0)>
#map1 = affine_map<(d0, d1) -> (0, 0)>
module attributes {stable_mosaic.version = 14 : i64} {
  func.func @_compact_body(%arg0: i32, %arg1: i32, %arg2: memref<91136xf32, #tpu.memory_space<hbm>>, %arg3: memref<4000xf32, #tpu.memory_space<hbm>>, %arg4: memref<8xi32, #tpu.memory_space<hbm>>, %arg5: memref<91000xf32, #tpu.memory_space<hbm>>, %arg6: memref<91136xi32, #tpu.memory_space<hbm>>, %arg7: memref<256xi32, #tpu.memory_space<hbm>>, %arg8: memref<4000xf32, #tpu.memory_space<hbm>>, %arg9: memref<1000x128xf32, #tpu.memory_space<hbm>>, %arg10: memref<2848xf32, #tpu.memory_space<vmem>>, %arg11: memref<2864xi32, #tpu.memory_space<vmem>>, %arg12: memref<16xi32, #tpu.memory_space<vmem>>, %arg13: memref<4000xf32, #tpu.memory_space<vmem>>, %arg14: memref<4000xf32, #tpu.memory_space<vmem>>, %arg15: memref<8xi32, #tpu.memory_space<vmem>>, %arg16: memref<2928xf32, #tpu.memory_space<vmem>>, %arg17: memref<32x128xf32, #tpu.memory_space<vmem>>) attributes {dimension_semantics = [#tpu.dimension_semantics<core_parallel>, #tpu.dimension_semantics<subcore_parallel>], iteration_bounds = array<i64: 2, 16>, scalar_prefetch = 0 : i64, scratch_operands = 8 : i64, tpu.core_type = #tpu.core_type<sc_vector_subcore>, window_params = [{transform_indices = #map}, {transform_indices = #map}, {transform_indices = #map}, {transform_indices = #map}, {transform_indices = #map}, {transform_indices = #map}, {transform_indices = #map}, {transform_indices = #map1}]} {
    %mul3A = arith.constant 2 : i32
    %mul3A_0 = arith.muli %arg1, %mul3A : i32
    %add3A = arith.addi %mul3A_0, %arg0 : i32
    %mul3A_1 = arith.constant 2848 : i32
    %mul3A_2 = arith.muli %add3A, %mul3A_1 : i32
    %iota3A = tpu.iota {dimensions = array<i32: 0>} : vector<16xi32>
    "tpu.region"() ({
      %run_scoped3A = tpu.sem_alloc : memref<!tpu.dma_semaphore, #tpu.memory_space<semaphore_mem>>
      %dma_start3A = tpu.memref_slice %arg2[%mul3A_2] : memref<91136xf32, #tpu.memory_space<hbm>> -> memref<2848xf32, #tpu.memory_space<hbm>>
      %dma_start3A_26 = tpu.memref_slice %arg2[%mul3A_2] : memref<91136xf32, #tpu.memory_space<hbm>> -> memref<2848xf32, #tpu.memory_space<hbm>>
      tpu.enqueue_dma source(%dma_start3A_26 : memref<2848xf32, #tpu.memory_space<hbm>>) target(%arg10 : memref<2848xf32, #tpu.memory_space<vmem>>) target_semaphore(%run_scoped3A : memref<!tpu.dma_semaphore, #tpu.memory_space<semaphore_mem>>)
      %dma_wait3A = tpu.memref_slice %arg2[%mul3A_2] : memref<91136xf32, #tpu.memory_space<hbm>> -> memref<2848xf32, #tpu.memory_space<hbm>>
      %dma_wait3A_27 = tpu.memref_slice %arg2[%mul3A_2] : memref<91136xf32, #tpu.memory_space<hbm>> -> memref<2848xf32, #tpu.memory_space<hbm>>
      tpu.wait_dma2 semaphore(%run_scoped3A : memref<!tpu.dma_semaphore, #tpu.memory_space<semaphore_mem>>) src(%dma_wait3A_27 : memref<2848xf32, #tpu.memory_space<hbm>>) dst(%arg10 : memref<2848xf32, #tpu.memory_space<vmem>>)
      tpu.yield
    }) : () -> ()
    %scan3A = arith.constant 0 : i32
    %scan3A_3 = arith.constant 0 : i32
    %scan3A_4 = arith.constant 178 : i32
    %scan3A_5 = arith.addi %scan3A_3, %scan3A_4 : i32
    %scan3A_6 = arith.constant 1 : i32
    %scan3A_7 = scf.for %scan3A_26 = %scan3A_3 to %scan3A_5 step %scan3A_6 iter_args(%scan3A_27 = %scan3A) -> (i32)  : i32 {
      %mul3A_28 = arith.constant 16 : i32
      %mul3A_29 = arith.muli %scan3A_26, %mul3A_28 : i32
      %get3A = arith.index_cast %mul3A_29 : i32 to index
      %get3A_30 = tpu.vector_load %arg10[%get3A] {strides = array<i32>} : memref<2848xf32, #tpu.memory_space<vmem>>, vector<16xf32>,
      %gt3A = arith.constant 1.000000e-01 : f32
      %gt3A_31 = vector.broadcast %gt3A : f32 to vector<16xf32>
      %gt3A_32 = arith.cmpf ogt, %get3A_30, %gt3A_31 : vector<16xf32>
      %mul3A_33 = arith.constant 16 : i32
      %mul3A_34 = arith.muli %scan3A_26, %mul3A_33 : i32
      %add3A_35 = arith.addi %mul3A_2, %mul3A_34 : i32
      %add3A_36 = vector.broadcast %add3A_35 : i32 to vector<16xi32>
      %add3A_37 = arith.addi %add3A_36, %iota3A : vector<16xi32>
      %convert_element_type3A_38 = arith.extui %gt3A_32 : vector<16xi1> to vector<16xi32>
      %broadcast_in_dim3A_39 = arith.constant true
      %broadcast_in_dim3A_40 = vector.broadcast %broadcast_in_dim3A_39 : i1 to vector<16xi1>
      %masked_cumsum3A = tpu.scan <sum>, %convert_element_type3A_38 masked %broadcast_in_dim3A_40 : vector<16xi32>, vector<16xi1> -> vector<16xi32>
      %add3A_41 = vector.broadcast %scan3A_27 : i32 to vector<16xi32>
      %add3A_42 = arith.addi %add3A_41, %masked_cumsum3A : vector<16xi32>
      %sub3A = arith.subi %add3A_42, %convert_element_type3A_38 : vector<16xi32>
      tpu.vector_store_idx %arg11[%sub3A], %add3A_37 masked %gt3A_32 : memref<2864xi32, #tpu.memory_space<vmem>>[vector<16xi32>], vector<16xi32>, vector<16xi1>
      %reduce_sum3A = arith.constant true
      %reduce_sum3A_43 = vector.broadcast %reduce_sum3A : i1 to vector<16xi1>
      %reduce_sum3A_44 = tpu.scan <sum>, %convert_element_type3A_38 masked %reduce_sum3A_43 : vector<16xi32>, vector<16xi1> -> vector<16xi32>
      %reduce_sum3A_45 = vector.extract %reduce_sum3A_44[15] : i32 from vector<16xi32>
      %add3A_46 = arith.addi %scan3A_27, %reduce_sum3A_45 : i32
      scf.yield %add3A_46 : i32
    }
    %scan3A_8 = arith.constant 178 : i32
    "tpu.region"() ({
      %run_scoped3A = tpu.sem_alloc : memref<!tpu.dma_semaphore, #tpu.memory_space<semaphore_mem>>
      %dma_start3A = arith.constant 0 : i32
      %dma_start3A_26 = tpu.memref_slice %arg11[%dma_start3A] : memref<2864xi32, #tpu.memory_space<vmem>> -> memref<2848xi32, #tpu.memory_space<vmem>>
      %dma_start3A_27 = tpu.memref_slice %arg6[%mul3A_2] : memref<91136xi32, #tpu.memory_space<hbm>> -> memref<2848xi32, #tpu.memory_space<hbm>>
      %dma_start3A_28 = tpu.memref_slice %arg6[%mul3A_2] : memref<91136xi32, #tpu.memory_space<hbm>> -> memref<2848xi32, #tpu.memory_space<hbm>>
      %dma_start3A_29 = arith.constant 0 : i32
      %dma_start3A_30 = tpu.memref_slice %arg11[%dma_start3A_29] : memref<2864xi32, #tpu.memory_space<vmem>> -> memref<2848xi32, #tpu.memory_space<vmem>>
      tpu.enqueue_dma source(%dma_start3A_30 : memref<2848xi32, #tpu.memory_space<vmem>>) target(%dma_start3A_28 : memref<2848xi32, #tpu.memory_space<hbm>>) target_semaphore(%run_scoped3A : memref<!tpu.dma_semaphore, #tpu.memory_space<semaphore_mem>>)
      %dma_wait3A = arith.constant 0 : i32
      %dma_wait3A_31 = tpu.memref_slice %arg11[%dma_wait3A] : memref<2864xi32, #tpu.memory_space<vmem>> -> memref<2848xi32, #tpu.memory_space<vmem>>
      %dma_wait3A_32 = tpu.memref_slice %arg6[%mul3A_2] : memref<91136xi32, #tpu.memory_space<hbm>> -> memref<2848xi32, #tpu.memory_space<hbm>>
      %dma_wait3A_33 = tpu.memref_slice %arg6[%mul3A_2] : memref<91136xi32, #tpu.memory_space<hbm>> -> memref<2848xi32, #tpu.memory_space<hbm>>
      %dma_wait3A_34 = arith.constant 0 : i32
      %dma_wait3A_35 = tpu.memref_slice %arg11[%dma_wait3A_34] : memref<2864xi32, #tpu.memory_space<vmem>> -> memref<2848xi32, #tpu.memory_space<vmem>>
      tpu.wait_dma2 semaphore(%run_scoped3A : memref<!tpu.dma_semaphore, #tpu.memory_space<semaphore_mem>>) src(%dma_wait3A_35 : memref<2848xi32, #tpu.memory_space<vmem>>) dst(%dma_wait3A_33 : memref<2848xi32, #tpu.memory_space<hbm>>)
      tpu.yield
    }) : () -> ()
    %broadcast_in_dim3A = arith.constant 0 : i32
    %broadcast_in_dim3A_9 = vector.broadcast %broadcast_in_dim3A : i32 to vector<16xi32>
    %add3A_10 = vector.broadcast %scan3A_7 : i32 to vector<16xi32>
    %add3A_11 = arith.addi %broadcast_in_dim3A_9, %add3A_10 : vector<16xi32>
    %swap3A = arith.constant 0 : index
    %swap3A_12 = tpu.vector_load %arg12[%swap3A] {strides = array<i32>} : memref<16xi32, #tpu.memory_space<vmem>>, vector<16xi32>,
    tpu.vector_store %arg12[%swap3A], %add3A_11 {strides = array<i32>} : memref<16xi32, #tpu.memory_space<vmem>>, vector<16xi32>,
    %mul3A_13 = arith.constant 8 : i32
    %mul3A_14 = arith.muli %add3A, %mul3A_13 : i32
    "tpu.region"() ({
      %run_scoped3A = tpu.sem_alloc : memref<!tpu.dma_semaphore, #tpu.memory_space<semaphore_mem>>
      %dma_start3A = arith.constant 0 : i32
      %dma_start3A_26 = tpu.memref_slice %arg12[%dma_start3A] : memref<16xi32, #tpu.memory_space<vmem>> -> memref<8xi32, #tpu.memory_space<vmem>>
      %dma_start3A_27 = tpu.memref_slice %arg7[%mul3A_14] : memref<256xi32, #tpu.memory_space<hbm>> -> memref<8xi32, #tpu.memory_space<hbm>>
      %dma_start3A_28 = tpu.memref_slice %arg7[%mul3A_14] : memref<256xi32, #tpu.memory_space<hbm>> -> memref<8xi32, #tpu.memory_space<hbm>>
      %dma_start3A_29 = arith.constant 0 : i32
      %dma_start3A_30 = tpu.memref_slice %arg12[%dma_start3A_29] : memref<16xi32, #tpu.memory_space<vmem>> -> memref<8xi32, #tpu.memory_space<vmem>>
      tpu.enqueue_dma source(%dma_start3A_30 : memref<8xi32, #tpu.memory_space<vmem>>) target(%dma_start3A_28 : memref<8xi32, #tpu.memory_space<hbm>>) target_semaphore(%run_scoped3A : memref<!tpu.dma_semaphore, #tpu.memory_space<semaphore_mem>>)
      %dma_wait3A = arith.constant 0 : i32
      %dma_wait3A_31 = tpu.memref_slice %arg12[%dma_wait3A] : memref<16xi32, #tpu.memory_space<vmem>> -> memref<8xi32, #tpu.memory_space<vmem>>
      %dma_wait3A_32 = tpu.memref_slice %arg7[%mul3A_14] : memref<256xi32, #tpu.memory_space<hbm>> -> memref<8xi32, #tpu.memory_space<hbm>>
      %dma_wait3A_33 = tpu.memref_slice %arg7[%mul3A_14] : memref<256xi32, #tpu.memory_space<hbm>> -> memref<8xi32, #tpu.memory_space<hbm>>
      %dma_wait3A_34 = arith.constant 0 : i32
      %dma_wait3A_35 = tpu.memref_slice %arg12[%dma_wait3A_34] : memref<16xi32, #tpu.memory_space<vmem>> -> memref<8xi32, #tpu.memory_space<vmem>>
      tpu.wait_dma2 semaphore(%run_scoped3A : memref<!tpu.dma_semaphore, #tpu.memory_space<semaphore_mem>>) src(%dma_wait3A_35 : memref<8xi32, #tpu.memory_space<vmem>>) dst(%dma_wait3A_33 : memref<8xi32, #tpu.memory_space<hbm>>)
      tpu.yield
    }) : () -> ()
    %lt3A = arith.constant 31 : i32
    %lt3A_15 = arith.cmpi slt, %add3A, %lt3A : i32
    %convert_element_type3A = arith.extui %lt3A_15 : i1 to i32
    %cond3A = arith.constant 0 : i32
    %cond3A_16 = arith.cmpi ne, %convert_element_type3A, %cond3A : i32
    scf.if %cond3A_16 {
      %mul3A_26 = arith.constant 2912 : i32
      %mul3A_27 = arith.muli %add3A, %mul3A_26 : i32
      "tpu.region"() ({
        %run_scoped3A = tpu.sem_alloc : memref<!tpu.dma_semaphore, #tpu.memory_space<semaphore_mem>>
        %dma_start3A = arith.constant 0 : i32
        %dma_start3A_37 = tpu.memref_slice %arg16[%dma_start3A] : memref<2928xf32, #tpu.memory_space<vmem>> -> memref<2912xf32, #tpu.memory_space<vmem>>
        %dma_start3A_38 = tpu.memref_slice %arg5[%mul3A_27] : memref<91000xf32, #tpu.memory_space<hbm>> -> memref<2912xf32, #tpu.memory_space<hbm>>
        %dma_start3A_39 = arith.constant 0 : i32
        %dma_start3A_40 = tpu.memref_slice %arg16[%dma_start3A_39] : memref<2928xf32, #tpu.memory_space<vmem>> -> memref<2912xf32, #tpu.memory_space<vmem>>
        %dma_start3A_41 = tpu.memref_slice %arg5[%mul3A_27] : memref<91000xf32, #tpu.memory_space<hbm>> -> memref<2912xf32, #tpu.memory_space<hbm>>
        tpu.enqueue_dma source(%dma_start3A_41 : memref<2912xf32, #tpu.memory_space<hbm>>) target(%dma_start3A_40 : memref<2912xf32, #tpu.memory_space<vmem>>) target_semaphore(%run_scoped3A : memref<!tpu.dma_semaphore, #tpu.memory_space<semaphore_mem>>)
        %dma_wait3A = arith.constant 0 : i32
        %dma_wait3A_42 = tpu.memref_slice %arg16[%dma_wait3A] : memref<2928xf32, #tpu.memory_space<vmem>> -> memref<2912xf32, #tpu.memory_space<vmem>>
        %dma_wait3A_43 = tpu.memref_slice %arg5[%mul3A_27] : memref<91000xf32, #tpu.memory_space<hbm>> -> memref<2912xf32, #tpu.memory_space<hbm>>
        %dma_wait3A_44 = arith.constant 0 : i32
        %dma_wait3A_45 = tpu.memref_slice %arg16[%dma_wait3A_44] : memref<2928xf32, #tpu.memory_space<vmem>> -> memref<2912xf32, #tpu.memory_space<vmem>>
        %dma_wait3A_46 = tpu.memref_slice %arg5[%mul3A_27] : memref<91000xf32, #tpu.memory_space<hbm>> -> memref<2912xf32, #tpu.memory_space<hbm>>
        tpu.wait_dma2 semaphore(%run_scoped3A : memref<!tpu.dma_semaphore, #tpu.memory_space<semaphore_mem>>) src(%dma_wait3A_46 : memref<2912xf32, #tpu.memory_space<hbm>>) dst(%dma_wait3A_45 : memref<2912xf32, #tpu.memory_space<vmem>>)
        tpu.yield
      }) : () -> ()
      %scan3A_28 = arith.constant 0 : i32
      %scan3A_29 = arith.constant 0 : i32
      %scan3A_30 = arith.constant 32 : i32
      %scan3A_31 = arith.addi %scan3A_29, %scan3A_30 : i32
      %scan3A_32 = arith.constant 1 : i32
      %scan3A_33 = scf.for %scan3A_37 = %scan3A_29 to %scan3A_31 step %scan3A_32 iter_args(%scan3A_38 = %scan3A_28) -> (i32)  : i32 {
        %mul3A_39 = arith.constant 91 : i32
        %mul3A_40 = arith.muli %scan3A_37, %mul3A_39 : i32
        %add3A_41 = arith.constant 0 : i32
        %add3A_42 = arith.addi %mul3A_40, %add3A_41 : i32
        %add3A_43 = vector.broadcast %add3A_42 : i32 to vector<16xi32>
        %add3A_44 = arith.addi %add3A_43, %iota3A : vector<16xi32>
        %gather3A = tpu.vector_load_idx %arg16[%add3A_44] : memref<2928xf32, #tpu.memory_space<vmem>>[vector<16xi32>], vector<16xf32>,
        %swap3A_45 = arith.index_cast %scan3A_37 : i32 to index
        %swap3A_46 = arith.constant 0 : index
        %swap3A_47 = tpu.vector_load %arg17[%swap3A_45, %swap3A_46] {strides = array<i32>} : memref<32x128xf32, #tpu.memory_space<vmem>>, vector<16xf32>,
        tpu.vector_store %arg17[%swap3A_45, %swap3A_46], %gather3A {strides = array<i32>} : memref<32x128xf32, #tpu.memory_space<vmem>>, vector<16xf32>,
        %mul3A_48 = arith.constant 91 : i32
        %mul3A_49 = arith.muli %scan3A_37, %mul3A_48 : i32
        %add3A_50 = arith.constant 16 : i32
        %add3A_51 = arith.addi %mul3A_49, %add3A_50 : i32
        %add3A_52 = vector.broadcast %add3A_51 : i32 to vector<16xi32>
        %add3A_53 = arith.addi %add3A_52, %iota3A : vector<16xi32>
        %gather3A_54 = tpu.vector_load_idx %arg16[%add3A_53] : memref<2928xf32, #tpu.memory_space<vmem>>[vector<16xi32>], vector<16xf32>,
        %swap3A_55 = arith.index_cast %scan3A_37 : i32 to index
        %swap3A_56 = arith.constant 16 : index
        %swap3A_57 = tpu.vector_load %arg17[%swap3A_55, %swap3A_56] {strides = array<i32>} : memref<32x128xf32, #tpu.memory_space<vmem>>, vector<16xf32>,
        tpu.vector_store %arg17[%swap3A_55, %swap3A_56], %gather3A_54 {strides = array<i32>} : memref<32x128xf32, #tpu.memory_space<vmem>>, vector<16xf32>,
        %mul3A_58 = arith.constant 91 : i32
        %mul3A_59 = arith.muli %scan3A_37, %mul3A_58 : i32
        %add3A_60 = arith.constant 32 : i32
        %add3A_61 = arith.addi %mul3A_59, %add3A_60 : i32
        %add3A_62 = vector.broadcast %add3A_61 : i32 to vector<16xi32>
        %add3A_63 = arith.addi %add3A_62, %iota3A : vector<16xi32>
        %gather3A_64 = tpu.vector_load_idx %arg16[%add3A_63] : memref<2928xf32, #tpu.memory_space<vmem>>[vector<16xi32>], vector<16xf32>,
        %swap3A_65 = arith.index_cast %scan3A_37 : i32 to index
        %swap3A_66 = arith.constant 32 : index
        %swap3A_67 = tpu.vector_load %arg17[%swap3A_65, %swap3A_66] {strides = array<i32>} : memref<32x128xf32, #tpu.memory_space<vmem>>, vector<16xf32>,
        tpu.vector_store %arg17[%swap3A_65, %swap3A_66], %gather3A_64 {strides = array<i32>} : memref<32x128xf32, #tpu.memory_space<vmem>>, vector<16xf32>,
        %mul3A_68 = arith.constant 91 : i32
        %mul3A_69 = arith.muli %scan3A_37, %mul3A_68 : i32
        %add3A_70 = arith.constant 48 : i32
        %add3A_71 = arith.addi %mul3A_69, %add3A_70 : i32
        %add3A_72 = vector.broadcast %add3A_71 : i32 to vector<16xi32>
        %add3A_73 = arith.addi %add3A_72, %iota3A : vector<16xi32>
        %gather3A_74 = tpu.vector_load_idx %arg16[%add3A_73] : memref<2928xf32, #tpu.memory_space<vmem>>[vector<16xi32>], vector<16xf32>,
        %swap3A_75 = arith.index_cast %scan3A_37 : i32 to index
        %swap3A_76 = arith.constant 48 : index
        %swap3A_77 = tpu.vector_load %arg17[%swap3A_75, %swap3A_76] {strides = array<i32>} : memref<32x128xf32, #tpu.memory_space<vmem>>, vector<16xf32>,
        tpu.vector_store %arg17[%swap3A_75, %swap3A_76], %gather3A_74 {strides = array<i32>} : memref<32x128xf32, #tpu.memory_space<vmem>>, vector<16xf32>,
        %mul3A_78 = arith.constant 91 : i32
        %mul3A_79 = arith.muli %scan3A_37, %mul3A_78 : i32
        %add3A_80 = arith.constant 64 : i32
        %add3A_81 = arith.addi %mul3A_79, %add3A_80 : i32
        %add3A_82 = vector.broadcast %add3A_81 : i32 to vector<16xi32>
        %add3A_83 = arith.addi %add3A_82, %iota3A : vector<16xi32>
        %gather3A_84 = tpu.vector_load_idx %arg16[%add3A_83] : memref<2928xf32, #tpu.memory_space<vmem>>[vector<16xi32>], vector<16xf32>,
        %swap3A_85 = arith.index_cast %scan3A_37 : i32 to index
        %swap3A_86 = arith.constant 64 : index
        %swap3A_87 = tpu.vector_load %arg17[%swap3A_85, %swap3A_86] {strides = array<i32>} : memref<32x128xf32, #tpu.memory_space<vmem>>, vector<16xf32>,
        tpu.vector_store %arg17[%swap3A_85, %swap3A_86], %gather3A_84 {strides = array<i32>} : memref<32x128xf32, #tpu.memory_space<vmem>>, vector<16xf32>,
        %mul3A_88 = arith.constant 91 : i32
        %mul3A_89 = arith.muli %scan3A_37, %mul3A_88 : i32
        %add3A_90 = arith.constant 80 : i32
        %add3A_91 = arith.addi %mul3A_89, %add3A_90 : i32
        %add3A_92 = vector.broadcast %add3A_91 : i32 to vector<16xi32>
        %add3A_93 = arith.addi %add3A_92, %iota3A : vector<16xi32>
        %gather3A_94 = tpu.vector_load_idx %arg16[%add3A_93] : memref<2928xf32, #tpu.memory_space<vmem>>[vector<16xi32>], vector<16xf32>,
        %swap3A_95 = arith.index_cast %scan3A_37 : i32 to index
        %swap3A_96 = arith.constant 80 : index
        %swap3A_97 = tpu.vector_load %arg17[%swap3A_95, %swap3A_96] {strides = array<i32>} : memref<32x128xf32, #tpu.memory_space<vmem>>, vector<16xf32>,
        tpu.vector_store %arg17[%swap3A_95, %swap3A_96], %gather3A_94 {strides = array<i32>} : memref<32x128xf32, #tpu.memory_space<vmem>>, vector<16xf32>,
        %scan3A_98 = arith.constant 0 : i32
        scf.yield %scan3A_98 : i32
      }
      %scan3A_34 = arith.constant 32 : i32
      %mul3A_35 = arith.constant 32 : i32
      %mul3A_36 = arith.muli %add3A, %mul3A_35 : i32
      "tpu.region"() ({
        %run_scoped3A = tpu.sem_alloc : memref<!tpu.dma_semaphore, #tpu.memory_space<semaphore_mem>>
        %dma_start3A = arith.constant 0 : i32
        %dma_start3A_37 = arith.constant 0 : i32
        %dma_start3A_38 = tpu.memref_slice %arg17[%dma_start3A, %dma_start3A_37] : memref<32x128xf32, #tpu.memory_space<vmem>> -> memref<32x128xf32, #tpu.memory_space<vmem>>
        %dma_start3A_39 = arith.constant 0 : i32
        %dma_start3A_40 = tpu.memref_slice %arg9[%mul3A_36, %dma_start3A_39] : memref<1000x128xf32, #tpu.memory_space<hbm>> -> memref<32x128xf32, #tpu.memory_space<hbm>>
        %dma_start3A_41 = arith.constant 0 : i32
        %dma_start3A_42 = tpu.memref_slice %arg9[%mul3A_36, %dma_start3A_41] : memref<1000x128xf32, #tpu.memory_space<hbm>> -> memref<32x128xf32, #tpu.memory_space<hbm>>
        %dma_start3A_43 = arith.constant 0 : i32
        %dma_start3A_44 = arith.constant 0 : i32
        %dma_start3A_45 = tpu.memref_slice %arg17[%dma_start3A_43, %dma_start3A_44] : memref<32x128xf32, #tpu.memory_space<vmem>> -> memref<32x128xf32, #tpu.memory_space<vmem>>
        tpu.enqueue_dma source(%dma_start3A_45 : memref<32x128xf32, #tpu.memory_space<vmem>>) target(%dma_start3A_42 : memref<32x128xf32, #tpu.memory_space<hbm>>) target_semaphore(%run_scoped3A : memref<!tpu.dma_semaphore, #tpu.memory_space<semaphore_mem>>)
        %dma_wait3A = arith.constant 0 : i32
        %dma_wait3A_46 = arith.constant 0 : i32
        %dma_wait3A_47 = tpu.memref_slice %arg17[%dma_wait3A, %dma_wait3A_46] : memref<32x128xf32, #tpu.memory_space<vmem>> -> memref<32x128xf32, #tpu.memory_space<vmem>>
        %dma_wait3A_48 = arith.constant 0 : i32
        %dma_wait3A_49 = tpu.memref_slice %arg9[%mul3A_36, %dma_wait3A_48] : memref<1000x128xf32, #tpu.memory_space<hbm>> -> memref<32x128xf32, #tpu.memory_space<hbm>>
        %dma_wait3A_50 = arith.constant 0 : i32
        %dma_wait3A_51 = tpu.memref_slice %arg9[%mul3A_36, %dma_wait3A_50] : memref<1000x128xf32, #tpu.memory_space<hbm>> -> memref<32x128xf32, #tpu.memory_space<hbm>>
        %dma_wait3A_52 = arith.constant 0 : i32
        %dma_wait3A_53 = arith.constant 0 : i32
        %dma_wait3A_54 = tpu.memref_slice %arg17[%dma_wait3A_52, %dma_wait3A_53] : memref<32x128xf32, #tpu.memory_space<vmem>> -> memref<32x128xf32, #tpu.memory_space<vmem>>
        tpu.wait_dma2 semaphore(%run_scoped3A : memref<!tpu.dma_semaphore, #tpu.memory_space<semaphore_mem>>) src(%dma_wait3A_54 : memref<32x128xf32, #tpu.memory_space<vmem>>) dst(%dma_wait3A_51 : memref<32x128xf32, #tpu.memory_space<hbm>>)
        tpu.yield
      }) : () -> ()
    } else {
    }
    %eq3A = arith.constant 31 : i32
    %eq3A_17 = arith.cmpi eq, %add3A, %eq3A : i32
    %convert_element_type3A_18 = arith.extui %eq3A_17 : i1 to i32
    %cond3A_19 = arith.constant 0 : i32
    %cond3A_20 = arith.cmpi ne, %convert_element_type3A_18, %cond3A_19 : i32
    scf.if %cond3A_20 {
      %mul3A_26 = arith.constant 2912 : i32
      %mul3A_27 = arith.muli %add3A, %mul3A_26 : i32
      "tpu.region"() ({
        %run_scoped3A = tpu.sem_alloc : memref<!tpu.dma_semaphore, #tpu.memory_space<semaphore_mem>>
        %dma_start3A = arith.constant 0 : i32
        %dma_start3A_37 = tpu.memref_slice %arg16[%dma_start3A] : memref<2928xf32, #tpu.memory_space<vmem>> -> memref<728xf32, #tpu.memory_space<vmem>>
        %dma_start3A_38 = tpu.memref_slice %arg5[%mul3A_27] : memref<91000xf32, #tpu.memory_space<hbm>> -> memref<728xf32, #tpu.memory_space<hbm>>
        %dma_start3A_39 = arith.constant 0 : i32
        %dma_start3A_40 = tpu.memref_slice %arg16[%dma_start3A_39] : memref<2928xf32, #tpu.memory_space<vmem>> -> memref<728xf32, #tpu.memory_space<vmem>>
        %dma_start3A_41 = tpu.memref_slice %arg5[%mul3A_27] : memref<91000xf32, #tpu.memory_space<hbm>> -> memref<728xf32, #tpu.memory_space<hbm>>
        tpu.enqueue_dma source(%dma_start3A_41 : memref<728xf32, #tpu.memory_space<hbm>>) target(%dma_start3A_40 : memref<728xf32, #tpu.memory_space<vmem>>) target_semaphore(%run_scoped3A : memref<!tpu.dma_semaphore, #tpu.memory_space<semaphore_mem>>)
        %dma_wait3A = arith.constant 0 : i32
        %dma_wait3A_42 = tpu.memref_slice %arg16[%dma_wait3A] : memref<2928xf32, #tpu.memory_space<vmem>> -> memref<728xf32, #tpu.memory_space<vmem>>
        %dma_wait3A_43 = tpu.memref_slice %arg5[%mul3A_27] : memref<91000xf32, #tpu.memory_space<hbm>> -> memref<728xf32, #tpu.memory_space<hbm>>
        %dma_wait3A_44 = arith.constant 0 : i32
        %dma_wait3A_45 = tpu.memref_slice %arg16[%dma_wait3A_44] : memref<2928xf32, #tpu.memory_space<vmem>> -> memref<728xf32, #tpu.memory_space<vmem>>
        %dma_wait3A_46 = tpu.memref_slice %arg5[%mul3A_27] : memref<91000xf32, #tpu.memory_space<hbm>> -> memref<728xf32, #tpu.memory_space<hbm>>
        tpu.wait_dma2 semaphore(%run_scoped3A : memref<!tpu.dma_semaphore, #tpu.memory_space<semaphore_mem>>) src(%dma_wait3A_46 : memref<728xf32, #tpu.memory_space<hbm>>) dst(%dma_wait3A_45 : memref<728xf32, #tpu.memory_space<vmem>>)
        tpu.yield
      }) : () -> ()
      %scan3A_28 = arith.constant 0 : i32
      %scan3A_29 = arith.constant 0 : i32
      %scan3A_30 = arith.constant 8 : i32
      %scan3A_31 = arith.addi %scan3A_29, %scan3A_30 : i32
      %scan3A_32 = arith.constant 1 : i32
      %scan3A_33 = scf.for %scan3A_37 = %scan3A_29 to %scan3A_31 step %scan3A_32 iter_args(%scan3A_38 = %scan3A_28) -> (i32)  : i32 {
        %mul3A_39 = arith.constant 91 : i32
        %mul3A_40 = arith.muli %scan3A_37, %mul3A_39 : i32
        %add3A_41 = arith.constant 0 : i32
        %add3A_42 = arith.addi %mul3A_40, %add3A_41 : i32
        %add3A_43 = vector.broadcast %add3A_42 : i32 to vector<16xi32>
        %add3A_44 = arith.addi %add3A_43, %iota3A : vector<16xi32>
        %gather3A = tpu.vector_load_idx %arg16[%add3A_44] : memref<2928xf32, #tpu.memory_space<vmem>>[vector<16xi32>], vector<16xf32>,
        %swap3A_45 = arith.index_cast %scan3A_37 : i32 to index
        %swap3A_46 = arith.constant 0 : index
        %swap3A_47 = tpu.vector_load %arg17[%swap3A_45, %swap3A_46] {strides = array<i32>} : memref<32x128xf32, #tpu.memory_space<vmem>>, vector<16xf32>,
        tpu.vector_store %arg17[%swap3A_45, %swap3A_46], %gather3A {strides = array<i32>} : memref<32x128xf32, #tpu.memory_space<vmem>>, vector<16xf32>,
        %mul3A_48 = arith.constant 91 : i32
        %mul3A_49 = arith.muli %scan3A_37, %mul3A_48 : i32
        %add3A_50 = arith.constant 16 : i32
        %add3A_51 = arith.addi %mul3A_49, %add3A_50 : i32
        %add3A_52 = vector.broadcast %add3A_51 : i32 to vector<16xi32>
        %add3A_53 = arith.addi %add3A_52, %iota3A : vector<16xi32>
        %gather3A_54 = tpu.vector_load_idx %arg16[%add3A_53] : memref<2928xf32, #tpu.memory_space<vmem>>[vector<16xi32>], vector<16xf32>,
        %swap3A_55 = arith.index_cast %scan3A_37 : i32 to index
        %swap3A_56 = arith.constant 16 : index
        %swap3A_57 = tpu.vector_load %arg17[%swap3A_55, %swap3A_56] {strides = array<i32>} : memref<32x128xf32, #tpu.memory_space<vmem>>, vector<16xf32>,
        tpu.vector_store %arg17[%swap3A_55, %swap3A_56], %gather3A_54 {strides = array<i32>} : memref<32x128xf32, #tpu.memory_space<vmem>>, vector<16xf32>,
        %mul3A_58 = arith.constant 91 : i32
        %mul3A_59 = arith.muli %scan3A_37, %mul3A_58 : i32
        %add3A_60 = arith.constant 32 : i32
        %add3A_61 = arith.addi %mul3A_59, %add3A_60 : i32
        %add3A_62 = vector.broadcast %add3A_61 : i32 to vector<16xi32>
        %add3A_63 = arith.addi %add3A_62, %iota3A : vector<16xi32>
        %gather3A_64 = tpu.vector_load_idx %arg16[%add3A_63] : memref<2928xf32, #tpu.memory_space<vmem>>[vector<16xi32>], vector<16xf32>,
        %swap3A_65 = arith.index_cast %scan3A_37 : i32 to index
        %swap3A_66 = arith.constant 32 : index
        %swap3A_67 = tpu.vector_load %arg17[%swap3A_65, %swap3A_66] {strides = array<i32>} : memref<32x128xf32, #tpu.memory_space<vmem>>, vector<16xf32>,
        tpu.vector_store %arg17[%swap3A_65, %swap3A_66], %gather3A_64 {strides = array<i32>} : memref<32x128xf32, #tpu.memory_space<vmem>>, vector<16xf32>,
        %mul3A_68 = arith.constant 91 : i32
        %mul3A_69 = arith.muli %scan3A_37, %mul3A_68 : i32
        %add3A_70 = arith.constant 48 : i32
        %add3A_71 = arith.addi %mul3A_69, %add3A_70 : i32
        %add3A_72 = vector.broadcast %add3A_71 : i32 to vector<16xi32>
        %add3A_73 = arith.addi %add3A_72, %iota3A : vector<16xi32>
        %gather3A_74 = tpu.vector_load_idx %arg16[%add3A_73] : memref<2928xf32, #tpu.memory_space<vmem>>[vector<16xi32>], vector<16xf32>,
        %swap3A_75 = arith.index_cast %scan3A_37 : i32 to index
        %swap3A_76 = arith.constant 48 : index
        %swap3A_77 = tpu.vector_load %arg17[%swap3A_75, %swap3A_76] {strides = array<i32>} : memref<32x128xf32, #tpu.memory_space<vmem>>, vector<16xf32>,
        tpu.vector_store %arg17[%swap3A_75, %swap3A_76], %gather3A_74 {strides = array<i32>} : memref<32x128xf32, #tpu.memory_space<vmem>>, vector<16xf32>,
        %mul3A_78 = arith.constant 91 : i32
        %mul3A_79 = arith.muli %scan3A_37, %mul3A_78 : i32
        %add3A_80 = arith.constant 64 : i32
        %add3A_81 = arith.addi %mul3A_79, %add3A_80 : i32
        %add3A_82 = vector.broadcast %add3A_81 : i32 to vector<16xi32>
        %add3A_83 = arith.addi %add3A_82, %iota3A : vector<16xi32>
        %gather3A_84 = tpu.vector_load_idx %arg16[%add3A_83] : memref<2928xf32, #tpu.memory_space<vmem>>[vector<16xi32>], vector<16xf32>,
        %swap3A_85 = arith.index_cast %scan3A_37 : i32 to index
        %swap3A_86 = arith.constant 64 : index
        %swap3A_87 = tpu.vector_load %arg17[%swap3A_85, %swap3A_86] {strides = array<i32>} : memref<32x128xf32, #tpu.memory_space<vmem>>, vector<16xf32>,
        tpu.vector_store %arg17[%swap3A_85, %swap3A_86], %gather3A_84 {strides = array<i32>} : memref<32x128xf32, #tpu.memory_space<vmem>>, vector<16xf32>,
        %mul3A_88 = arith.constant 91 : i32
        %mul3A_89 = arith.muli %scan3A_37, %mul3A_88 : i32
        %add3A_90 = arith.constant 80 : i32
        %add3A_91 = arith.addi %mul3A_89, %add3A_90 : i32
        %add3A_92 = vector.broadcast %add3A_91 : i32 to vector<16xi32>
        %add3A_93 = arith.addi %add3A_92, %iota3A : vector<16xi32>
        %gather3A_94 = tpu.vector_load_idx %arg16[%add3A_93] : memref<2928xf32, #tpu.memory_space<vmem>>[vector<16xi32>], vector<16xf32>,
        %swap3A_95 = arith.index_cast %scan3A_37 : i32 to index
        %swap3A_96 = arith.constant 80 : index
        %swap3A_97 = tpu.vector_load %arg17[%swap3A_95, %swap3A_96] {strides = array<i32>} : memref<32x128xf32, #tpu.memory_space<vmem>>, vector<16xf32>,
        tpu.vector_store %arg17[%swap3A_95, %swap3A_96], %gather3A_94 {strides = array<i32>} : memref<32x128xf32, #tpu.memory_space<vmem>>, vector<16xf32>,
        %scan3A_98 = arith.constant 0 : i32
        scf.yield %scan3A_98 : i32
      }
      %scan3A_34 = arith.constant 8 : i32
      %mul3A_35 = arith.constant 32 : i32
      %mul3A_36 = arith.muli %add3A, %mul3A_35 : i32
      "tpu.region"() ({
        %run_scoped3A = tpu.sem_alloc : memref<!tpu.dma_semaphore, #tpu.memory_space<semaphore_mem>>
        %dma_start3A = arith.constant 0 : i32
        %dma_start3A_37 = arith.constant 0 : i32
        %dma_start3A_38 = tpu.memref_slice %arg17[%dma_start3A, %dma_start3A_37] : memref<32x128xf32, #tpu.memory_space<vmem>> -> memref<8x128xf32, #tpu.memory_space<vmem>>
        %dma_start3A_39 = arith.constant 0 : i32
        %dma_start3A_40 = tpu.memref_slice %arg9[%mul3A_36, %dma_start3A_39] : memref<1000x128xf32, #tpu.memory_space<hbm>> -> memref<8x128xf32, #tpu.memory_space<hbm>>
        %dma_start3A_41 = arith.constant 0 : i32
        %dma_start3A_42 = tpu.memref_slice %arg9[%mul3A_36, %dma_start3A_41] : memref<1000x128xf32, #tpu.memory_space<hbm>> -> memref<8x128xf32, #tpu.memory_space<hbm>>
        %dma_start3A_43 = arith.constant 0 : i32
        %dma_start3A_44 = arith.constant 0 : i32
        %dma_start3A_45 = tpu.memref_slice %arg17[%dma_start3A_43, %dma_start3A_44] : memref<32x128xf32, #tpu.memory_space<vmem>> -> memref<8x128xf32, #tpu.memory_space<vmem>>
        tpu.enqueue_dma source(%dma_start3A_45 : memref<8x128xf32, #tpu.memory_space<vmem>>) target(%dma_start3A_42 : memref<8x128xf32, #tpu.memory_space<hbm>>) target_semaphore(%run_scoped3A : memref<!tpu.dma_semaphore, #tpu.memory_space<semaphore_mem>>)
        %dma_wait3A = arith.constant 0 : i32
        %dma_wait3A_46 = arith.constant 0 : i32
        %dma_wait3A_47 = tpu.memref_slice %arg17[%dma_wait3A, %dma_wait3A_46] : memref<32x128xf32, #tpu.memory_space<vmem>> -> memref<8x128xf32, #tpu.memory_space<vmem>>
        %dma_wait3A_48 = arith.constant 0 : i32
        %dma_wait3A_49 = tpu.memref_slice %arg9[%mul3A_36, %dma_wait3A_48] : memref<1000x128xf32, #tpu.memory_space<hbm>> -> memref<8x128xf32, #tpu.memory_space<hbm>>
        %dma_wait3A_50 = arith.constant 0 : i32
        %dma_wait3A_51 = tpu.memref_slice %arg9[%mul3A_36, %dma_wait3A_50] : memref<1000x128xf32, #tpu.memory_space<hbm>> -> memref<8x128xf32, #tpu.memory_space<hbm>>
        %dma_wait3A_52 = arith.constant 0 : i32
        %dma_wait3A_53 = arith.constant 0 : i32
        %dma_wait3A_54 = tpu.memref_slice %arg17[%dma_wait3A_52, %dma_wait3A_53] : memref<32x128xf32, #tpu.memory_space<vmem>> -> memref<8x128xf32, #tpu.memory_space<vmem>>
        tpu.wait_dma2 semaphore(%run_scoped3A : memref<!tpu.dma_semaphore, #tpu.memory_space<semaphore_mem>>) src(%dma_wait3A_54 : memref<8x128xf32, #tpu.memory_space<vmem>>) dst(%dma_wait3A_51 : memref<8x128xf32, #tpu.memory_space<hbm>>)
        tpu.yield
      }) : () -> ()
    } else {
    }
    %eq3A_21 = arith.constant 0 : i32
    %eq3A_22 = arith.cmpi eq, %add3A, %eq3A_21 : i32
    %convert_element_type3A_23 = arith.extui %eq3A_22 : i1 to i32
    %cond3A_24 = arith.constant 0 : i32
    %cond3A_25 = arith.cmpi ne, %convert_element_type3A_23, %cond3A_24 : i32
    scf.if %cond3A_25 {
      "tpu.region"() ({
        %run_scoped3A = tpu.sem_alloc : memref<!tpu.dma_semaphore, #tpu.memory_space<semaphore_mem>>
        tpu.enqueue_dma source(%arg3 : memref<4000xf32, #tpu.memory_space<hbm>>) target(%arg13 : memref<4000xf32, #tpu.memory_space<vmem>>) target_semaphore(%run_scoped3A : memref<!tpu.dma_semaphore, #tpu.memory_space<semaphore_mem>>)
        tpu.wait_dma2 semaphore(%run_scoped3A : memref<!tpu.dma_semaphore, #tpu.memory_space<semaphore_mem>>) src(%arg3 : memref<4000xf32, #tpu.memory_space<hbm>>) dst(%arg13 : memref<4000xf32, #tpu.memory_space<vmem>>)
        tpu.yield
      }) : () -> ()
      "tpu.region"() ({
        %run_scoped3A = tpu.sem_alloc : memref<!tpu.dma_semaphore, #tpu.memory_space<semaphore_mem>>
        tpu.enqueue_dma source(%arg4 : memref<8xi32, #tpu.memory_space<hbm>>) target(%arg15 : memref<8xi32, #tpu.memory_space<vmem>>) target_semaphore(%run_scoped3A : memref<!tpu.dma_semaphore, #tpu.memory_space<semaphore_mem>>)
        tpu.wait_dma2 semaphore(%run_scoped3A : memref<!tpu.dma_semaphore, #tpu.memory_space<semaphore_mem>>) src(%arg4 : memref<8xi32, #tpu.memory_space<hbm>>) dst(%arg15 : memref<8xi32, #tpu.memory_space<vmem>>)
        tpu.yield
      }) : () -> ()
      %jit3A = arith.constant 2 : i32
      %eq3A_26 = arith.constant 0 : i32
      %eq3A_27 = arith.cmpi eq, %jit3A, %eq3A_26 : i32
      %jit3A_28 = arith.constant 1 : i32
      %select_n3A = arith.select %eq3A_27, %jit3A_28, %jit3A : i32
      %rem3A = vector.broadcast %select_n3A : i32 to vector<16xi32>
      %rem3A_29 = arith.remsi %iota3A, %rem3A : vector<16xi32>
      %ne3A = arith.constant 0 : i32
      %ne3A_30 = vector.broadcast %ne3A : i32 to vector<16xi32>
      %ne3A_31 = arith.cmpi ne, %rem3A_29, %ne3A_30 : vector<16xi32>
      %lt3A_32 = arith.constant 0 : i32
      %lt3A_33 = vector.broadcast %lt3A_32 : i32 to vector<16xi32>
      %lt3A_34 = arith.cmpi slt, %rem3A_29, %lt3A_33 : vector<16xi32>
      %lt3A_35 = arith.constant 0 : i32
      %lt3A_36 = arith.cmpi slt, %select_n3A, %lt3A_35 : i32
      %ne3A_37 = vector.broadcast %lt3A_36 : i1 to vector<16xi1>
      %ne3A_38 = vector.broadcast %ne3A_37 : vector<16xi1> to vector<16xi1>
      %ne3A_39 = arith.xori %lt3A_34, %ne3A_38 : vector<16xi1>
      %and3A = arith.andi %ne3A_39, %ne3A_31 : vector<16xi1>
      %add3A_40 = vector.broadcast %select_n3A : i32 to vector<16xi32>
      %add3A_41 = arith.addi %rem3A_29, %add3A_40 : vector<16xi32>
      %select_n3A_42 = arith.select %and3A, %add3A_41, %rem3A_29 : vector<16xi1>, vector<16xi32>
      %eq3A_43 = arith.constant 0 : i32
      %eq3A_44 = vector.broadcast %eq3A_43 : i32 to vector<16xi32>
      %eq3A_45 = arith.cmpi eq, %select_n3A_42, %eq3A_44 : vector<16xi32>
      %jit3A_46 = arith.constant 1 : i32
      %jit3A_47 = arith.constant 0 : i32
      %broadcast_in_dim3A_48 = vector.broadcast %jit3A_46 : i32 to vector<16xi32>
      %broadcast_in_dim3A_49 = vector.broadcast %jit3A_47 : i32 to vector<16xi32>
      %select_n3A_50 = arith.select %eq3A_45, %broadcast_in_dim3A_48, %broadcast_in_dim3A_49 : vector<16xi1>, vector<16xi32>
      %gather3A = tpu.vector_load_idx %arg15[%select_n3A_50] : memref<8xi32, #tpu.memory_space<vmem>>[vector<16xi32>], vector<16xi32>,
      %convert_element_type3A_51 = arith.sitofp %gather3A : vector<16xi32> to vector<16xf32>
      %jit3A_52 = arith.constant 4 : i32
      %div3A = vector.broadcast %jit3A_52 : i32 to vector<16xi32>
      %div3A_53 = arith.divsi %iota3A, %div3A : vector<16xi32>
      %sign3A = arith.constant 0 : i32
      %sign3A_54 = vector.broadcast %sign3A : i32 to vector<16xi32>
      %sign3A_55 = arith.cmpi sgt, %iota3A, %sign3A_54 : vector<16xi32>
      %sign3A_56 = arith.extui %sign3A_55 : vector<16xi1> to vector<16xi32>
      %sign3A_57 = arith.constant 0 : i32
      %sign3A_58 = vector.broadcast %sign3A_57 : i32 to vector<16xi32>
      %sign3A_59 = arith.cmpi slt, %iota3A, %sign3A_58 : vector<16xi32>
      %sign3A_60 = arith.extui %sign3A_59 : vector<16xi1> to vector<16xi32>
      %sign3A_61 = arith.subi %sign3A_56, %sign3A_60 : vector<16xi32>
      %sign3A_62 = arith.constant 0 : i32
      %sign3A_63 = arith.cmpi sgt, %jit3A_52, %sign3A_62 : i32
      %sign3A_64 = arith.extui %sign3A_63 : i1 to i32
      %sign3A_65 = arith.constant 0 : i32
      %sign3A_66 = arith.cmpi slt, %jit3A_52, %sign3A_65 : i32
      %sign3A_67 = arith.extui %sign3A_66 : i1 to i32
      %sign3A_68 = arith.subi %sign3A_64, %sign3A_67 : i32
      %ne3A_69 = vector.broadcast %sign3A_68 : i32 to vector<16xi32>
      %ne3A_70 = arith.cmpi ne, %sign3A_61, %ne3A_69 : vector<16xi32>
      %rem3A_71 = vector.broadcast %jit3A_52 : i32 to vector<16xi32>
      %rem3A_72 = arith.remsi %iota3A, %rem3A_71 : vector<16xi32>
      %ne3A_73 = arith.constant 0 : i32
      %ne3A_74 = vector.broadcast %ne3A_73 : i32 to vector<16xi32>
      %ne3A_75 = arith.cmpi ne, %rem3A_72, %ne3A_74 : vector<16xi32>
      %and3A_76 = arith.andi %ne3A_70, %ne3A_75 : vector<16xi1>
      %sub3A = arith.constant 1 : i32
      %sub3A_77 = vector.broadcast %sub3A : i32 to vector<16xi32>
      %sub3A_78 = arith.subi %div3A_53, %sub3A_77 : vector<16xi32>
      %select_n3A_79 = arith.select %and3A_76, %sub3A_78, %div3A_53 : vector<16xi1>, vector<16xi32>
      %mul3A_80 = arith.constant 4 : i32
      %mul3A_81 = vector.broadcast %mul3A_80 : i32 to vector<16xi32>
      %mul3A_82 = arith.muli %select_n3A_79, %mul3A_81 : vector<16xi32>
      %jit3A_83 = arith.constant 2 : i32
      %eq3A_84 = arith.constant 0 : i32
      %eq3A_85 = arith.cmpi eq, %jit3A_83, %eq3A_84 : i32
      %jit3A_86 = arith.constant 1 : i32
      %select_n3A_87 = arith.select %eq3A_85, %jit3A_86, %jit3A_83 : i32
      %rem3A_88 = vector.broadcast %select_n3A_87 : i32 to vector<16xi32>
      %rem3A_89 = arith.remsi %iota3A, %rem3A_88 : vector<16xi32>
      %ne3A_90 = arith.constant 0 : i32
      %ne3A_91 = vector.broadcast %ne3A_90 : i32 to vector<16xi32>
      %ne3A_92 = arith.cmpi ne, %rem3A_89, %ne3A_91 : vector<16xi32>
      %lt3A_93 = arith.constant 0 : i32
      %lt3A_94 = vector.broadcast %lt3A_93 : i32 to vector<16xi32>
      %lt3A_95 = arith.cmpi slt, %rem3A_89, %lt3A_94 : vector<16xi32>
      %lt3A_96 = arith.constant 0 : i32
      %lt3A_97 = arith.cmpi slt, %select_n3A_87, %lt3A_96 : i32
      %ne3A_98 = vector.broadcast %lt3A_97 : i1 to vector<16xi1>
      %ne3A_99 = vector.broadcast %ne3A_98 : vector<16xi1> to vector<16xi1>
      %ne3A_100 = arith.xori %lt3A_95, %ne3A_99 : vector<16xi1>
      %and3A_101 = arith.andi %ne3A_100, %ne3A_92 : vector<16xi1>
      %add3A_102 = vector.broadcast %select_n3A_87 : i32 to vector<16xi32>
      %add3A_103 = arith.addi %rem3A_89, %add3A_102 : vector<16xi32>
      %select_n3A_104 = arith.select %and3A_101, %add3A_103, %rem3A_89 : vector<16xi1>, vector<16xi32>
      %add3A_105 = arith.addi %mul3A_82, %select_n3A_104 : vector<16xi32>
      %jit3A_106 = arith.constant 4 : i32
      %eq3A_107 = arith.constant 0 : i32
      %eq3A_108 = arith.cmpi eq, %jit3A_106, %eq3A_107 : i32
      %jit3A_109 = arith.constant 1 : i32
      %select_n3A_110 = arith.select %eq3A_108, %jit3A_109, %jit3A_106 : i32
      %rem3A_111 = vector.broadcast %select_n3A_110 : i32 to vector<16xi32>
      %rem3A_112 = arith.remsi %iota3A, %rem3A_111 : vector<16xi32>
      %ne3A_113 = arith.constant 0 : i32
      %ne3A_114 = vector.broadcast %ne3A_113 : i32 to vector<16xi32>
      %ne3A_115 = arith.cmpi ne, %rem3A_112, %ne3A_114 : vector<16xi32>
      %lt3A_116 = arith.constant 0 : i32
      %lt3A_117 = vector.broadcast %lt3A_116 : i32 to vector<16xi32>
      %lt3A_118 = arith.cmpi slt, %rem3A_112, %lt3A_117 : vector<16xi32>
      %lt3A_119 = arith.constant 0 : i32
      %lt3A_120 = arith.cmpi slt, %select_n3A_110, %lt3A_119 : i32
      %ne3A_121 = vector.broadcast %lt3A_120 : i1 to vector<16xi1>
      %ne3A_122 = vector.broadcast %ne3A_121 : vector<16xi1> to vector<16xi1>
      %ne3A_123 = arith.xori %lt3A_118, %ne3A_122 : vector<16xi1>
      %and3A_124 = arith.andi %ne3A_123, %ne3A_115 : vector<16xi1>
      %add3A_125 = vector.broadcast %select_n3A_110 : i32 to vector<16xi32>
      %add3A_126 = arith.addi %rem3A_112, %add3A_125 : vector<16xi32>
      %select_n3A_127 = arith.select %and3A_124, %add3A_126, %rem3A_112 : vector<16xi1>, vector<16xi32>
      %lt3A_128 = arith.constant 2 : i32
      %lt3A_129 = vector.broadcast %lt3A_128 : i32 to vector<16xi32>
      %lt3A_130 = arith.cmpi slt, %select_n3A_127, %lt3A_129 : vector<16xi32>
      %jit3A_131 = arith.constant -5.000000e-01 : f32
      %jit3A_132 = arith.constant 5.000000e-01 : f32
      %broadcast_in_dim3A_133 = vector.broadcast %jit3A_131 : f32 to vector<16xf32>
      %broadcast_in_dim3A_134 = vector.broadcast %jit3A_132 : f32 to vector<16xf32>
      %select_n3A_135 = arith.select %lt3A_130, %broadcast_in_dim3A_133, %broadcast_in_dim3A_134 : vector<16xi1>, vector<16xf32>
      %scan3A_136 = arith.constant 0 : i32
      %scan3A_137 = arith.constant 0 : i32
      %scan3A_138 = arith.constant 250 : i32
      %scan3A_139 = arith.addi %scan3A_137, %scan3A_138 : i32
      %scan3A_140 = arith.constant 1 : i32
      %scan3A_141 = scf.for %scan3A_143 = %scan3A_137 to %scan3A_139 step %scan3A_140 iter_args(%scan3A_144 = %scan3A_136) -> (i32)  : i32 {
        %mul3A_145 = arith.constant 16 : i32
        %mul3A_146 = arith.muli %scan3A_143, %mul3A_145 : i32
        %add3A_147 = vector.broadcast %mul3A_146 : i32 to vector<16xi32>
        %add3A_148 = arith.addi %add3A_147, %add3A_105 : vector<16xi32>
        %gather3A_149 = tpu.vector_load_idx %arg13[%add3A_148] : memref<4000xf32, #tpu.memory_space<vmem>>[vector<16xi32>], vector<16xf32>,
        %add3A_150 = vector.broadcast %mul3A_146 : i32 to vector<16xi32>
        %add3A_151 = arith.addi %add3A_150, %add3A_105 : vector<16xi32>
        %add3A_152 = arith.constant 2 : i32
        %add3A_153 = vector.broadcast %add3A_152 : i32 to vector<16xi32>
        %add3A_154 = arith.addi %add3A_151, %add3A_153 : vector<16xi32>
        %gather3A_155 = tpu.vector_load_idx %arg13[%add3A_154] : memref<4000xf32, #tpu.memory_space<vmem>>[vector<16xi32>], vector<16xf32>,
        %mul3A_156 = arith.mulf %select_n3A_135, %gather3A_155 : vector<16xf32>
        %add3A_157 = arith.addf %gather3A_149, %mul3A_156 : vector<16xf32>
        %mul3A_158 = arith.mulf %add3A_157, %convert_element_type3A_51 : vector<16xf32>
        %swap3A_159 = arith.index_cast %mul3A_146 : i32 to index
        %swap3A_160 = tpu.vector_load %arg14[%swap3A_159] {strides = array<i32>} : memref<4000xf32, #tpu.memory_space<vmem>>, vector<16xf32>,
        tpu.vector_store %arg14[%swap3A_159], %mul3A_158 {strides = array<i32>} : memref<4000xf32, #tpu.memory_space<vmem>>, vector<16xf32>,
        %scan3A_161 = arith.constant 0 : i32
        scf.yield %scan3A_161 : i32
      }
      %scan3A_142 = arith.constant 250 : i32
      "tpu.region"() ({
        %run_scoped3A = tpu.sem_alloc : memref<!tpu.dma_semaphore, #tpu.memory_space<semaphore_mem>>
        tpu.enqueue_dma source(%arg14 : memref<4000xf32, #tpu.memory_space<vmem>>) target(%arg8 : memref<4000xf32, #tpu.memory_space<hbm>>) target_semaphore(%run_scoped3A : memref<!tpu.dma_semaphore, #tpu.memory_space<semaphore_mem>>)
        tpu.wait_dma2 semaphore(%run_scoped3A : memref<!tpu.dma_semaphore, #tpu.memory_space<semaphore_mem>>) src(%arg14 : memref<4000xf32, #tpu.memory_space<vmem>>) dst(%arg8 : memref<4000xf32, #tpu.memory_space<hbm>>)
        tpu.yield
      }) : () -> ()
    } else {
    }
    return
  }
}

#map = affine_map<(d0, d1) -> (0)>
#map1 = affine_map<(d0, d1) -> (0, 0)>
module attributes {stable_mosaic.version = 14 : i64} {
  func.func @_gather_body(%arg0: i32, %arg1: i32, %arg2: memref<91136xi32, #tpu.memory_space<hbm>>, %arg3: memref<256xi32, #tpu.memory_space<hbm>>, %arg4: memref<91136xf32, #tpu.memory_space<hbm>>, %arg5: memref<4000xf32, #tpu.memory_space<hbm>>, %arg6: memref<4000xf32, #tpu.memory_space<hbm>>, %arg7: memref<1000x128xf32, #tpu.memory_space<hbm>>, %arg8: memref<1000x256xf32, #tpu.memory_space<hbm>>, %arg9: memref<91000xf32, #tpu.memory_space<hbm>>, %arg10: memref<91000xi32, #tpu.memory_space<hbm>>, %arg11: memref<364000xf32, #tpu.memory_space<hbm>>, %arg12: memref<364000xf32, #tpu.memory_space<hbm>>, %arg13: memref<91000x128xf32, #tpu.memory_space<hbm>>, %arg14: memref<91000x256xf32, #tpu.memory_space<hbm>>, %arg15: memref<256xi32, #tpu.memory_space<vmem>>, %arg16: memref<32xi32, #tpu.memory_space<vmem>>, %arg17: memref<23x128xi32, #tpu.memory_space<vmem>>, %arg18: memref<2944xi32, #tpu.memory_space<vmem>>, %arg19: memref<23x128xi32, #tpu.memory_space<vmem>>, %arg20: memref<23x128xi32, #tpu.memory_space<vmem>>, %arg21: memref<2944xi32, #tpu.memory_space<vmem>>, %arg22: memref<2944xf32, #tpu.memory_space<vmem>>, %arg23: memref<4000xf32, #tpu.memory_space<vmem>>, %arg24: memref<4000xf32, #tpu.memory_space<vmem>>, %arg25: memref<11392xf32, #tpu.memory_space<vmem>>, %arg26: memref<11392xf32, #tpu.memory_space<vmem>>, %arg27: memref<128x256xf32, #tpu.memory_space<vmem>>, %arg28: memref<128x128xf32, #tpu.memory_space<vmem>>, %arg29: memref<!tpu.dma_semaphore, #tpu.memory_space<semaphore_mem>>) attributes {dimension_semantics = [#tpu.dimension_semantics<core_parallel>, #tpu.dimension_semantics<subcore_parallel>], iteration_bounds = array<i64: 2, 16>, scalar_prefetch = 0 : i64, scratch_operands = 15 : i64, tpu.core_type = #tpu.core_type<sc_vector_subcore>, window_params = [{transform_indices = #map}, {transform_indices = #map}, {transform_indices = #map}, {transform_indices = #map}, {transform_indices = #map}, {transform_indices = #map1}, {transform_indices = #map1}, {transform_indices = #map}, {transform_indices = #map}, {transform_indices = #map}, {transform_indices = #map}, {transform_indices = #map1}, {transform_indices = #map1}]} {
    %mul3A = arith.constant 2 : i32
    %mul3A_0 = arith.muli %arg1, %mul3A : i32
    %add3A = arith.addi %mul3A_0, %arg0 : i32
    %mul3A_1 = arith.constant 2848 : i32
    %mul3A_2 = arith.muli %add3A, %mul3A_1 : i32
    %iota3A = tpu.iota {dimensions = array<i32: 0>} : vector<16xi32>
    "tpu.region"() ({
      %run_scoped3A = tpu.sem_alloc : memref<!tpu.dma_semaphore, #tpu.memory_space<semaphore_mem>>
      tpu.enqueue_dma source(%arg3 : memref<256xi32, #tpu.memory_space<hbm>>) target(%arg15 : memref<256xi32, #tpu.memory_space<vmem>>) target_semaphore(%run_scoped3A : memref<!tpu.dma_semaphore, #tpu.memory_space<semaphore_mem>>)
      tpu.wait_dma2 semaphore(%run_scoped3A : memref<!tpu.dma_semaphore, #tpu.memory_space<semaphore_mem>>) src(%arg3 : memref<256xi32, #tpu.memory_space<hbm>>) dst(%arg15 : memref<256xi32, #tpu.memory_space<vmem>>)
      tpu.yield
    }) : () -> ()
    %mul3A_3 = arith.constant 8 : i32
    %mul3A_4 = vector.broadcast %mul3A_3 : i32 to vector<16xi32>
    %mul3A_5 = arith.muli %iota3A, %mul3A_4 : vector<16xi32>
    %gather3A = tpu.vector_load_idx %arg15[%mul3A_5] : memref<256xi32, #tpu.memory_space<vmem>>[vector<16xi32>], vector<16xi32>,
    %mul3A_6 = arith.constant 8 : i32
    %mul3A_7 = vector.broadcast %mul3A_6 : i32 to vector<16xi32>
    %mul3A_8 = arith.muli %iota3A, %mul3A_7 : vector<16xi32>
    %add3A_9 = arith.constant 128 : i32
    %add3A_10 = vector.broadcast %add3A_9 : i32 to vector<16xi32>
    %add3A_11 = arith.addi %add3A_10, %mul3A_8 : vector<16xi32>
    %gather3A_12 = tpu.vector_load_idx %arg15[%add3A_11] : memref<256xi32, #tpu.memory_space<vmem>>[vector<16xi32>], vector<16xi32>,
    %reduce_sum3A = arith.constant true
    %reduce_sum3A_13 = vector.broadcast %reduce_sum3A : i1 to vector<16xi1>
    %reduce_sum3A_14 = tpu.scan <sum>, %gather3A masked %reduce_sum3A_13 : vector<16xi32>, vector<16xi1> -> vector<16xi32>
    %reduce_sum3A_15 = vector.extract %reduce_sum3A_14[15] : i32 from vector<16xi32>
    %reduce_sum3A_16 = arith.constant true
    %reduce_sum3A_17 = vector.broadcast %reduce_sum3A_16 : i1 to vector<16xi1>
    %reduce_sum3A_18 = tpu.scan <sum>, %gather3A_12 masked %reduce_sum3A_17 : vector<16xi32>, vector<16xi1> -> vector<16xi32>
    %reduce_sum3A_19 = vector.extract %reduce_sum3A_18[15] : i32 from vector<16xi32>
    %add3A_20 = arith.addi %reduce_sum3A_15, %reduce_sum3A_19 : i32
    %broadcast_in_dim3A = arith.constant true
    %broadcast_in_dim3A_21 = vector.broadcast %broadcast_in_dim3A : i1 to vector<16xi1>
    %masked_cumsum3A = tpu.scan <sum>, %gather3A masked %broadcast_in_dim3A_21 : vector<16xi32>, vector<16xi1> -> vector<16xi32>
    %sub3A = arith.subi %masked_cumsum3A, %gather3A : vector<16xi32>
    %broadcast_in_dim3A_22 = arith.constant true
    %broadcast_in_dim3A_23 = vector.broadcast %broadcast_in_dim3A_22 : i1 to vector<16xi1>
    %masked_cumsum3A_24 = tpu.scan <sum>, %gather3A_12 masked %broadcast_in_dim3A_23 : vector<16xi32>, vector<16xi1> -> vector<16xi32>
    %sub3A_25 = arith.subi %masked_cumsum3A_24, %gather3A_12 : vector<16xi32>
    %add3A_26 = vector.broadcast %reduce_sum3A_15 : i32 to vector<16xi32>
    %add3A_27 = arith.addi %sub3A_25, %add3A_26 : vector<16xi32>
    %swap3A = arith.constant 0 : index
    %swap3A_28 = tpu.vector_load %arg16[%swap3A] {strides = array<i32>} : memref<32xi32, #tpu.memory_space<vmem>>, vector<16xi32>,
    tpu.vector_store %arg16[%swap3A], %sub3A {strides = array<i32>} : memref<32xi32, #tpu.memory_space<vmem>>, vector<16xi32>,
    %swap3A_29 = arith.constant 16 : index
    %swap3A_30 = tpu.vector_load %arg16[%swap3A_29] {strides = array<i32>} : memref<32xi32, #tpu.memory_space<vmem>>, vector<16xi32>,
    tpu.vector_store %arg16[%swap3A_29], %add3A_27 {strides = array<i32>} : memref<32xi32, #tpu.memory_space<vmem>>, vector<16xi32>,
    "tpu.region"() ({
      %run_scoped3A = tpu.sem_alloc : memref<!tpu.dma_semaphore, #tpu.memory_space<semaphore_mem>>
      tpu.enqueue_dma source(%arg5 : memref<4000xf32, #tpu.memory_space<hbm>>) target(%arg23 : memref<4000xf32, #tpu.memory_space<vmem>>) target_semaphore(%run_scoped3A : memref<!tpu.dma_semaphore, #tpu.memory_space<semaphore_mem>>)
      tpu.wait_dma2 semaphore(%run_scoped3A : memref<!tpu.dma_semaphore, #tpu.memory_space<semaphore_mem>>) src(%arg5 : memref<4000xf32, #tpu.memory_space<hbm>>) dst(%arg23 : memref<4000xf32, #tpu.memory_space<vmem>>)
      tpu.yield
    }) : () -> ()
    "tpu.region"() ({
      %run_scoped3A = tpu.sem_alloc : memref<!tpu.dma_semaphore, #tpu.memory_space<semaphore_mem>>
      tpu.enqueue_dma source(%arg6 : memref<4000xf32, #tpu.memory_space<hbm>>) target(%arg24 : memref<4000xf32, #tpu.memory_space<vmem>>) target_semaphore(%run_scoped3A : memref<!tpu.dma_semaphore, #tpu.memory_space<semaphore_mem>>)
      tpu.wait_dma2 semaphore(%run_scoped3A : memref<!tpu.dma_semaphore, #tpu.memory_space<semaphore_mem>>) src(%arg6 : memref<4000xf32, #tpu.memory_space<hbm>>) dst(%arg24 : memref<4000xf32, #tpu.memory_space<vmem>>)
      tpu.yield
    }) : () -> ()
    %scan3A = arith.constant 0 : i32
    %scan3A_31 = arith.constant 0 : i32
    %scan3A_32 = arith.constant 184 : i32
    %scan3A_33 = arith.addi %scan3A_31, %scan3A_32 : i32
    %scan3A_34 = arith.constant 1 : i32
    %scan3A_35 = scf.for %scan3A_72 = %scan3A_31 to %scan3A_33 step %scan3A_34 iter_args(%scan3A_73 = %scan3A) -> (i32)  : i32 {
      %mul3A_74 = arith.constant 16 : i32
      %mul3A_75 = arith.muli %scan3A_72, %mul3A_74 : i32
      %add3A_76 = arith.addi %mul3A_2, %mul3A_75 : i32
      %add3A_77 = vector.broadcast %add3A_76 : i32 to vector<16xi32>
      %add3A_78 = arith.addi %add3A_77, %iota3A : vector<16xi32>
      %broadcast_in_dim3A_79 = arith.constant 0 : i32
      %broadcast_in_dim3A_80 = vector.broadcast %broadcast_in_dim3A_79 : i32 to vector<16xi32>
      %add3A_81 = arith.constant 16 : i32
      %add3A_82 = vector.broadcast %add3A_81 : i32 to vector<16xi32>
      %add3A_83 = arith.addi %broadcast_in_dim3A_80, %add3A_82 : vector<16xi32>
      %gather3A_84 = tpu.vector_load_idx %arg16[%add3A_83] : memref<32xi32, #tpu.memory_space<vmem>>[vector<16xi32>], vector<16xi32>,
      %le3A = arith.cmpi sle, %gather3A_84, %add3A_78 : vector<16xi32>
      %select_n3A = arith.select %le3A, %add3A_83, %broadcast_in_dim3A_80 : vector<16xi1>, vector<16xi32>
      %add3A_85 = arith.constant 8 : i32
      %add3A_86 = vector.broadcast %add3A_85 : i32 to vector<16xi32>
      %add3A_87 = arith.addi %select_n3A, %add3A_86 : vector<16xi32>
      %gather3A_88 = tpu.vector_load_idx %arg16[%add3A_87] : memref<32xi32, #tpu.memory_space<vmem>>[vector<16xi32>], vector<16xi32>,
      %le3A_89 = arith.cmpi sle, %gather3A_88, %add3A_78 : vector<16xi32>
      %select_n3A_90 = arith.select %le3A_89, %add3A_87, %select_n3A : vector<16xi1>, vector<16xi32>
      %add3A_91 = arith.constant 4 : i32
      %add3A_92 = vector.broadcast %add3A_91 : i32 to vector<16xi32>
      %add3A_93 = arith.addi %select_n3A_90, %add3A_92 : vector<16xi32>
      %gather3A_94 = tpu.vector_load_idx %arg16[%add3A_93] : memref<32xi32, #tpu.memory_space<vmem>>[vector<16xi32>], vector<16xi32>,
      %le3A_95 = arith.cmpi sle, %gather3A_94, %add3A_78 : vector<16xi32>
      %select_n3A_96 = arith.select %le3A_95, %add3A_93, %select_n3A_90 : vector<16xi1>, vector<16xi32>
      %add3A_97 = arith.constant 2 : i32
      %add3A_98 = vector.broadcast %add3A_97 : i32 to vector<16xi32>
      %add3A_99 = arith.addi %select_n3A_96, %add3A_98 : vector<16xi32>
      %gather3A_100 = tpu.vector_load_idx %arg16[%add3A_99] : memref<32xi32, #tpu.memory_space<vmem>>[vector<16xi32>], vector<16xi32>,
      %le3A_101 = arith.cmpi sle, %gather3A_100, %add3A_78 : vector<16xi32>
      %select_n3A_102 = arith.select %le3A_101, %add3A_99, %select_n3A_96 : vector<16xi1>, vector<16xi32>
      %add3A_103 = arith.constant 1 : i32
      %add3A_104 = vector.broadcast %add3A_103 : i32 to vector<16xi32>
      %add3A_105 = arith.addi %select_n3A_102, %add3A_104 : vector<16xi32>
      %gather3A_106 = tpu.vector_load_idx %arg16[%add3A_105] : memref<32xi32, #tpu.memory_space<vmem>>[vector<16xi32>], vector<16xi32>,
      %le3A_107 = arith.cmpi sle, %gather3A_106, %add3A_78 : vector<16xi32>
      %select_n3A_108 = arith.select %le3A_107, %add3A_105, %select_n3A_102 : vector<16xi1>, vector<16xi32>
      %gather3A_109 = tpu.vector_load_idx %arg16[%select_n3A_108] : memref<32xi32, #tpu.memory_space<vmem>>[vector<16xi32>], vector<16xi32>,
      %mul3A_110 = arith.constant 2848 : i32
      %mul3A_111 = vector.broadcast %mul3A_110 : i32 to vector<16xi32>
      %mul3A_112 = arith.muli %select_n3A_108, %mul3A_111 : vector<16xi32>
      %sub3A_113 = arith.subi %add3A_78, %gather3A_109 : vector<16xi32>
      %add3A_114 = arith.addi %mul3A_112, %sub3A_113 : vector<16xi32>
      %lt3A_115 = vector.broadcast %add3A_20 : i32 to vector<16xi32>
      %lt3A_116 = arith.cmpi slt, %add3A_78, %lt3A_115 : vector<16xi32>
      %jit3A = arith.constant 0 : i32
      %broadcast_in_dim3A_117 = vector.broadcast %jit3A : i32 to vector<16xi32>
      %select_n3A_118 = arith.select %lt3A_116, %add3A_114, %broadcast_in_dim3A_117 : vector<16xi1>, vector<16xi32>
      %jit3A_119 = arith.constant 8 : i32
      %div3A = arith.divsi %scan3A_72, %jit3A_119 : i32
      %sign3A = arith.constant 0 : i32
      %sign3A_120 = arith.cmpi sgt, %scan3A_72, %sign3A : i32
      %sign3A_121 = arith.extui %sign3A_120 : i1 to i32
      %sign3A_122 = arith.constant 0 : i32
      %sign3A_123 = arith.cmpi slt, %scan3A_72, %sign3A_122 : i32
      %sign3A_124 = arith.extui %sign3A_123 : i1 to i32
      %sign3A_125 = arith.subi %sign3A_121, %sign3A_124 : i32
      %sign3A_126 = arith.constant 0 : i32
      %sign3A_127 = arith.cmpi sgt, %jit3A_119, %sign3A_126 : i32
      %sign3A_128 = arith.extui %sign3A_127 : i1 to i32
      %sign3A_129 = arith.constant 0 : i32
      %sign3A_130 = arith.cmpi slt, %jit3A_119, %sign3A_129 : i32
      %sign3A_131 = arith.extui %sign3A_130 : i1 to i32
      %sign3A_132 = arith.subi %sign3A_128, %sign3A_131 : i32
      %ne3A = arith.cmpi ne, %sign3A_125, %sign3A_132 : i32
      %rem3A = arith.remsi %scan3A_72, %jit3A_119 : i32
      %ne3A_133 = arith.constant 0 : i32
      %ne3A_134 = arith.cmpi ne, %rem3A, %ne3A_133 : i32
      %and3A = arith.andi %ne3A, %ne3A_134 : i1
      %sub3A_135 = arith.constant 1 : i32
      %sub3A_136 = arith.subi %div3A, %sub3A_135 : i32
      %select_n3A_137 = arith.select %and3A, %sub3A_136, %div3A : i32
      %jit3A_138 = arith.constant 8 : i32
      %eq3A_139 = arith.constant 0 : i32
      %eq3A_140 = arith.cmpi eq, %jit3A_138, %eq3A_139 : i32
      %jit3A_141 = arith.constant 1 : i32
      %select_n3A_142 = arith.select %eq3A_140, %jit3A_141, %jit3A_138 : i32
      %rem3A_143 = arith.remsi %scan3A_72, %select_n3A_142 : i32
      %ne3A_144 = arith.constant 0 : i32
      %ne3A_145 = arith.cmpi ne, %rem3A_143, %ne3A_144 : i32
      %lt3A_146 = arith.constant 0 : i32
      %lt3A_147 = arith.cmpi slt, %rem3A_143, %lt3A_146 : i32
      %lt3A_148 = arith.constant 0 : i32
      %lt3A_149 = arith.cmpi slt, %select_n3A_142, %lt3A_148 : i32
      %ne3A_150 = arith.xori %lt3A_147, %lt3A_149 : i1
      %and3A_151 = arith.andi %ne3A_150, %ne3A_145 : i1
      %add3A_152 = arith.addi %rem3A_143, %select_n3A_142 : i32
      %select_n3A_153 = arith.select %and3A_151, %add3A_152, %rem3A_143 : i32
      %mul3A_154 = arith.constant 16 : i32
      %mul3A_155 = arith.muli %select_n3A_153, %mul3A_154 : i32
      %swap3A_156 = arith.index_cast %select_n3A_137 : i32 to index
      %swap3A_157 = arith.index_cast %mul3A_155 : i32 to index
      %swap3A_158 = tpu.vector_load %arg17[%swap3A_156, %swap3A_157] {strides = array<i32>} : memref<23x128xi32, #tpu.memory_space<vmem>>, vector<16xi32>,
      tpu.vector_store %arg17[%swap3A_156, %swap3A_157], %select_n3A_118 {strides = array<i32>} : memref<23x128xi32, #tpu.memory_space<vmem>>, vector<16xi32>,
      %scan3A_159 = arith.constant 0 : i32
      scf.yield %scan3A_159 : i32
    }
    %scan3A_36 = arith.constant 184 : i32
    %scan3A_37 = arith.constant 0 : i32
    %scan3A_38 = arith.constant 0 : i32
    %scan3A_39 = arith.constant 23 : i32
    %scan3A_40 = arith.addi %scan3A_38, %scan3A_39 : i32
    %scan3A_41 = arith.constant 1 : i32
    %scan3A_42 = scf.for %scan3A_72 = %scan3A_38 to %scan3A_40 step %scan3A_41 iter_args(%scan3A_73 = %scan3A_37) -> (i32)  : i32 {
      %mul3A_74 = arith.constant 128 : i32
      %mul3A_75 = arith.muli %scan3A_72, %mul3A_74 : i32
      %dma_start3A = tpu.memref_slice %arg18[%mul3A_75] : memref<2944xi32, #tpu.memory_space<vmem>> -> memref<128xi32, #tpu.memory_space<vmem>>
      %dma_start3A_76 = arith.constant 0 : i32
      %dma_start3A_77 = tpu.memref_slice %arg17[%scan3A_72, %dma_start3A_76] : memref<23x128xi32, #tpu.memory_space<vmem>> -> memref<1x128xi32, #tpu.memory_space<vmem>>
      %dma_start3A_78 = tpu.memref_squeeze %dma_start3A_77 : memref<1x128xi32, #tpu.memory_space<vmem>> -> memref<128xi32, #tpu.memory_space<vmem>>
      %dma_start3A_79 = arith.constant 0 : i32
      %dma_start3A_80 = tpu.memref_slice %arg2[%dma_start3A_79] : memref<91136xi32, #tpu.memory_space<hbm>> -> memref<91136xi32, #tpu.memory_space<hbm>>
      tpu.enqueue_indirect_dma source(%dma_start3A_80 : memref<91136xi32, #tpu.memory_space<hbm>>) target(%dma_start3A : memref<128xi32, #tpu.memory_space<vmem>>) offsets(%dma_start3A_78 : memref<128xi32, #tpu.memory_space<vmem>>) semaphore(%arg29 : memref<!tpu.dma_semaphore, #tpu.memory_space<semaphore_mem>>)
      %dma_wait3A = tpu.memref_slice %arg18[%mul3A_75] : memref<2944xi32, #tpu.memory_space<vmem>> -> memref<128xi32, #tpu.memory_space<vmem>>
      %dma_wait3A_81 = arith.constant 0 : i32
      %dma_wait3A_82 = tpu.memref_slice %arg17[%scan3A_72, %dma_wait3A_81] : memref<23x128xi32, #tpu.memory_space<vmem>> -> memref<1x128xi32, #tpu.memory_space<vmem>>
      %dma_wait3A_83 = tpu.memref_squeeze %dma_wait3A_82 : memref<1x128xi32, #tpu.memory_space<vmem>> -> memref<128xi32, #tpu.memory_space<vmem>>
      %dma_wait3A_84 = arith.constant 0 : i32
      %dma_wait3A_85 = tpu.memref_slice %arg2[%dma_wait3A_84] : memref<91136xi32, #tpu.memory_space<hbm>> -> memref<91136xi32, #tpu.memory_space<hbm>>
      tpu.wait_indirect_dma semaphore(%arg29 : memref<!tpu.dma_semaphore, #tpu.memory_space<semaphore_mem>>) src(%dma_wait3A_85 : memref<91136xi32, #tpu.memory_space<hbm>>) dst(%dma_wait3A : memref<128xi32, #tpu.memory_space<vmem>>)
      %scan3A_86 = arith.constant 0 : i32
      scf.yield %scan3A_86 : i32
    }
    %scan3A_43 = arith.constant 23 : i32
    %scan3A_44 = arith.constant 0.0109890113 : f32
    %scan3A_45 = arith.constant 0 : i32
    %scan3A_46 = arith.constant 0 : i32
    %scan3A_47 = arith.constant 184 : i32
    %scan3A_48 = arith.addi %scan3A_46, %scan3A_47 : i32
    %scan3A_49 = arith.constant 1 : i32
    %scan3A_50 = scf.for %scan3A_72 = %scan3A_46 to %scan3A_48 step %scan3A_49 iter_args(%scan3A_73 = %scan3A_45) -> (i32)  : i32 {
      %mul3A_74 = arith.constant 16 : i32
      %mul3A_75 = arith.muli %scan3A_72, %mul3A_74 : i32
      %add3A_76 = arith.addi %mul3A_2, %mul3A_75 : i32
      %add3A_77 = vector.broadcast %add3A_76 : i32 to vector<16xi32>
      %add3A_78 = arith.addi %add3A_77, %iota3A : vector<16xi32>
      %mul3A_79 = arith.constant 16 : i32
      %mul3A_80 = arith.muli %scan3A_72, %mul3A_79 : i32
      %get3A = arith.index_cast %mul3A_80 : i32 to index
      %get3A_81 = tpu.vector_load %arg18[%get3A] {strides = array<i32>} : memref<2944xi32, #tpu.memory_space<vmem>>, vector<16xi32>,
      %lt3A_82 = vector.broadcast %add3A_20 : i32 to vector<16xi32>
      %lt3A_83 = arith.cmpi slt, %add3A_78, %lt3A_82 : vector<16xi32>
      %jit3A = arith.constant 0 : i32
      %broadcast_in_dim3A_84 = vector.broadcast %jit3A : i32 to vector<16xi32>
      %select_n3A = arith.select %lt3A_83, %get3A_81, %broadcast_in_dim3A_84 : vector<16xi1>, vector<16xi32>
      %convert_element_type3A_85 = arith.sitofp %select_n3A : vector<16xi32> to vector<16xf32>
      %mul3A_86 = vector.broadcast %scan3A_44 : f32 to vector<16xf32>
      %mul3A_87 = arith.mulf %convert_element_type3A_85, %mul3A_86 : vector<16xf32>
      %convert_element_type3A_88 = arith.fptosi %mul3A_87 : vector<16xf32> to vector<16xi32>
      %mul3A_89 = arith.constant 91 : i32
      %mul3A_90 = vector.broadcast %mul3A_89 : i32 to vector<16xi32>
      %mul3A_91 = arith.muli %convert_element_type3A_88, %mul3A_90 : vector<16xi32>
      %sub3A_92 = arith.subi %select_n3A, %mul3A_91 : vector<16xi32>
      %ge3A = arith.constant 91 : i32
      %ge3A_93 = vector.broadcast %ge3A : i32 to vector<16xi32>
      %ge3A_94 = arith.cmpi sge, %sub3A_92, %ge3A_93 : vector<16xi32>
      %convert_element_type3A_95 = arith.extui %ge3A_94 : vector<16xi1> to vector<16xi32>
      %add3A_96 = arith.addi %convert_element_type3A_88, %convert_element_type3A_95 : vector<16xi32>
      %lt3A_97 = arith.constant 0 : i32
      %lt3A_98 = vector.broadcast %lt3A_97 : i32 to vector<16xi32>
      %lt3A_99 = arith.cmpi slt, %sub3A_92, %lt3A_98 : vector<16xi32>
      %convert_element_type3A_100 = arith.extui %lt3A_99 : vector<16xi1> to vector<16xi32>
      %sub3A_101 = arith.subi %add3A_96, %convert_element_type3A_100 : vector<16xi32>
      %mul3A_102 = arith.constant 91 : i32
      %mul3A_103 = vector.broadcast %mul3A_102 : i32 to vector<16xi32>
      %mul3A_104 = arith.muli %sub3A_101, %mul3A_103 : vector<16xi32>
      %sub3A_105 = arith.subi %select_n3A, %mul3A_104 : vector<16xi32>
      %jit3A_106 = arith.constant 8 : i32
      %div3A = arith.divsi %scan3A_72, %jit3A_106 : i32
      %sign3A = arith.constant 0 : i32
      %sign3A_107 = arith.cmpi sgt, %scan3A_72, %sign3A : i32
      %sign3A_108 = arith.extui %sign3A_107 : i1 to i32
      %sign3A_109 = arith.constant 0 : i32
      %sign3A_110 = arith.cmpi slt, %scan3A_72, %sign3A_109 : i32
      %sign3A_111 = arith.extui %sign3A_110 : i1 to i32
      %sign3A_112 = arith.subi %sign3A_108, %sign3A_111 : i32
      %sign3A_113 = arith.constant 0 : i32
      %sign3A_114 = arith.cmpi sgt, %jit3A_106, %sign3A_113 : i32
      %sign3A_115 = arith.extui %sign3A_114 : i1 to i32
      %sign3A_116 = arith.constant 0 : i32
      %sign3A_117 = arith.cmpi slt, %jit3A_106, %sign3A_116 : i32
      %sign3A_118 = arith.extui %sign3A_117 : i1 to i32
      %sign3A_119 = arith.subi %sign3A_115, %sign3A_118 : i32
      %ne3A = arith.cmpi ne, %sign3A_112, %sign3A_119 : i32
      %rem3A = arith.remsi %scan3A_72, %jit3A_106 : i32
      %ne3A_120 = arith.constant 0 : i32
      %ne3A_121 = arith.cmpi ne, %rem3A, %ne3A_120 : i32
      %and3A = arith.andi %ne3A, %ne3A_121 : i1
      %sub3A_122 = arith.constant 1 : i32
      %sub3A_123 = arith.subi %div3A, %sub3A_122 : i32
      %select_n3A_124 = arith.select %and3A, %sub3A_123, %div3A : i32
      %jit3A_125 = arith.constant 8 : i32
      %eq3A_126 = arith.constant 0 : i32
      %eq3A_127 = arith.cmpi eq, %jit3A_125, %eq3A_126 : i32
      %jit3A_128 = arith.constant 1 : i32
      %select_n3A_129 = arith.select %eq3A_127, %jit3A_128, %jit3A_125 : i32
      %rem3A_130 = arith.remsi %scan3A_72, %select_n3A_129 : i32
      %ne3A_131 = arith.constant 0 : i32
      %ne3A_132 = arith.cmpi ne, %rem3A_130, %ne3A_131 : i32
      %lt3A_133 = arith.constant 0 : i32
      %lt3A_134 = arith.cmpi slt, %rem3A_130, %lt3A_133 : i32
      %lt3A_135 = arith.constant 0 : i32
      %lt3A_136 = arith.cmpi slt, %select_n3A_129, %lt3A_135 : i32
      %ne3A_137 = arith.xori %lt3A_134, %lt3A_136 : i1
      %and3A_138 = arith.andi %ne3A_137, %ne3A_132 : i1
      %add3A_139 = arith.addi %rem3A_130, %select_n3A_129 : i32
      %select_n3A_140 = arith.select %and3A_138, %add3A_139, %rem3A_130 : i32
      %mul3A_141 = arith.constant 16 : i32
      %mul3A_142 = arith.muli %select_n3A_140, %mul3A_141 : i32
      %swap3A_143 = arith.index_cast %select_n3A_124 : i32 to index
      %swap3A_144 = arith.index_cast %mul3A_142 : i32 to index
      %swap3A_145 = tpu.vector_load %arg20[%swap3A_143, %swap3A_144] {strides = array<i32>} : memref<23x128xi32, #tpu.memory_space<vmem>>, vector<16xi32>,
      tpu.vector_store %arg20[%swap3A_143, %swap3A_144], %sub3A_101 {strides = array<i32>} : memref<23x128xi32, #tpu.memory_space<vmem>>, vector<16xi32>,
      %jit3A_146 = arith.constant 8 : i32
      %div3A_147 = arith.divsi %scan3A_72, %jit3A_146 : i32
      %sign3A_148 = arith.constant 0 : i32
      %sign3A_149 = arith.cmpi sgt, %scan3A_72, %sign3A_148 : i32
      %sign3A_150 = arith.extui %sign3A_149 : i1 to i32
      %sign3A_151 = arith.constant 0 : i32
      %sign3A_152 = arith.cmpi slt, %scan3A_72, %sign3A_151 : i32
      %sign3A_153 = arith.extui %sign3A_152 : i1 to i32
      %sign3A_154 = arith.subi %sign3A_150, %sign3A_153 : i32
      %sign3A_155 = arith.constant 0 : i32
      %sign3A_156 = arith.cmpi sgt, %jit3A_146, %sign3A_155 : i32
      %sign3A_157 = arith.extui %sign3A_156 : i1 to i32
      %sign3A_158 = arith.constant 0 : i32
      %sign3A_159 = arith.cmpi slt, %jit3A_146, %sign3A_158 : i32
      %sign3A_160 = arith.extui %sign3A_159 : i1 to i32
      %sign3A_161 = arith.subi %sign3A_157, %sign3A_160 : i32
      %ne3A_162 = arith.cmpi ne, %sign3A_154, %sign3A_161 : i32
      %rem3A_163 = arith.remsi %scan3A_72, %jit3A_146 : i32
      %ne3A_164 = arith.constant 0 : i32
      %ne3A_165 = arith.cmpi ne, %rem3A_163, %ne3A_164 : i32
      %and3A_166 = arith.andi %ne3A_162, %ne3A_165 : i1
      %sub3A_167 = arith.constant 1 : i32
      %sub3A_168 = arith.subi %div3A_147, %sub3A_167 : i32
      %select_n3A_169 = arith.select %and3A_166, %sub3A_168, %div3A_147 : i32
      %jit3A_170 = arith.constant 8 : i32
      %eq3A_171 = arith.constant 0 : i32
      %eq3A_172 = arith.cmpi eq, %jit3A_170, %eq3A_171 : i32
      %jit3A_173 = arith.constant 1 : i32
      %select_n3A_174 = arith.select %eq3A_172, %jit3A_173, %jit3A_170 : i32
      %rem3A_175 = arith.remsi %scan3A_72, %select_n3A_174 : i32
      %ne3A_176 = arith.constant 0 : i32
      %ne3A_177 = arith.cmpi ne, %rem3A_175, %ne3A_176 : i32
      %lt3A_178 = arith.constant 0 : i32
      %lt3A_179 = arith.cmpi slt, %rem3A_175, %lt3A_178 : i32
      %lt3A_180 = arith.constant 0 : i32
      %lt3A_181 = arith.cmpi slt, %select_n3A_174, %lt3A_180 : i32
      %ne3A_182 = arith.xori %lt3A_179, %lt3A_181 : i1
      %and3A_183 = arith.andi %ne3A_182, %ne3A_177 : i1
      %add3A_184 = arith.addi %rem3A_175, %select_n3A_174 : i32
      %select_n3A_185 = arith.select %and3A_183, %add3A_184, %rem3A_175 : i32
      %mul3A_186 = arith.constant 16 : i32
      %mul3A_187 = arith.muli %select_n3A_185, %mul3A_186 : i32
      %swap3A_188 = arith.index_cast %select_n3A_169 : i32 to index
      %swap3A_189 = arith.index_cast %mul3A_187 : i32 to index
      %swap3A_190 = tpu.vector_load %arg19[%swap3A_188, %swap3A_189] {strides = array<i32>} : memref<23x128xi32, #tpu.memory_space<vmem>>, vector<16xi32>,
      tpu.vector_store %arg19[%swap3A_188, %swap3A_189], %select_n3A {strides = array<i32>} : memref<23x128xi32, #tpu.memory_space<vmem>>, vector<16xi32>,
      %mul3A_191 = arith.constant 16 : i32
      %mul3A_192 = arith.muli %scan3A_72, %mul3A_191 : i32
      %swap3A_193 = arith.index_cast %mul3A_192 : i32 to index
      %swap3A_194 = tpu.vector_load %arg21[%swap3A_193] {strides = array<i32>} : memref<2944xi32, #tpu.memory_space<vmem>>, vector<16xi32>,
      tpu.vector_store %arg21[%swap3A_193], %sub3A_105 {strides = array<i32>} : memref<2944xi32, #tpu.memory_space<vmem>>, vector<16xi32>,
      %scan3A_195 = arith.constant 0 : i32
      scf.yield %scan3A_195 : i32
    }
    %scan3A_51 = arith.constant 184 : i32
    %scan3A_52 = arith.constant 0 : i32
    %scan3A_53 = arith.constant 0 : i32
    %scan3A_54 = arith.constant 23 : i32
    %scan3A_55 = arith.addi %scan3A_53, %scan3A_54 : i32
    %scan3A_56 = arith.constant 1 : i32
    %scan3A_57 = scf.for %scan3A_72 = %scan3A_53 to %scan3A_55 step %scan3A_56 iter_args(%scan3A_73 = %scan3A_52) -> (i32)  : i32 {
      %mul3A_74 = arith.constant 128 : i32
      %mul3A_75 = arith.muli %scan3A_72, %mul3A_74 : i32
      %dma_start3A = tpu.memref_slice %arg22[%mul3A_75] : memref<2944xf32, #tpu.memory_space<vmem>> -> memref<128xf32, #tpu.memory_space<vmem>>
      %dma_start3A_76 = arith.constant 0 : i32
      %dma_start3A_77 = tpu.memref_slice %arg19[%scan3A_72, %dma_start3A_76] : memref<23x128xi32, #tpu.memory_space<vmem>> -> memref<1x128xi32, #tpu.memory_space<vmem>>
      %dma_start3A_78 = tpu.memref_squeeze %dma_start3A_77 : memref<1x128xi32, #tpu.memory_space<vmem>> -> memref<128xi32, #tpu.memory_space<vmem>>
      %dma_start3A_79 = arith.constant 0 : i32
      %dma_start3A_80 = tpu.memref_slice %arg4[%dma_start3A_79] : memref<91136xf32, #tpu.memory_space<hbm>> -> memref<91136xf32, #tpu.memory_space<hbm>>
      tpu.enqueue_indirect_dma source(%dma_start3A_80 : memref<91136xf32, #tpu.memory_space<hbm>>) target(%dma_start3A : memref<128xf32, #tpu.memory_space<vmem>>) offsets(%dma_start3A_78 : memref<128xi32, #tpu.memory_space<vmem>>) semaphore(%arg29 : memref<!tpu.dma_semaphore, #tpu.memory_space<semaphore_mem>>)
      %dma_wait3A = tpu.memref_slice %arg22[%mul3A_75] : memref<2944xf32, #tpu.memory_space<vmem>> -> memref<128xf32, #tpu.memory_space<vmem>>
      %dma_wait3A_81 = arith.constant 0 : i32
      %dma_wait3A_82 = tpu.memref_slice %arg19[%scan3A_72, %dma_wait3A_81] : memref<23x128xi32, #tpu.memory_space<vmem>> -> memref<1x128xi32, #tpu.memory_space<vmem>>
      %dma_wait3A_83 = tpu.memref_squeeze %dma_wait3A_82 : memref<1x128xi32, #tpu.memory_space<vmem>> -> memref<128xi32, #tpu.memory_space<vmem>>
      %dma_wait3A_84 = arith.constant 0 : i32
      %dma_wait3A_85 = tpu.memref_slice %arg4[%dma_wait3A_84] : memref<91136xf32, #tpu.memory_space<hbm>> -> memref<91136xf32, #tpu.memory_space<hbm>>
      tpu.wait_indirect_dma semaphore(%arg29 : memref<!tpu.dma_semaphore, #tpu.memory_space<semaphore_mem>>) src(%dma_wait3A_85 : memref<91136xf32, #tpu.memory_space<hbm>>) dst(%dma_wait3A : memref<128xf32, #tpu.memory_space<vmem>>)
      %scan3A_86 = arith.constant 0 : i32
      scf.yield %scan3A_86 : i32
    }
    %scan3A_58 = arith.constant 23 : i32
    %scan3A_59 = arith.constant 0 : i32
    %scan3A_60 = arith.constant 0 : i32
    %scan3A_61 = arith.constant 712 : i32
    %scan3A_62 = arith.addi %scan3A_60, %scan3A_61 : i32
    %scan3A_63 = arith.constant 1 : i32
    %scan3A_64 = scf.for %scan3A_72 = %scan3A_60 to %scan3A_62 step %scan3A_63 iter_args(%scan3A_73 = %scan3A_59) -> (i32)  : i32 {
      %mul3A_74 = arith.constant 16 : i32
      %mul3A_75 = arith.muli %scan3A_72, %mul3A_74 : i32
      %add3A_76 = vector.broadcast %mul3A_75 : i32 to vector<16xi32>
      %add3A_77 = arith.addi %add3A_76, %iota3A : vector<16xi32>
      %shift_right_arithmetic3A = arith.constant 2 : i32
      %shift_right_arithmetic3A_78 = vector.broadcast %shift_right_arithmetic3A : i32 to vector<16xi32>
      %shift_right_arithmetic3A_79 = arith.shrsi %add3A_77, %shift_right_arithmetic3A_78 : vector<16xi32>
      %and3A = arith.constant 3 : i32
      %and3A_80 = vector.broadcast %and3A : i32 to vector<16xi32>
      %and3A_81 = arith.andi %add3A_77, %and3A_80 : vector<16xi32>
      %shift_right_arithmetic3A_82 = arith.constant 7 : i32
      %shift_right_arithmetic3A_83 = vector.broadcast %shift_right_arithmetic3A_82 : i32 to vector<16xi32>
      %shift_right_arithmetic3A_84 = arith.shrsi %shift_right_arithmetic3A_79, %shift_right_arithmetic3A_83 : vector<16xi32>
      %and3A_85 = arith.constant 127 : i32
      %and3A_86 = vector.broadcast %and3A_85 : i32 to vector<16xi32>
      %and3A_87 = arith.andi %shift_right_arithmetic3A_79, %and3A_86 : vector<16xi32>
      %gather3A_88 = tpu.vector_load_idx %arg20[%shift_right_arithmetic3A_84, %and3A_87] : memref<23x128xi32, #tpu.memory_space<vmem>>[vector<16xi32>, vector<16xi32>], vector<16xi32>,
      %mul3A_89 = arith.constant 4 : i32
      %mul3A_90 = vector.broadcast %mul3A_89 : i32 to vector<16xi32>
      %mul3A_91 = arith.muli %gather3A_88, %mul3A_90 : vector<16xi32>
      %add3A_92 = arith.addi %mul3A_91, %and3A_81 : vector<16xi32>
      %gather3A_93 = tpu.vector_load_idx %arg23[%add3A_92] : memref<4000xf32, #tpu.memory_space<vmem>>[vector<16xi32>], vector<16xf32>,
      %mul3A_94 = arith.constant 16 : i32
      %mul3A_95 = arith.muli %scan3A_72, %mul3A_94 : i32
      %swap3A_96 = arith.index_cast %mul3A_95 : i32 to index
      %swap3A_97 = tpu.vector_load %arg25[%swap3A_96] {strides = array<i32>} : memref<11392xf32, #tpu.memory_space<vmem>>, vector<16xf32>,
      tpu.vector_store %arg25[%swap3A_96], %gather3A_93 {strides = array<i32>} : memref<11392xf32, #tpu.memory_space<vmem>>, vector<16xf32>,
      %gather3A_98 = tpu.vector_load_idx %arg24[%add3A_92] : memref<4000xf32, #tpu.memory_space<vmem>>[vector<16xi32>], vector<16xf32>,
      %mul3A_99 = arith.constant 16 : i32
      %mul3A_100 = arith.muli %scan3A_72, %mul3A_99 : i32
      %swap3A_101 = arith.index_cast %mul3A_100 : i32 to index
      %swap3A_102 = tpu.vector_load %arg26[%swap3A_101] {strides = array<i32>} : memref<11392xf32, #tpu.memory_space<vmem>>, vector<16xf32>,
      tpu.vector_store %arg26[%swap3A_101], %gather3A_98 {strides = array<i32>} : memref<11392xf32, #tpu.memory_space<vmem>>, vector<16xf32>,
      %scan3A_103 = arith.constant 0 : i32
      scf.yield %scan3A_103 : i32
    }
    %scan3A_65 = arith.constant 712 : i32
    %lt3A = arith.constant 31 : i32
    %lt3A_66 = arith.cmpi slt, %add3A, %lt3A : i32
    %convert_element_type3A = arith.extui %lt3A_66 : i1 to i32
    %cond3A = arith.constant 0 : i32
    %cond3A_67 = arith.cmpi ne, %convert_element_type3A, %cond3A : i32
    scf.if %cond3A_67 {
      %scan3A_72 = arith.constant 0 : i32
      %scan3A_73 = arith.constant 0 : i32
      %scan3A_74 = arith.constant 22 : i32
      %scan3A_75 = arith.addi %scan3A_73, %scan3A_74 : i32
      %scan3A_76 = arith.constant 1 : i32
      %scan3A_77 = scf.for %scan3A_111 = %scan3A_73 to %scan3A_75 step %scan3A_76 iter_args(%scan3A_112 = %scan3A_72) -> (i32)  : i32 {
        %dma_start3A_113 = arith.constant 0 : i32
        %dma_start3A_114 = tpu.memref_slice %arg20[%scan3A_111, %dma_start3A_113] : memref<23x128xi32, #tpu.memory_space<vmem>> -> memref<1x128xi32, #tpu.memory_space<vmem>>
        %dma_start3A_115 = tpu.memref_squeeze %dma_start3A_114 : memref<1x128xi32, #tpu.memory_space<vmem>> -> memref<128xi32, #tpu.memory_space<vmem>>
        %dma_start3A_116 = arith.constant 0 : i32
        %dma_start3A_117 = arith.constant 0 : i32
        %dma_start3A_118 = tpu.memref_slice %arg8[%dma_start3A_116, %dma_start3A_117] : memref<1000x256xf32, #tpu.memory_space<hbm>> -> memref<1000x256xf32, #tpu.memory_space<hbm>>
        tpu.enqueue_indirect_dma source(%dma_start3A_118 : memref<1000x256xf32, #tpu.memory_space<hbm>>) target(%arg27 : memref<128x256xf32, #tpu.memory_space<vmem>>) offsets(%dma_start3A_115 : memref<128xi32, #tpu.memory_space<vmem>>) semaphore(%arg29 : memref<!tpu.dma_semaphore, #tpu.memory_space<semaphore_mem>>)
        %dma_start3A_119 = arith.constant 0 : i32
        %dma_start3A_120 = tpu.memref_slice %arg20[%scan3A_111, %dma_start3A_119] : memref<23x128xi32, #tpu.memory_space<vmem>> -> memref<1x128xi32, #tpu.memory_space<vmem>>
        %dma_start3A_121 = tpu.memref_squeeze %dma_start3A_120 : memref<1x128xi32, #tpu.memory_space<vmem>> -> memref<128xi32, #tpu.memory_space<vmem>>
        %dma_start3A_122 = arith.constant 0 : i32
        %dma_start3A_123 = arith.constant 0 : i32
        %dma_start3A_124 = tpu.memref_slice %arg7[%dma_start3A_122, %dma_start3A_123] : memref<1000x128xf32, #tpu.memory_space<hbm>> -> memref<1000x128xf32, #tpu.memory_space<hbm>>
        tpu.enqueue_indirect_dma source(%dma_start3A_124 : memref<1000x128xf32, #tpu.memory_space<hbm>>) target(%arg28 : memref<128x128xf32, #tpu.memory_space<vmem>>) offsets(%dma_start3A_121 : memref<128xi32, #tpu.memory_space<vmem>>) semaphore(%arg29 : memref<!tpu.dma_semaphore, #tpu.memory_space<semaphore_mem>>)
        %dma_wait3A_125 = arith.constant 0 : i32
        %dma_wait3A_126 = tpu.memref_slice %arg20[%scan3A_111, %dma_wait3A_125] : memref<23x128xi32, #tpu.memory_space<vmem>> -> memref<1x128xi32, #tpu.memory_space<vmem>>
        %dma_wait3A_127 = tpu.memref_squeeze %dma_wait3A_126 : memref<1x128xi32, #tpu.memory_space<vmem>> -> memref<128xi32, #tpu.memory_space<vmem>>
        %dma_wait3A_128 = arith.constant 0 : i32
        %dma_wait3A_129 = arith.constant 0 : i32
        %dma_wait3A_130 = tpu.memref_slice %arg8[%dma_wait3A_128, %dma_wait3A_129] : memref<1000x256xf32, #tpu.memory_space<hbm>> -> memref<1000x256xf32, #tpu.memory_space<hbm>>
        tpu.wait_indirect_dma semaphore(%arg29 : memref<!tpu.dma_semaphore, #tpu.memory_space<semaphore_mem>>) src(%dma_wait3A_130 : memref<1000x256xf32, #tpu.memory_space<hbm>>) dst(%arg27 : memref<128x256xf32, #tpu.memory_space<vmem>>)
        %dma_wait3A_131 = arith.constant 0 : i32
        %dma_wait3A_132 = tpu.memref_slice %arg20[%scan3A_111, %dma_wait3A_131] : memref<23x128xi32, #tpu.memory_space<vmem>> -> memref<1x128xi32, #tpu.memory_space<vmem>>
        %dma_wait3A_133 = tpu.memref_squeeze %dma_wait3A_132 : memref<1x128xi32, #tpu.memory_space<vmem>> -> memref<128xi32, #tpu.memory_space<vmem>>
        %dma_wait3A_134 = arith.constant 0 : i32
        %dma_wait3A_135 = arith.constant 0 : i32
        %dma_wait3A_136 = tpu.memref_slice %arg7[%dma_wait3A_134, %dma_wait3A_135] : memref<1000x128xf32, #tpu.memory_space<hbm>> -> memref<1000x128xf32, #tpu.memory_space<hbm>>
        tpu.wait_indirect_dma semaphore(%arg29 : memref<!tpu.dma_semaphore, #tpu.memory_space<semaphore_mem>>) src(%dma_wait3A_136 : memref<1000x128xf32, #tpu.memory_space<hbm>>) dst(%arg28 : memref<128x128xf32, #tpu.memory_space<vmem>>)
        %mul3A_137 = arith.constant 128 : i32
        %mul3A_138 = arith.muli %scan3A_111, %mul3A_137 : i32
        %add3A_139 = arith.addi %mul3A_2, %mul3A_138 : i32
        "tpu.region"() ({
          %run_scoped3A = tpu.sem_alloc : memref<!tpu.dma_semaphore, #tpu.memory_space<semaphore_mem>>
          %dma_start3A_141 = arith.constant 0 : i32
          %dma_start3A_142 = arith.constant 0 : i32
          %dma_start3A_143 = tpu.memref_slice %arg27[%dma_start3A_141, %dma_start3A_142] : memref<128x256xf32, #tpu.memory_space<vmem>> -> memref<128x256xf32, #tpu.memory_space<vmem>>
          %dma_start3A_144 = arith.constant 0 : i32
          %dma_start3A_145 = tpu.memref_slice %arg14[%add3A_139, %dma_start3A_144] : memref<91000x256xf32, #tpu.memory_space<hbm>> -> memref<128x256xf32, #tpu.memory_space<hbm>>
          %dma_start3A_146 = arith.constant 0 : i32
          %dma_start3A_147 = tpu.memref_slice %arg14[%add3A_139, %dma_start3A_146] : memref<91000x256xf32, #tpu.memory_space<hbm>> -> memref<128x256xf32, #tpu.memory_space<hbm>>
          %dma_start3A_148 = arith.constant 0 : i32
          %dma_start3A_149 = arith.constant 0 : i32
          %dma_start3A_150 = tpu.memref_slice %arg27[%dma_start3A_148, %dma_start3A_149] : memref<128x256xf32, #tpu.memory_space<vmem>> -> memref<128x256xf32, #tpu.memory_space<vmem>>
          tpu.enqueue_dma source(%dma_start3A_150 : memref<128x256xf32, #tpu.memory_space<vmem>>) target(%dma_start3A_147 : memref<128x256xf32, #tpu.memory_space<hbm>>) target_semaphore(%run_scoped3A : memref<!tpu.dma_semaphore, #tpu.memory_space<semaphore_mem>>)
          %dma_wait3A_151 = arith.constant 0 : i32
          %dma_wait3A_152 = arith.constant 0 : i32
          %dma_wait3A_153 = tpu.memref_slice %arg27[%dma_wait3A_151, %dma_wait3A_152] : memref<128x256xf32, #tpu.memory_space<vmem>> -> memref<128x256xf32, #tpu.memory_space<vmem>>
          %dma_wait3A_154 = arith.constant 0 : i32
          %dma_wait3A_155 = tpu.memref_slice %arg14[%add3A_139, %dma_wait3A_154] : memref<91000x256xf32, #tpu.memory_space<hbm>> -> memref<128x256xf32, #tpu.memory_space<hbm>>
          %dma_wait3A_156 = arith.constant 0 : i32
          %dma_wait3A_157 = tpu.memref_slice %arg14[%add3A_139, %dma_wait3A_156] : memref<91000x256xf32, #tpu.memory_space<hbm>> -> memref<128x256xf32, #tpu.memory_space<hbm>>
          %dma_wait3A_158 = arith.constant 0 : i32
          %dma_wait3A_159 = arith.constant 0 : i32
          %dma_wait3A_160 = tpu.memref_slice %arg27[%dma_wait3A_158, %dma_wait3A_159] : memref<128x256xf32, #tpu.memory_space<vmem>> -> memref<128x256xf32, #tpu.memory_space<vmem>>
          tpu.wait_dma2 semaphore(%run_scoped3A : memref<!tpu.dma_semaphore, #tpu.memory_space<semaphore_mem>>) src(%dma_wait3A_160 : memref<128x256xf32, #tpu.memory_space<vmem>>) dst(%dma_wait3A_157 : memref<128x256xf32, #tpu.memory_space<hbm>>)
          tpu.yield
        }) : () -> ()
        "tpu.region"() ({
          %run_scoped3A = tpu.sem_alloc : memref<!tpu.dma_semaphore, #tpu.memory_space<semaphore_mem>>
          %dma_start3A_141 = arith.constant 0 : i32
          %dma_start3A_142 = arith.constant 0 : i32
          %dma_start3A_143 = tpu.memref_slice %arg28[%dma_start3A_141, %dma_start3A_142] : memref<128x128xf32, #tpu.memory_space<vmem>> -> memref<128x128xf32, #tpu.memory_space<vmem>>
          %dma_start3A_144 = arith.constant 0 : i32
          %dma_start3A_145 = tpu.memref_slice %arg13[%add3A_139, %dma_start3A_144] : memref<91000x128xf32, #tpu.memory_space<hbm>> -> memref<128x128xf32, #tpu.memory_space<hbm>>
          %dma_start3A_146 = arith.constant 0 : i32
          %dma_start3A_147 = tpu.memref_slice %arg13[%add3A_139, %dma_start3A_146] : memref<91000x128xf32, #tpu.memory_space<hbm>> -> memref<128x128xf32, #tpu.memory_space<hbm>>
          %dma_start3A_148 = arith.constant 0 : i32
          %dma_start3A_149 = arith.constant 0 : i32
          %dma_start3A_150 = tpu.memref_slice %arg28[%dma_start3A_148, %dma_start3A_149] : memref<128x128xf32, #tpu.memory_space<vmem>> -> memref<128x128xf32, #tpu.memory_space<vmem>>
          tpu.enqueue_dma source(%dma_start3A_150 : memref<128x128xf32, #tpu.memory_space<vmem>>) target(%dma_start3A_147 : memref<128x128xf32, #tpu.memory_space<hbm>>) target_semaphore(%run_scoped3A : memref<!tpu.dma_semaphore, #tpu.memory_space<semaphore_mem>>)
          %dma_wait3A_151 = arith.constant 0 : i32
          %dma_wait3A_152 = arith.constant 0 : i32
          %dma_wait3A_153 = tpu.memref_slice %arg28[%dma_wait3A_151, %dma_wait3A_152] : memref<128x128xf32, #tpu.memory_space<vmem>> -> memref<128x128xf32, #tpu.memory_space<vmem>>
          %dma_wait3A_154 = arith.constant 0 : i32
          %dma_wait3A_155 = tpu.memref_slice %arg13[%add3A_139, %dma_wait3A_154] : memref<91000x128xf32, #tpu.memory_space<hbm>> -> memref<128x128xf32, #tpu.memory_space<hbm>>
          %dma_wait3A_156 = arith.constant 0 : i32
          %dma_wait3A_157 = tpu.memref_slice %arg13[%add3A_139, %dma_wait3A_156] : memref<91000x128xf32, #tpu.memory_space<hbm>> -> memref<128x128xf32, #tpu.memory_space<hbm>>
          %dma_wait3A_158 = arith.constant 0 : i32
          %dma_wait3A_159 = arith.constant 0 : i32
          %dma_wait3A_160 = tpu.memref_slice %arg28[%dma_wait3A_158, %dma_wait3A_159] : memref<128x128xf32, #tpu.memory_space<vmem>> -> memref<128x128xf32, #tpu.memory_space<vmem>>
          tpu.wait_dma2 semaphore(%run_scoped3A : memref<!tpu.dma_semaphore, #tpu.memory_space<semaphore_mem>>) src(%dma_wait3A_160 : memref<128x128xf32, #tpu.memory_space<vmem>>) dst(%dma_wait3A_157 : memref<128x128xf32, #tpu.memory_space<hbm>>)
          tpu.yield
        }) : () -> ()
        %scan3A_140 = arith.constant 0 : i32
        scf.yield %scan3A_140 : i32
      }
      %scan3A_78 = arith.constant 22 : i32
      %dma_start3A = arith.constant 22 : i32
      %dma_start3A_79 = arith.constant 0 : i32
      %dma_start3A_80 = tpu.memref_slice %arg20[%dma_start3A, %dma_start3A_79] : memref<23x128xi32, #tpu.memory_space<vmem>> -> memref<1x128xi32, #tpu.memory_space<vmem>>
      %dma_start3A_81 = tpu.memref_squeeze %dma_start3A_80 : memref<1x128xi32, #tpu.memory_space<vmem>> -> memref<128xi32, #tpu.memory_space<vmem>>
      %dma_start3A_82 = arith.constant 0 : i32
      %dma_start3A_83 = arith.constant 0 : i32
      %dma_start3A_84 = tpu.memref_slice %arg8[%dma_start3A_82, %dma_start3A_83] : memref<1000x256xf32, #tpu.memory_space<hbm>> -> memref<1000x256xf32, #tpu.memory_space<hbm>>
      tpu.enqueue_indirect_dma source(%dma_start3A_84 : memref<1000x256xf32, #tpu.memory_space<hbm>>) target(%arg27 : memref<128x256xf32, #tpu.memory_space<vmem>>) offsets(%dma_start3A_81 : memref<128xi32, #tpu.memory_space<vmem>>) semaphore(%arg29 : memref<!tpu.dma_semaphore, #tpu.memory_space<semaphore_mem>>)
      %dma_start3A_85 = arith.constant 22 : i32
      %dma_start3A_86 = arith.constant 0 : i32
      %dma_start3A_87 = tpu.memref_slice %arg20[%dma_start3A_85, %dma_start3A_86] : memref<23x128xi32, #tpu.memory_space<vmem>> -> memref<1x128xi32, #tpu.memory_space<vmem>>
      %dma_start3A_88 = tpu.memref_squeeze %dma_start3A_87 : memref<1x128xi32, #tpu.memory_space<vmem>> -> memref<128xi32, #tpu.memory_space<vmem>>
      %dma_start3A_89 = arith.constant 0 : i32
      %dma_start3A_90 = arith.constant 0 : i32
      %dma_start3A_91 = tpu.memref_slice %arg7[%dma_start3A_89, %dma_start3A_90] : memref<1000x128xf32, #tpu.memory_space<hbm>> -> memref<1000x128xf32, #tpu.memory_space<hbm>>
      tpu.enqueue_indirect_dma source(%dma_start3A_91 : memref<1000x128xf32, #tpu.memory_space<hbm>>) target(%arg28 : memref<128x128xf32, #tpu.memory_space<vmem>>) offsets(%dma_start3A_88 : memref<128xi32, #tpu.memory_space<vmem>>) semaphore(%arg29 : memref<!tpu.dma_semaphore, #tpu.memory_space<semaphore_mem>>)
      %dma_wait3A = arith.constant 22 : i32
      %dma_wait3A_92 = arith.constant 0 : i32
      %dma_wait3A_93 = tpu.memref_slice %arg20[%dma_wait3A, %dma_wait3A_92] : memref<23x128xi32, #tpu.memory_space<vmem>> -> memref<1x128xi32, #tpu.memory_space<vmem>>
      %dma_wait3A_94 = tpu.memref_squeeze %dma_wait3A_93 : memref<1x128xi32, #tpu.memory_space<vmem>> -> memref<128xi32, #tpu.memory_space<vmem>>
      %dma_wait3A_95 = arith.constant 0 : i32
      %dma_wait3A_96 = arith.constant 0 : i32
      %dma_wait3A_97 = tpu.memref_slice %arg8[%dma_wait3A_95, %dma_wait3A_96] : memref<1000x256xf32, #tpu.memory_space<hbm>> -> memref<1000x256xf32, #tpu.memory_space<hbm>>
      tpu.wait_indirect_dma semaphore(%arg29 : memref<!tpu.dma_semaphore, #tpu.memory_space<semaphore_mem>>) src(%dma_wait3A_97 : memref<1000x256xf32, #tpu.memory_space<hbm>>) dst(%arg27 : memref<128x256xf32, #tpu.memory_space<vmem>>)
      %dma_wait3A_98 = arith.constant 22 : i32
      %dma_wait3A_99 = arith.constant 0 : i32
      %dma_wait3A_100 = tpu.memref_slice %arg20[%dma_wait3A_98, %dma_wait3A_99] : memref<23x128xi32, #tpu.memory_space<vmem>> -> memref<1x128xi32, #tpu.memory_space<vmem>>
      %dma_wait3A_101 = tpu.memref_squeeze %dma_wait3A_100 : memref<1x128xi32, #tpu.memory_space<vmem>> -> memref<128xi32, #tpu.memory_space<vmem>>
      %dma_wait3A_102 = arith.constant 0 : i32
      %dma_wait3A_103 = arith.constant 0 : i32
      %dma_wait3A_104 = tpu.memref_slice %arg7[%dma_wait3A_102, %dma_wait3A_103] : memref<1000x128xf32, #tpu.memory_space<hbm>> -> memref<1000x128xf32, #tpu.memory_space<hbm>>
      tpu.wait_indirect_dma semaphore(%arg29 : memref<!tpu.dma_semaphore, #tpu.memory_space<semaphore_mem>>) src(%dma_wait3A_104 : memref<1000x128xf32, #tpu.memory_space<hbm>>) dst(%arg28 : memref<128x128xf32, #tpu.memory_space<vmem>>)
      %add3A_105 = arith.constant 2816 : i32
      %add3A_106 = arith.addi %mul3A_2, %add3A_105 : i32
      "tpu.region"() ({
        %run_scoped3A = tpu.sem_alloc : memref<!tpu.dma_semaphore, #tpu.memory_space<semaphore_mem>>
        %dma_start3A_111 = arith.constant 0 : i32
        %dma_start3A_112 = arith.constant 0 : i32
        %dma_start3A_113 = tpu.memref_slice %arg27[%dma_start3A_111, %dma_start3A_112] : memref<128x256xf32, #tpu.memory_space<vmem>> -> memref<32x256xf32, #tpu.memory_space<vmem>>
        %dma_start3A_114 = arith.constant 0 : i32
        %dma_start3A_115 = tpu.memref_slice %arg14[%add3A_106, %dma_start3A_114] : memref<91000x256xf32, #tpu.memory_space<hbm>> -> memref<32x256xf32, #tpu.memory_space<hbm>>
        %dma_start3A_116 = arith.constant 0 : i32
        %dma_start3A_117 = tpu.memref_slice %arg14[%add3A_106, %dma_start3A_116] : memref<91000x256xf32, #tpu.memory_space<hbm>> -> memref<32x256xf32, #tpu.memory_space<hbm>>
        %dma_start3A_118 = arith.constant 0 : i32
        %dma_start3A_119 = arith.constant 0 : i32
        %dma_start3A_120 = tpu.memref_slice %arg27[%dma_start3A_118, %dma_start3A_119] : memref<128x256xf32, #tpu.memory_space<vmem>> -> memref<32x256xf32, #tpu.memory_space<vmem>>
        tpu.enqueue_dma source(%dma_start3A_120 : memref<32x256xf32, #tpu.memory_space<vmem>>) target(%dma_start3A_117 : memref<32x256xf32, #tpu.memory_space<hbm>>) target_semaphore(%run_scoped3A : memref<!tpu.dma_semaphore, #tpu.memory_space<semaphore_mem>>)
        %dma_wait3A_121 = arith.constant 0 : i32
        %dma_wait3A_122 = arith.constant 0 : i32
        %dma_wait3A_123 = tpu.memref_slice %arg27[%dma_wait3A_121, %dma_wait3A_122] : memref<128x256xf32, #tpu.memory_space<vmem>> -> memref<32x256xf32, #tpu.memory_space<vmem>>
        %dma_wait3A_124 = arith.constant 0 : i32
        %dma_wait3A_125 = tpu.memref_slice %arg14[%add3A_106, %dma_wait3A_124] : memref<91000x256xf32, #tpu.memory_space<hbm>> -> memref<32x256xf32, #tpu.memory_space<hbm>>
        %dma_wait3A_126 = arith.constant 0 : i32
        %dma_wait3A_127 = tpu.memref_slice %arg14[%add3A_106, %dma_wait3A_126] : memref<91000x256xf32, #tpu.memory_space<hbm>> -> memref<32x256xf32, #tpu.memory_space<hbm>>
        %dma_wait3A_128 = arith.constant 0 : i32
        %dma_wait3A_129 = arith.constant 0 : i32
        %dma_wait3A_130 = tpu.memref_slice %arg27[%dma_wait3A_128, %dma_wait3A_129] : memref<128x256xf32, #tpu.memory_space<vmem>> -> memref<32x256xf32, #tpu.memory_space<vmem>>
        tpu.wait_dma2 semaphore(%run_scoped3A : memref<!tpu.dma_semaphore, #tpu.memory_space<semaphore_mem>>) src(%dma_wait3A_130 : memref<32x256xf32, #tpu.memory_space<vmem>>) dst(%dma_wait3A_127 : memref<32x256xf32, #tpu.memory_space<hbm>>)
        tpu.yield
      }) : () -> ()
      "tpu.region"() ({
        %run_scoped3A = tpu.sem_alloc : memref<!tpu.dma_semaphore, #tpu.memory_space<semaphore_mem>>
        %dma_start3A_111 = arith.constant 0 : i32
        %dma_start3A_112 = arith.constant 0 : i32
        %dma_start3A_113 = tpu.memref_slice %arg28[%dma_start3A_111, %dma_start3A_112] : memref<128x128xf32, #tpu.memory_space<vmem>> -> memref<32x128xf32, #tpu.memory_space<vmem>>
        %dma_start3A_114 = arith.constant 0 : i32
        %dma_start3A_115 = tpu.memref_slice %arg13[%add3A_106, %dma_start3A_114] : memref<91000x128xf32, #tpu.memory_space<hbm>> -> memref<32x128xf32, #tpu.memory_space<hbm>>
        %dma_start3A_116 = arith.constant 0 : i32
        %dma_start3A_117 = tpu.memref_slice %arg13[%add3A_106, %dma_start3A_116] : memref<91000x128xf32, #tpu.memory_space<hbm>> -> memref<32x128xf32, #tpu.memory_space<hbm>>
        %dma_start3A_118 = arith.constant 0 : i32
        %dma_start3A_119 = arith.constant 0 : i32
        %dma_start3A_120 = tpu.memref_slice %arg28[%dma_start3A_118, %dma_start3A_119] : memref<128x128xf32, #tpu.memory_space<vmem>> -> memref<32x128xf32, #tpu.memory_space<vmem>>
        tpu.enqueue_dma source(%dma_start3A_120 : memref<32x128xf32, #tpu.memory_space<vmem>>) target(%dma_start3A_117 : memref<32x128xf32, #tpu.memory_space<hbm>>) target_semaphore(%run_scoped3A : memref<!tpu.dma_semaphore, #tpu.memory_space<semaphore_mem>>)
        %dma_wait3A_121 = arith.constant 0 : i32
        %dma_wait3A_122 = arith.constant 0 : i32
        %dma_wait3A_123 = tpu.memref_slice %arg28[%dma_wait3A_121, %dma_wait3A_122] : memref<128x128xf32, #tpu.memory_space<vmem>> -> memref<32x128xf32, #tpu.memory_space<vmem>>
        %dma_wait3A_124 = arith.constant 0 : i32
        %dma_wait3A_125 = tpu.memref_slice %arg13[%add3A_106, %dma_wait3A_124] : memref<91000x128xf32, #tpu.memory_space<hbm>> -> memref<32x128xf32, #tpu.memory_space<hbm>>
        %dma_wait3A_126 = arith.constant 0 : i32
        %dma_wait3A_127 = tpu.memref_slice %arg13[%add3A_106, %dma_wait3A_126] : memref<91000x128xf32, #tpu.memory_space<hbm>> -> memref<32x128xf32, #tpu.memory_space<hbm>>
        %dma_wait3A_128 = arith.constant 0 : i32
        %dma_wait3A_129 = arith.constant 0 : i32
        %dma_wait3A_130 = tpu.memref_slice %arg28[%dma_wait3A_128, %dma_wait3A_129] : memref<128x128xf32, #tpu.memory_space<vmem>> -> memref<32x128xf32, #tpu.memory_space<vmem>>
        tpu.wait_dma2 semaphore(%run_scoped3A : memref<!tpu.dma_semaphore, #tpu.memory_space<semaphore_mem>>) src(%dma_wait3A_130 : memref<32x128xf32, #tpu.memory_space<vmem>>) dst(%dma_wait3A_127 : memref<32x128xf32, #tpu.memory_space<hbm>>)
        tpu.yield
      }) : () -> ()
      "tpu.region"() ({
        %run_scoped3A = tpu.sem_alloc : memref<!tpu.dma_semaphore, #tpu.memory_space<semaphore_mem>>
        %dma_start3A_111 = arith.constant 0 : i32
        %dma_start3A_112 = tpu.memref_slice %arg22[%dma_start3A_111] : memref<2944xf32, #tpu.memory_space<vmem>> -> memref<2848xf32, #tpu.memory_space<vmem>>
        %dma_start3A_113 = tpu.memref_slice %arg9[%mul3A_2] : memref<91000xf32, #tpu.memory_space<hbm>> -> memref<2848xf32, #tpu.memory_space<hbm>>
        %dma_start3A_114 = tpu.memref_slice %arg9[%mul3A_2] : memref<91000xf32, #tpu.memory_space<hbm>> -> memref<2848xf32, #tpu.memory_space<hbm>>
        %dma_start3A_115 = arith.constant 0 : i32
        %dma_start3A_116 = tpu.memref_slice %arg22[%dma_start3A_115] : memref<2944xf32, #tpu.memory_space<vmem>> -> memref<2848xf32, #tpu.memory_space<vmem>>
        tpu.enqueue_dma source(%dma_start3A_116 : memref<2848xf32, #tpu.memory_space<vmem>>) target(%dma_start3A_114 : memref<2848xf32, #tpu.memory_space<hbm>>) target_semaphore(%run_scoped3A : memref<!tpu.dma_semaphore, #tpu.memory_space<semaphore_mem>>)
        %dma_wait3A_117 = arith.constant 0 : i32
        %dma_wait3A_118 = tpu.memref_slice %arg22[%dma_wait3A_117] : memref<2944xf32, #tpu.memory_space<vmem>> -> memref<2848xf32, #tpu.memory_space<vmem>>
        %dma_wait3A_119 = tpu.memref_slice %arg9[%mul3A_2] : memref<91000xf32, #tpu.memory_space<hbm>> -> memref<2848xf32, #tpu.memory_space<hbm>>
        %dma_wait3A_120 = tpu.memref_slice %arg9[%mul3A_2] : memref<91000xf32, #tpu.memory_space<hbm>> -> memref<2848xf32, #tpu.memory_space<hbm>>
        %dma_wait3A_121 = arith.constant 0 : i32
        %dma_wait3A_122 = tpu.memref_slice %arg22[%dma_wait3A_121] : memref<2944xf32, #tpu.memory_space<vmem>> -> memref<2848xf32, #tpu.memory_space<vmem>>
        tpu.wait_dma2 semaphore(%run_scoped3A : memref<!tpu.dma_semaphore, #tpu.memory_space<semaphore_mem>>) src(%dma_wait3A_122 : memref<2848xf32, #tpu.memory_space<vmem>>) dst(%dma_wait3A_120 : memref<2848xf32, #tpu.memory_space<hbm>>)
        tpu.yield
      }) : () -> ()
      "tpu.region"() ({
        %run_scoped3A = tpu.sem_alloc : memref<!tpu.dma_semaphore, #tpu.memory_space<semaphore_mem>>
        %dma_start3A_111 = arith.constant 0 : i32
        %dma_start3A_112 = tpu.memref_slice %arg21[%dma_start3A_111] : memref<2944xi32, #tpu.memory_space<vmem>> -> memref<2848xi32, #tpu.memory_space<vmem>>
        %dma_start3A_113 = tpu.memref_slice %arg10[%mul3A_2] : memref<91000xi32, #tpu.memory_space<hbm>> -> memref<2848xi32, #tpu.memory_space<hbm>>
        %dma_start3A_114 = tpu.memref_slice %arg10[%mul3A_2] : memref<91000xi32, #tpu.memory_space<hbm>> -> memref<2848xi32, #tpu.memory_space<hbm>>
        %dma_start3A_115 = arith.constant 0 : i32
        %dma_start3A_116 = tpu.memref_slice %arg21[%dma_start3A_115] : memref<2944xi32, #tpu.memory_space<vmem>> -> memref<2848xi32, #tpu.memory_space<vmem>>
        tpu.enqueue_dma source(%dma_start3A_116 : memref<2848xi32, #tpu.memory_space<vmem>>) target(%dma_start3A_114 : memref<2848xi32, #tpu.memory_space<hbm>>) target_semaphore(%run_scoped3A : memref<!tpu.dma_semaphore, #tpu.memory_space<semaphore_mem>>)
        %dma_wait3A_117 = arith.constant 0 : i32
        %dma_wait3A_118 = tpu.memref_slice %arg21[%dma_wait3A_117] : memref<2944xi32, #tpu.memory_space<vmem>> -> memref<2848xi32, #tpu.memory_space<vmem>>
        %dma_wait3A_119 = tpu.memref_slice %arg10[%mul3A_2] : memref<91000xi32, #tpu.memory_space<hbm>> -> memref<2848xi32, #tpu.memory_space<hbm>>
        %dma_wait3A_120 = tpu.memref_slice %arg10[%mul3A_2] : memref<91000xi32, #tpu.memory_space<hbm>> -> memref<2848xi32, #tpu.memory_space<hbm>>
        %dma_wait3A_121 = arith.constant 0 : i32
        %dma_wait3A_122 = tpu.memref_slice %arg21[%dma_wait3A_121] : memref<2944xi32, #tpu.memory_space<vmem>> -> memref<2848xi32, #tpu.memory_space<vmem>>
        tpu.wait_dma2 semaphore(%run_scoped3A : memref<!tpu.dma_semaphore, #tpu.memory_space<semaphore_mem>>) src(%dma_wait3A_122 : memref<2848xi32, #tpu.memory_space<vmem>>) dst(%dma_wait3A_120 : memref<2848xi32, #tpu.memory_space<hbm>>)
        tpu.yield
      }) : () -> ()
      %mul3A_107 = arith.constant 4 : i32
      %mul3A_108 = arith.muli %mul3A_2, %mul3A_107 : i32
      "tpu.region"() ({
        %run_scoped3A = tpu.sem_alloc : memref<!tpu.dma_semaphore, #tpu.memory_space<semaphore_mem>>
        %dma_start3A_111 = arith.constant 0 : i32
        %dma_start3A_112 = tpu.memref_slice %arg25[%dma_start3A_111] : memref<11392xf32, #tpu.memory_space<vmem>> -> memref<11392xf32, #tpu.memory_space<vmem>>
        %dma_start3A_113 = tpu.memref_slice %arg11[%mul3A_108] : memref<364000xf32, #tpu.memory_space<hbm>> -> memref<11392xf32, #tpu.memory_space<hbm>>
        %dma_start3A_114 = tpu.memref_slice %arg11[%mul3A_108] : memref<364000xf32, #tpu.memory_space<hbm>> -> memref<11392xf32, #tpu.memory_space<hbm>>
        %dma_start3A_115 = arith.constant 0 : i32
        %dma_start3A_116 = tpu.memref_slice %arg25[%dma_start3A_115] : memref<11392xf32, #tpu.memory_space<vmem>> -> memref<11392xf32, #tpu.memory_space<vmem>>
        tpu.enqueue_dma source(%dma_start3A_116 : memref<11392xf32, #tpu.memory_space<vmem>>) target(%dma_start3A_114 : memref<11392xf32, #tpu.memory_space<hbm>>) target_semaphore(%run_scoped3A : memref<!tpu.dma_semaphore, #tpu.memory_space<semaphore_mem>>)
        %dma_wait3A_117 = arith.constant 0 : i32
        %dma_wait3A_118 = tpu.memref_slice %arg25[%dma_wait3A_117] : memref<11392xf32, #tpu.memory_space<vmem>> -> memref<11392xf32, #tpu.memory_space<vmem>>
        %dma_wait3A_119 = tpu.memref_slice %arg11[%mul3A_108] : memref<364000xf32, #tpu.memory_space<hbm>> -> memref<11392xf32, #tpu.memory_space<hbm>>
        %dma_wait3A_120 = tpu.memref_slice %arg11[%mul3A_108] : memref<364000xf32, #tpu.memory_space<hbm>> -> memref<11392xf32, #tpu.memory_space<hbm>>
        %dma_wait3A_121 = arith.constant 0 : i32
        %dma_wait3A_122 = tpu.memref_slice %arg25[%dma_wait3A_121] : memref<11392xf32, #tpu.memory_space<vmem>> -> memref<11392xf32, #tpu.memory_space<vmem>>
        tpu.wait_dma2 semaphore(%run_scoped3A : memref<!tpu.dma_semaphore, #tpu.memory_space<semaphore_mem>>) src(%dma_wait3A_122 : memref<11392xf32, #tpu.memory_space<vmem>>) dst(%dma_wait3A_120 : memref<11392xf32, #tpu.memory_space<hbm>>)
        tpu.yield
      }) : () -> ()
      %mul3A_109 = arith.constant 4 : i32
      %mul3A_110 = arith.muli %mul3A_2, %mul3A_109 : i32
      "tpu.region"() ({
        %run_scoped3A = tpu.sem_alloc : memref<!tpu.dma_semaphore, #tpu.memory_space<semaphore_mem>>
        %dma_start3A_111 = arith.constant 0 : i32
        %dma_start3A_112 = tpu.memref_slice %arg26[%dma_start3A_111] : memref<11392xf32, #tpu.memory_space<vmem>> -> memref<11392xf32, #tpu.memory_space<vmem>>
        %dma_start3A_113 = tpu.memref_slice %arg12[%mul3A_110] : memref<364000xf32, #tpu.memory_space<hbm>> -> memref<11392xf32, #tpu.memory_space<hbm>>
        %dma_start3A_114 = tpu.memref_slice %arg12[%mul3A_110] : memref<364000xf32, #tpu.memory_space<hbm>> -> memref<11392xf32, #tpu.memory_space<hbm>>
        %dma_start3A_115 = arith.constant 0 : i32
        %dma_start3A_116 = tpu.memref_slice %arg26[%dma_start3A_115] : memref<11392xf32, #tpu.memory_space<vmem>> -> memref<11392xf32, #tpu.memory_space<vmem>>
        tpu.enqueue_dma source(%dma_start3A_116 : memref<11392xf32, #tpu.memory_space<vmem>>) target(%dma_start3A_114 : memref<11392xf32, #tpu.memory_space<hbm>>) target_semaphore(%run_scoped3A : memref<!tpu.dma_semaphore, #tpu.memory_space<semaphore_mem>>)
        %dma_wait3A_117 = arith.constant 0 : i32
        %dma_wait3A_118 = tpu.memref_slice %arg26[%dma_wait3A_117] : memref<11392xf32, #tpu.memory_space<vmem>> -> memref<11392xf32, #tpu.memory_space<vmem>>
        %dma_wait3A_119 = tpu.memref_slice %arg12[%mul3A_110] : memref<364000xf32, #tpu.memory_space<hbm>> -> memref<11392xf32, #tpu.memory_space<hbm>>
        %dma_wait3A_120 = tpu.memref_slice %arg12[%mul3A_110] : memref<364000xf32, #tpu.memory_space<hbm>> -> memref<11392xf32, #tpu.memory_space<hbm>>
        %dma_wait3A_121 = arith.constant 0 : i32
        %dma_wait3A_122 = tpu.memref_slice %arg26[%dma_wait3A_121] : memref<11392xf32, #tpu.memory_space<vmem>> -> memref<11392xf32, #tpu.memory_space<vmem>>
        tpu.wait_dma2 semaphore(%run_scoped3A : memref<!tpu.dma_semaphore, #tpu.memory_space<semaphore_mem>>) src(%dma_wait3A_122 : memref<11392xf32, #tpu.memory_space<vmem>>) dst(%dma_wait3A_120 : memref<11392xf32, #tpu.memory_space<hbm>>)
        tpu.yield
      }) : () -> ()
    } else {
    }
    %eq3A = arith.constant 31 : i32
    %eq3A_68 = arith.cmpi eq, %add3A, %eq3A : i32
    %convert_element_type3A_69 = arith.extui %eq3A_68 : i1 to i32
    %cond3A_70 = arith.constant 0 : i32
    %cond3A_71 = arith.cmpi ne, %convert_element_type3A_69, %cond3A_70 : i32
    scf.if %cond3A_71 {
      %scan3A_72 = arith.constant 0 : i32
      %scan3A_73 = arith.constant 0 : i32
      %scan3A_74 = arith.constant 21 : i32
      %scan3A_75 = arith.addi %scan3A_73, %scan3A_74 : i32
      %scan3A_76 = arith.constant 1 : i32
      %scan3A_77 = scf.for %scan3A_111 = %scan3A_73 to %scan3A_75 step %scan3A_76 iter_args(%scan3A_112 = %scan3A_72) -> (i32)  : i32 {
        %dma_start3A_113 = arith.constant 0 : i32
        %dma_start3A_114 = tpu.memref_slice %arg20[%scan3A_111, %dma_start3A_113] : memref<23x128xi32, #tpu.memory_space<vmem>> -> memref<1x128xi32, #tpu.memory_space<vmem>>
        %dma_start3A_115 = tpu.memref_squeeze %dma_start3A_114 : memref<1x128xi32, #tpu.memory_space<vmem>> -> memref<128xi32, #tpu.memory_space<vmem>>
        %dma_start3A_116 = arith.constant 0 : i32
        %dma_start3A_117 = arith.constant 0 : i32
        %dma_start3A_118 = tpu.memref_slice %arg8[%dma_start3A_116, %dma_start3A_117] : memref<1000x256xf32, #tpu.memory_space<hbm>> -> memref<1000x256xf32, #tpu.memory_space<hbm>>
        tpu.enqueue_indirect_dma source(%dma_start3A_118 : memref<1000x256xf32, #tpu.memory_space<hbm>>) target(%arg27 : memref<128x256xf32, #tpu.memory_space<vmem>>) offsets(%dma_start3A_115 : memref<128xi32, #tpu.memory_space<vmem>>) semaphore(%arg29 : memref<!tpu.dma_semaphore, #tpu.memory_space<semaphore_mem>>)
        %dma_start3A_119 = arith.constant 0 : i32
        %dma_start3A_120 = tpu.memref_slice %arg20[%scan3A_111, %dma_start3A_119] : memref<23x128xi32, #tpu.memory_space<vmem>> -> memref<1x128xi32, #tpu.memory_space<vmem>>
        %dma_start3A_121 = tpu.memref_squeeze %dma_start3A_120 : memref<1x128xi32, #tpu.memory_space<vmem>> -> memref<128xi32, #tpu.memory_space<vmem>>
        %dma_start3A_122 = arith.constant 0 : i32
        %dma_start3A_123 = arith.constant 0 : i32
        %dma_start3A_124 = tpu.memref_slice %arg7[%dma_start3A_122, %dma_start3A_123] : memref<1000x128xf32, #tpu.memory_space<hbm>> -> memref<1000x128xf32, #tpu.memory_space<hbm>>
        tpu.enqueue_indirect_dma source(%dma_start3A_124 : memref<1000x128xf32, #tpu.memory_space<hbm>>) target(%arg28 : memref<128x128xf32, #tpu.memory_space<vmem>>) offsets(%dma_start3A_121 : memref<128xi32, #tpu.memory_space<vmem>>) semaphore(%arg29 : memref<!tpu.dma_semaphore, #tpu.memory_space<semaphore_mem>>)
        %dma_wait3A_125 = arith.constant 0 : i32
        %dma_wait3A_126 = tpu.memref_slice %arg20[%scan3A_111, %dma_wait3A_125] : memref<23x128xi32, #tpu.memory_space<vmem>> -> memref<1x128xi32, #tpu.memory_space<vmem>>
        %dma_wait3A_127 = tpu.memref_squeeze %dma_wait3A_126 : memref<1x128xi32, #tpu.memory_space<vmem>> -> memref<128xi32, #tpu.memory_space<vmem>>
        %dma_wait3A_128 = arith.constant 0 : i32
        %dma_wait3A_129 = arith.constant 0 : i32
        %dma_wait3A_130 = tpu.memref_slice %arg8[%dma_wait3A_128, %dma_wait3A_129] : memref<1000x256xf32, #tpu.memory_space<hbm>> -> memref<1000x256xf32, #tpu.memory_space<hbm>>
        tpu.wait_indirect_dma semaphore(%arg29 : memref<!tpu.dma_semaphore, #tpu.memory_space<semaphore_mem>>) src(%dma_wait3A_130 : memref<1000x256xf32, #tpu.memory_space<hbm>>) dst(%arg27 : memref<128x256xf32, #tpu.memory_space<vmem>>)
        %dma_wait3A_131 = arith.constant 0 : i32
        %dma_wait3A_132 = tpu.memref_slice %arg20[%scan3A_111, %dma_wait3A_131] : memref<23x128xi32, #tpu.memory_space<vmem>> -> memref<1x128xi32, #tpu.memory_space<vmem>>
        %dma_wait3A_133 = tpu.memref_squeeze %dma_wait3A_132 : memref<1x128xi32, #tpu.memory_space<vmem>> -> memref<128xi32, #tpu.memory_space<vmem>>
        %dma_wait3A_134 = arith.constant 0 : i32
        %dma_wait3A_135 = arith.constant 0 : i32
        %dma_wait3A_136 = tpu.memref_slice %arg7[%dma_wait3A_134, %dma_wait3A_135] : memref<1000x128xf32, #tpu.memory_space<hbm>> -> memref<1000x128xf32, #tpu.memory_space<hbm>>
        tpu.wait_indirect_dma semaphore(%arg29 : memref<!tpu.dma_semaphore, #tpu.memory_space<semaphore_mem>>) src(%dma_wait3A_136 : memref<1000x128xf32, #tpu.memory_space<hbm>>) dst(%arg28 : memref<128x128xf32, #tpu.memory_space<vmem>>)
        %mul3A_137 = arith.constant 128 : i32
        %mul3A_138 = arith.muli %scan3A_111, %mul3A_137 : i32
        %add3A_139 = arith.addi %mul3A_2, %mul3A_138 : i32
        "tpu.region"() ({
          %run_scoped3A = tpu.sem_alloc : memref<!tpu.dma_semaphore, #tpu.memory_space<semaphore_mem>>
          %dma_start3A_141 = arith.constant 0 : i32
          %dma_start3A_142 = arith.constant 0 : i32
          %dma_start3A_143 = tpu.memref_slice %arg27[%dma_start3A_141, %dma_start3A_142] : memref<128x256xf32, #tpu.memory_space<vmem>> -> memref<128x256xf32, #tpu.memory_space<vmem>>
          %dma_start3A_144 = arith.constant 0 : i32
          %dma_start3A_145 = tpu.memref_slice %arg14[%add3A_139, %dma_start3A_144] : memref<91000x256xf32, #tpu.memory_space<hbm>> -> memref<128x256xf32, #tpu.memory_space<hbm>>
          %dma_start3A_146 = arith.constant 0 : i32
          %dma_start3A_147 = tpu.memref_slice %arg14[%add3A_139, %dma_start3A_146] : memref<91000x256xf32, #tpu.memory_space<hbm>> -> memref<128x256xf32, #tpu.memory_space<hbm>>
          %dma_start3A_148 = arith.constant 0 : i32
          %dma_start3A_149 = arith.constant 0 : i32
          %dma_start3A_150 = tpu.memref_slice %arg27[%dma_start3A_148, %dma_start3A_149] : memref<128x256xf32, #tpu.memory_space<vmem>> -> memref<128x256xf32, #tpu.memory_space<vmem>>
          tpu.enqueue_dma source(%dma_start3A_150 : memref<128x256xf32, #tpu.memory_space<vmem>>) target(%dma_start3A_147 : memref<128x256xf32, #tpu.memory_space<hbm>>) target_semaphore(%run_scoped3A : memref<!tpu.dma_semaphore, #tpu.memory_space<semaphore_mem>>)
          %dma_wait3A_151 = arith.constant 0 : i32
          %dma_wait3A_152 = arith.constant 0 : i32
          %dma_wait3A_153 = tpu.memref_slice %arg27[%dma_wait3A_151, %dma_wait3A_152] : memref<128x256xf32, #tpu.memory_space<vmem>> -> memref<128x256xf32, #tpu.memory_space<vmem>>
          %dma_wait3A_154 = arith.constant 0 : i32
          %dma_wait3A_155 = tpu.memref_slice %arg14[%add3A_139, %dma_wait3A_154] : memref<91000x256xf32, #tpu.memory_space<hbm>> -> memref<128x256xf32, #tpu.memory_space<hbm>>
          %dma_wait3A_156 = arith.constant 0 : i32
          %dma_wait3A_157 = tpu.memref_slice %arg14[%add3A_139, %dma_wait3A_156] : memref<91000x256xf32, #tpu.memory_space<hbm>> -> memref<128x256xf32, #tpu.memory_space<hbm>>
          %dma_wait3A_158 = arith.constant 0 : i32
          %dma_wait3A_159 = arith.constant 0 : i32
          %dma_wait3A_160 = tpu.memref_slice %arg27[%dma_wait3A_158, %dma_wait3A_159] : memref<128x256xf32, #tpu.memory_space<vmem>> -> memref<128x256xf32, #tpu.memory_space<vmem>>
          tpu.wait_dma2 semaphore(%run_scoped3A : memref<!tpu.dma_semaphore, #tpu.memory_space<semaphore_mem>>) src(%dma_wait3A_160 : memref<128x256xf32, #tpu.memory_space<vmem>>) dst(%dma_wait3A_157 : memref<128x256xf32, #tpu.memory_space<hbm>>)
          tpu.yield
        }) : () -> ()
        "tpu.region"() ({
          %run_scoped3A = tpu.sem_alloc : memref<!tpu.dma_semaphore, #tpu.memory_space<semaphore_mem>>
          %dma_start3A_141 = arith.constant 0 : i32
          %dma_start3A_142 = arith.constant 0 : i32
          %dma_start3A_143 = tpu.memref_slice %arg28[%dma_start3A_141, %dma_start3A_142] : memref<128x128xf32, #tpu.memory_space<vmem>> -> memref<128x128xf32, #tpu.memory_space<vmem>>
          %dma_start3A_144 = arith.constant 0 : i32
          %dma_start3A_145 = tpu.memref_slice %arg13[%add3A_139, %dma_start3A_144] : memref<91000x128xf32, #tpu.memory_space<hbm>> -> memref<128x128xf32, #tpu.memory_space<hbm>>
          %dma_start3A_146 = arith.constant 0 : i32
          %dma_start3A_147 = tpu.memref_slice %arg13[%add3A_139, %dma_start3A_146] : memref<91000x128xf32, #tpu.memory_space<hbm>> -> memref<128x128xf32, #tpu.memory_space<hbm>>
          %dma_start3A_148 = arith.constant 0 : i32
          %dma_start3A_149 = arith.constant 0 : i32
          %dma_start3A_150 = tpu.memref_slice %arg28[%dma_start3A_148, %dma_start3A_149] : memref<128x128xf32, #tpu.memory_space<vmem>> -> memref<128x128xf32, #tpu.memory_space<vmem>>
          tpu.enqueue_dma source(%dma_start3A_150 : memref<128x128xf32, #tpu.memory_space<vmem>>) target(%dma_start3A_147 : memref<128x128xf32, #tpu.memory_space<hbm>>) target_semaphore(%run_scoped3A : memref<!tpu.dma_semaphore, #tpu.memory_space<semaphore_mem>>)
          %dma_wait3A_151 = arith.constant 0 : i32
          %dma_wait3A_152 = arith.constant 0 : i32
          %dma_wait3A_153 = tpu.memref_slice %arg28[%dma_wait3A_151, %dma_wait3A_152] : memref<128x128xf32, #tpu.memory_space<vmem>> -> memref<128x128xf32, #tpu.memory_space<vmem>>
          %dma_wait3A_154 = arith.constant 0 : i32
          %dma_wait3A_155 = tpu.memref_slice %arg13[%add3A_139, %dma_wait3A_154] : memref<91000x128xf32, #tpu.memory_space<hbm>> -> memref<128x128xf32, #tpu.memory_space<hbm>>
          %dma_wait3A_156 = arith.constant 0 : i32
          %dma_wait3A_157 = tpu.memref_slice %arg13[%add3A_139, %dma_wait3A_156] : memref<91000x128xf32, #tpu.memory_space<hbm>> -> memref<128x128xf32, #tpu.memory_space<hbm>>
          %dma_wait3A_158 = arith.constant 0 : i32
          %dma_wait3A_159 = arith.constant 0 : i32
          %dma_wait3A_160 = tpu.memref_slice %arg28[%dma_wait3A_158, %dma_wait3A_159] : memref<128x128xf32, #tpu.memory_space<vmem>> -> memref<128x128xf32, #tpu.memory_space<vmem>>
          tpu.wait_dma2 semaphore(%run_scoped3A : memref<!tpu.dma_semaphore, #tpu.memory_space<semaphore_mem>>) src(%dma_wait3A_160 : memref<128x128xf32, #tpu.memory_space<vmem>>) dst(%dma_wait3A_157 : memref<128x128xf32, #tpu.memory_space<hbm>>)
          tpu.yield
        }) : () -> ()
        %scan3A_140 = arith.constant 0 : i32
        scf.yield %scan3A_140 : i32
      }
      %scan3A_78 = arith.constant 21 : i32
      %dma_start3A = arith.constant 21 : i32
      %dma_start3A_79 = arith.constant 0 : i32
      %dma_start3A_80 = tpu.memref_slice %arg20[%dma_start3A, %dma_start3A_79] : memref<23x128xi32, #tpu.memory_space<vmem>> -> memref<1x128xi32, #tpu.memory_space<vmem>>
      %dma_start3A_81 = tpu.memref_squeeze %dma_start3A_80 : memref<1x128xi32, #tpu.memory_space<vmem>> -> memref<128xi32, #tpu.memory_space<vmem>>
      %dma_start3A_82 = arith.constant 0 : i32
      %dma_start3A_83 = arith.constant 0 : i32
      %dma_start3A_84 = tpu.memref_slice %arg8[%dma_start3A_82, %dma_start3A_83] : memref<1000x256xf32, #tpu.memory_space<hbm>> -> memref<1000x256xf32, #tpu.memory_space<hbm>>
      tpu.enqueue_indirect_dma source(%dma_start3A_84 : memref<1000x256xf32, #tpu.memory_space<hbm>>) target(%arg27 : memref<128x256xf32, #tpu.memory_space<vmem>>) offsets(%dma_start3A_81 : memref<128xi32, #tpu.memory_space<vmem>>) semaphore(%arg29 : memref<!tpu.dma_semaphore, #tpu.memory_space<semaphore_mem>>)
      %dma_start3A_85 = arith.constant 21 : i32
      %dma_start3A_86 = arith.constant 0 : i32
      %dma_start3A_87 = tpu.memref_slice %arg20[%dma_start3A_85, %dma_start3A_86] : memref<23x128xi32, #tpu.memory_space<vmem>> -> memref<1x128xi32, #tpu.memory_space<vmem>>
      %dma_start3A_88 = tpu.memref_squeeze %dma_start3A_87 : memref<1x128xi32, #tpu.memory_space<vmem>> -> memref<128xi32, #tpu.memory_space<vmem>>
      %dma_start3A_89 = arith.constant 0 : i32
      %dma_start3A_90 = arith.constant 0 : i32
      %dma_start3A_91 = tpu.memref_slice %arg7[%dma_start3A_89, %dma_start3A_90] : memref<1000x128xf32, #tpu.memory_space<hbm>> -> memref<1000x128xf32, #tpu.memory_space<hbm>>
      tpu.enqueue_indirect_dma source(%dma_start3A_91 : memref<1000x128xf32, #tpu.memory_space<hbm>>) target(%arg28 : memref<128x128xf32, #tpu.memory_space<vmem>>) offsets(%dma_start3A_88 : memref<128xi32, #tpu.memory_space<vmem>>) semaphore(%arg29 : memref<!tpu.dma_semaphore, #tpu.memory_space<semaphore_mem>>)
      %dma_wait3A = arith.constant 21 : i32
      %dma_wait3A_92 = arith.constant 0 : i32
      %dma_wait3A_93 = tpu.memref_slice %arg20[%dma_wait3A, %dma_wait3A_92] : memref<23x128xi32, #tpu.memory_space<vmem>> -> memref<1x128xi32, #tpu.memory_space<vmem>>
      %dma_wait3A_94 = tpu.memref_squeeze %dma_wait3A_93 : memref<1x128xi32, #tpu.memory_space<vmem>> -> memref<128xi32, #tpu.memory_space<vmem>>
      %dma_wait3A_95 = arith.constant 0 : i32
      %dma_wait3A_96 = arith.constant 0 : i32
      %dma_wait3A_97 = tpu.memref_slice %arg8[%dma_wait3A_95, %dma_wait3A_96] : memref<1000x256xf32, #tpu.memory_space<hbm>> -> memref<1000x256xf32, #tpu.memory_space<hbm>>
      tpu.wait_indirect_dma semaphore(%arg29 : memref<!tpu.dma_semaphore, #tpu.memory_space<semaphore_mem>>) src(%dma_wait3A_97 : memref<1000x256xf32, #tpu.memory_space<hbm>>) dst(%arg27 : memref<128x256xf32, #tpu.memory_space<vmem>>)
      %dma_wait3A_98 = arith.constant 21 : i32
      %dma_wait3A_99 = arith.constant 0 : i32
      %dma_wait3A_100 = tpu.memref_slice %arg20[%dma_wait3A_98, %dma_wait3A_99] : memref<23x128xi32, #tpu.memory_space<vmem>> -> memref<1x128xi32, #tpu.memory_space<vmem>>
      %dma_wait3A_101 = tpu.memref_squeeze %dma_wait3A_100 : memref<1x128xi32, #tpu.memory_space<vmem>> -> memref<128xi32, #tpu.memory_space<vmem>>
      %dma_wait3A_102 = arith.constant 0 : i32
      %dma_wait3A_103 = arith.constant 0 : i32
      %dma_wait3A_104 = tpu.memref_slice %arg7[%dma_wait3A_102, %dma_wait3A_103] : memref<1000x128xf32, #tpu.memory_space<hbm>> -> memref<1000x128xf32, #tpu.memory_space<hbm>>
      tpu.wait_indirect_dma semaphore(%arg29 : memref<!tpu.dma_semaphore, #tpu.memory_space<semaphore_mem>>) src(%dma_wait3A_104 : memref<1000x128xf32, #tpu.memory_space<hbm>>) dst(%arg28 : memref<128x128xf32, #tpu.memory_space<vmem>>)
      %add3A_105 = arith.constant 2688 : i32
      %add3A_106 = arith.addi %mul3A_2, %add3A_105 : i32
      "tpu.region"() ({
        %run_scoped3A = tpu.sem_alloc : memref<!tpu.dma_semaphore, #tpu.memory_space<semaphore_mem>>
        %dma_start3A_111 = arith.constant 0 : i32
        %dma_start3A_112 = arith.constant 0 : i32
        %dma_start3A_113 = tpu.memref_slice %arg27[%dma_start3A_111, %dma_start3A_112] : memref<128x256xf32, #tpu.memory_space<vmem>> -> memref<24x256xf32, #tpu.memory_space<vmem>>
        %dma_start3A_114 = arith.constant 0 : i32
        %dma_start3A_115 = tpu.memref_slice %arg14[%add3A_106, %dma_start3A_114] : memref<91000x256xf32, #tpu.memory_space<hbm>> -> memref<24x256xf32, #tpu.memory_space<hbm>>
        %dma_start3A_116 = arith.constant 0 : i32
        %dma_start3A_117 = tpu.memref_slice %arg14[%add3A_106, %dma_start3A_116] : memref<91000x256xf32, #tpu.memory_space<hbm>> -> memref<24x256xf32, #tpu.memory_space<hbm>>
        %dma_start3A_118 = arith.constant 0 : i32
        %dma_start3A_119 = arith.constant 0 : i32
        %dma_start3A_120 = tpu.memref_slice %arg27[%dma_start3A_118, %dma_start3A_119] : memref<128x256xf32, #tpu.memory_space<vmem>> -> memref<24x256xf32, #tpu.memory_space<vmem>>
        tpu.enqueue_dma source(%dma_start3A_120 : memref<24x256xf32, #tpu.memory_space<vmem>>) target(%dma_start3A_117 : memref<24x256xf32, #tpu.memory_space<hbm>>) target_semaphore(%run_scoped3A : memref<!tpu.dma_semaphore, #tpu.memory_space<semaphore_mem>>)
        %dma_wait3A_121 = arith.constant 0 : i32
        %dma_wait3A_122 = arith.constant 0 : i32
        %dma_wait3A_123 = tpu.memref_slice %arg27[%dma_wait3A_121, %dma_wait3A_122] : memref<128x256xf32, #tpu.memory_space<vmem>> -> memref<24x256xf32, #tpu.memory_space<vmem>>
        %dma_wait3A_124 = arith.constant 0 : i32
        %dma_wait3A_125 = tpu.memref_slice %arg14[%add3A_106, %dma_wait3A_124] : memref<91000x256xf32, #tpu.memory_space<hbm>> -> memref<24x256xf32, #tpu.memory_space<hbm>>
        %dma_wait3A_126 = arith.constant 0 : i32
        %dma_wait3A_127 = tpu.memref_slice %arg14[%add3A_106, %dma_wait3A_126] : memref<91000x256xf32, #tpu.memory_space<hbm>> -> memref<24x256xf32, #tpu.memory_space<hbm>>
        %dma_wait3A_128 = arith.constant 0 : i32
        %dma_wait3A_129 = arith.constant 0 : i32
        %dma_wait3A_130 = tpu.memref_slice %arg27[%dma_wait3A_128, %dma_wait3A_129] : memref<128x256xf32, #tpu.memory_space<vmem>> -> memref<24x256xf32, #tpu.memory_space<vmem>>
        tpu.wait_dma2 semaphore(%run_scoped3A : memref<!tpu.dma_semaphore, #tpu.memory_space<semaphore_mem>>) src(%dma_wait3A_130 : memref<24x256xf32, #tpu.memory_space<vmem>>) dst(%dma_wait3A_127 : memref<24x256xf32, #tpu.memory_space<hbm>>)
        tpu.yield
      }) : () -> ()
      "tpu.region"() ({
        %run_scoped3A = tpu.sem_alloc : memref<!tpu.dma_semaphore, #tpu.memory_space<semaphore_mem>>
        %dma_start3A_111 = arith.constant 0 : i32
        %dma_start3A_112 = arith.constant 0 : i32
        %dma_start3A_113 = tpu.memref_slice %arg28[%dma_start3A_111, %dma_start3A_112] : memref<128x128xf32, #tpu.memory_space<vmem>> -> memref<24x128xf32, #tpu.memory_space<vmem>>
        %dma_start3A_114 = arith.constant 0 : i32
        %dma_start3A_115 = tpu.memref_slice %arg13[%add3A_106, %dma_start3A_114] : memref<91000x128xf32, #tpu.memory_space<hbm>> -> memref<24x128xf32, #tpu.memory_space<hbm>>
        %dma_start3A_116 = arith.constant 0 : i32
        %dma_start3A_117 = tpu.memref_slice %arg13[%add3A_106, %dma_start3A_116] : memref<91000x128xf32, #tpu.memory_space<hbm>> -> memref<24x128xf32, #tpu.memory_space<hbm>>
        %dma_start3A_118 = arith.constant 0 : i32
        %dma_start3A_119 = arith.constant 0 : i32
        %dma_start3A_120 = tpu.memref_slice %arg28[%dma_start3A_118, %dma_start3A_119] : memref<128x128xf32, #tpu.memory_space<vmem>> -> memref<24x128xf32, #tpu.memory_space<vmem>>
        tpu.enqueue_dma source(%dma_start3A_120 : memref<24x128xf32, #tpu.memory_space<vmem>>) target(%dma_start3A_117 : memref<24x128xf32, #tpu.memory_space<hbm>>) target_semaphore(%run_scoped3A : memref<!tpu.dma_semaphore, #tpu.memory_space<semaphore_mem>>)
        %dma_wait3A_121 = arith.constant 0 : i32
        %dma_wait3A_122 = arith.constant 0 : i32
        %dma_wait3A_123 = tpu.memref_slice %arg28[%dma_wait3A_121, %dma_wait3A_122] : memref<128x128xf32, #tpu.memory_space<vmem>> -> memref<24x128xf32, #tpu.memory_space<vmem>>
        %dma_wait3A_124 = arith.constant 0 : i32
        %dma_wait3A_125 = tpu.memref_slice %arg13[%add3A_106, %dma_wait3A_124] : memref<91000x128xf32, #tpu.memory_space<hbm>> -> memref<24x128xf32, #tpu.memory_space<hbm>>
        %dma_wait3A_126 = arith.constant 0 : i32
        %dma_wait3A_127 = tpu.memref_slice %arg13[%add3A_106, %dma_wait3A_126] : memref<91000x128xf32, #tpu.memory_space<hbm>> -> memref<24x128xf32, #tpu.memory_space<hbm>>
        %dma_wait3A_128 = arith.constant 0 : i32
        %dma_wait3A_129 = arith.constant 0 : i32
        %dma_wait3A_130 = tpu.memref_slice %arg28[%dma_wait3A_128, %dma_wait3A_129] : memref<128x128xf32, #tpu.memory_space<vmem>> -> memref<24x128xf32, #tpu.memory_space<vmem>>
        tpu.wait_dma2 semaphore(%run_scoped3A : memref<!tpu.dma_semaphore, #tpu.memory_space<semaphore_mem>>) src(%dma_wait3A_130 : memref<24x128xf32, #tpu.memory_space<vmem>>) dst(%dma_wait3A_127 : memref<24x128xf32, #tpu.memory_space<hbm>>)
        tpu.yield
      }) : () -> ()
      "tpu.region"() ({
        %run_scoped3A = tpu.sem_alloc : memref<!tpu.dma_semaphore, #tpu.memory_space<semaphore_mem>>
        %dma_start3A_111 = arith.constant 0 : i32
        %dma_start3A_112 = tpu.memref_slice %arg22[%dma_start3A_111] : memref<2944xf32, #tpu.memory_space<vmem>> -> memref<2712xf32, #tpu.memory_space<vmem>>
        %dma_start3A_113 = tpu.memref_slice %arg9[%mul3A_2] : memref<91000xf32, #tpu.memory_space<hbm>> -> memref<2712xf32, #tpu.memory_space<hbm>>
        %dma_start3A_114 = tpu.memref_slice %arg9[%mul3A_2] : memref<91000xf32, #tpu.memory_space<hbm>> -> memref<2712xf32, #tpu.memory_space<hbm>>
        %dma_start3A_115 = arith.constant 0 : i32
        %dma_start3A_116 = tpu.memref_slice %arg22[%dma_start3A_115] : memref<2944xf32, #tpu.memory_space<vmem>> -> memref<2712xf32, #tpu.memory_space<vmem>>
        tpu.enqueue_dma source(%dma_start3A_116 : memref<2712xf32, #tpu.memory_space<vmem>>) target(%dma_start3A_114 : memref<2712xf32, #tpu.memory_space<hbm>>) target_semaphore(%run_scoped3A : memref<!tpu.dma_semaphore, #tpu.memory_space<semaphore_mem>>)
        %dma_wait3A_117 = arith.constant 0 : i32
        %dma_wait3A_118 = tpu.memref_slice %arg22[%dma_wait3A_117] : memref<2944xf32, #tpu.memory_space<vmem>> -> memref<2712xf32, #tpu.memory_space<vmem>>
        %dma_wait3A_119 = tpu.memref_slice %arg9[%mul3A_2] : memref<91000xf32, #tpu.memory_space<hbm>> -> memref<2712xf32, #tpu.memory_space<hbm>>
        %dma_wait3A_120 = tpu.memref_slice %arg9[%mul3A_2] : memref<91000xf32, #tpu.memory_space<hbm>> -> memref<2712xf32, #tpu.memory_space<hbm>>
        %dma_wait3A_121 = arith.constant 0 : i32
        %dma_wait3A_122 = tpu.memref_slice %arg22[%dma_wait3A_121] : memref<2944xf32, #tpu.memory_space<vmem>> -> memref<2712xf32, #tpu.memory_space<vmem>>
        tpu.wait_dma2 semaphore(%run_scoped3A : memref<!tpu.dma_semaphore, #tpu.memory_space<semaphore_mem>>) src(%dma_wait3A_122 : memref<2712xf32, #tpu.memory_space<vmem>>) dst(%dma_wait3A_120 : memref<2712xf32, #tpu.memory_space<hbm>>)
        tpu.yield
      }) : () -> ()
      "tpu.region"() ({
        %run_scoped3A = tpu.sem_alloc : memref<!tpu.dma_semaphore, #tpu.memory_space<semaphore_mem>>
        %dma_start3A_111 = arith.constant 0 : i32
        %dma_start3A_112 = tpu.memref_slice %arg21[%dma_start3A_111] : memref<2944xi32, #tpu.memory_space<vmem>> -> memref<2712xi32, #tpu.memory_space<vmem>>
        %dma_start3A_113 = tpu.memref_slice %arg10[%mul3A_2] : memref<91000xi32, #tpu.memory_space<hbm>> -> memref<2712xi32, #tpu.memory_space<hbm>>
        %dma_start3A_114 = tpu.memref_slice %arg10[%mul3A_2] : memref<91000xi32, #tpu.memory_space<hbm>> -> memref<2712xi32, #tpu.memory_space<hbm>>
        %dma_start3A_115 = arith.constant 0 : i32
        %dma_start3A_116 = tpu.memref_slice %arg21[%dma_start3A_115] : memref<2944xi32, #tpu.memory_space<vmem>> -> memref<2712xi32, #tpu.memory_space<vmem>>
        tpu.enqueue_dma source(%dma_start3A_116 : memref<2712xi32, #tpu.memory_space<vmem>>) target(%dma_start3A_114 : memref<2712xi32, #tpu.memory_space<hbm>>) target_semaphore(%run_scoped3A : memref<!tpu.dma_semaphore, #tpu.memory_space<semaphore_mem>>)
        %dma_wait3A_117 = arith.constant 0 : i32
        %dma_wait3A_118 = tpu.memref_slice %arg21[%dma_wait3A_117] : memref<2944xi32, #tpu.memory_space<vmem>> -> memref<2712xi32, #tpu.memory_space<vmem>>
        %dma_wait3A_119 = tpu.memref_slice %arg10[%mul3A_2] : memref<91000xi32, #tpu.memory_space<hbm>> -> memref<2712xi32, #tpu.memory_space<hbm>>
        %dma_wait3A_120 = tpu.memref_slice %arg10[%mul3A_2] : memref<91000xi32, #tpu.memory_space<hbm>> -> memref<2712xi32, #tpu.memory_space<hbm>>
        %dma_wait3A_121 = arith.constant 0 : i32
        %dma_wait3A_122 = tpu.memref_slice %arg21[%dma_wait3A_121] : memref<2944xi32, #tpu.memory_space<vmem>> -> memref<2712xi32, #tpu.memory_space<vmem>>
        tpu.wait_dma2 semaphore(%run_scoped3A : memref<!tpu.dma_semaphore, #tpu.memory_space<semaphore_mem>>) src(%dma_wait3A_122 : memref<2712xi32, #tpu.memory_space<vmem>>) dst(%dma_wait3A_120 : memref<2712xi32, #tpu.memory_space<hbm>>)
        tpu.yield
      }) : () -> ()
      %mul3A_107 = arith.constant 4 : i32
      %mul3A_108 = arith.muli %mul3A_2, %mul3A_107 : i32
      "tpu.region"() ({
        %run_scoped3A = tpu.sem_alloc : memref<!tpu.dma_semaphore, #tpu.memory_space<semaphore_mem>>
        %dma_start3A_111 = arith.constant 0 : i32
        %dma_start3A_112 = tpu.memref_slice %arg25[%dma_start3A_111] : memref<11392xf32, #tpu.memory_space<vmem>> -> memref<10848xf32, #tpu.memory_space<vmem>>
        %dma_start3A_113 = tpu.memref_slice %arg11[%mul3A_108] : memref<364000xf32, #tpu.memory_space<hbm>> -> memref<10848xf32, #tpu.memory_space<hbm>>
        %dma_start3A_114 = tpu.memref_slice %arg11[%mul3A_108] : memref<364000xf32, #tpu.memory_space<hbm>> -> memref<10848xf32, #tpu.memory_space<hbm>>
        %dma_start3A_115 = arith.constant 0 : i32
        %dma_start3A_116 = tpu.memref_slice %arg25[%dma_start3A_115] : memref<11392xf32, #tpu.memory_space<vmem>> -> memref<10848xf32, #tpu.memory_space<vmem>>
        tpu.enqueue_dma source(%dma_start3A_116 : memref<10848xf32, #tpu.memory_space<vmem>>) target(%dma_start3A_114 : memref<10848xf32, #tpu.memory_space<hbm>>) target_semaphore(%run_scoped3A : memref<!tpu.dma_semaphore, #tpu.memory_space<semaphore_mem>>)
        %dma_wait3A_117 = arith.constant 0 : i32
        %dma_wait3A_118 = tpu.memref_slice %arg25[%dma_wait3A_117] : memref<11392xf32, #tpu.memory_space<vmem>> -> memref<10848xf32, #tpu.memory_space<vmem>>
        %dma_wait3A_119 = tpu.memref_slice %arg11[%mul3A_108] : memref<364000xf32, #tpu.memory_space<hbm>> -> memref<10848xf32, #tpu.memory_space<hbm>>
        %dma_wait3A_120 = tpu.memref_slice %arg11[%mul3A_108] : memref<364000xf32, #tpu.memory_space<hbm>> -> memref<10848xf32, #tpu.memory_space<hbm>>
        %dma_wait3A_121 = arith.constant 0 : i32
        %dma_wait3A_122 = tpu.memref_slice %arg25[%dma_wait3A_121] : memref<11392xf32, #tpu.memory_space<vmem>> -> memref<10848xf32, #tpu.memory_space<vmem>>
        tpu.wait_dma2 semaphore(%run_scoped3A : memref<!tpu.dma_semaphore, #tpu.memory_space<semaphore_mem>>) src(%dma_wait3A_122 : memref<10848xf32, #tpu.memory_space<vmem>>) dst(%dma_wait3A_120 : memref<10848xf32, #tpu.memory_space<hbm>>)
        tpu.yield
      }) : () -> ()
      %mul3A_109 = arith.constant 4 : i32
      %mul3A_110 = arith.muli %mul3A_2, %mul3A_109 : i32
      "tpu.region"() ({
        %run_scoped3A = tpu.sem_alloc : memref<!tpu.dma_semaphore, #tpu.memory_space<semaphore_mem>>
        %dma_start3A_111 = arith.constant 0 : i32
        %dma_start3A_112 = tpu.memref_slice %arg26[%dma_start3A_111] : memref<11392xf32, #tpu.memory_space<vmem>> -> memref<10848xf32, #tpu.memory_space<vmem>>
        %dma_start3A_113 = tpu.memref_slice %arg12[%mul3A_110] : memref<364000xf32, #tpu.memory_space<hbm>> -> memref<10848xf32, #tpu.memory_space<hbm>>
        %dma_start3A_114 = tpu.memref_slice %arg12[%mul3A_110] : memref<364000xf32, #tpu.memory_space<hbm>> -> memref<10848xf32, #tpu.memory_space<hbm>>
        %dma_start3A_115 = arith.constant 0 : i32
        %dma_start3A_116 = tpu.memref_slice %arg26[%dma_start3A_115] : memref<11392xf32, #tpu.memory_space<vmem>> -> memref<10848xf32, #tpu.memory_space<vmem>>
        tpu.enqueue_dma source(%dma_start3A_116 : memref<10848xf32, #tpu.memory_space<vmem>>) target(%dma_start3A_114 : memref<10848xf32, #tpu.memory_space<hbm>>) target_semaphore(%run_scoped3A : memref<!tpu.dma_semaphore, #tpu.memory_space<semaphore_mem>>)
        %dma_wait3A_117 = arith.constant 0 : i32
        %dma_wait3A_118 = tpu.memref_slice %arg26[%dma_wait3A_117] : memref<11392xf32, #tpu.memory_space<vmem>> -> memref<10848xf32, #tpu.memory_space<vmem>>
        %dma_wait3A_119 = tpu.memref_slice %arg12[%mul3A_110] : memref<364000xf32, #tpu.memory_space<hbm>> -> memref<10848xf32, #tpu.memory_space<hbm>>
        %dma_wait3A_120 = tpu.memref_slice %arg12[%mul3A_110] : memref<364000xf32, #tpu.memory_space<hbm>> -> memref<10848xf32, #tpu.memory_space<hbm>>
        %dma_wait3A_121 = arith.constant 0 : i32
        %dma_wait3A_122 = tpu.memref_slice %arg26[%dma_wait3A_121] : memref<11392xf32, #tpu.memory_space<vmem>> -> memref<10848xf32, #tpu.memory_space<vmem>>
        tpu.wait_dma2 semaphore(%run_scoped3A : memref<!tpu.dma_semaphore, #tpu.memory_space<semaphore_mem>>) src(%dma_wait3A_122 : memref<10848xf32, #tpu.memory_space<vmem>>) dst(%dma_wait3A_120 : memref<10848xf32, #tpu.memory_space<hbm>>)
        tpu.yield
      }) : () -> ()
    } else {
    }
    return
  }
}

</mosaic_0001>

<sc_bundles>
// kernel: kernel.4.cloned.1.call-start
scs
__scs_entry_jumppad:
0x0: {  	(pc) =	sbr.rel $0x88, $3  }
0x1: {  	(tag) =	ssettag $0x0;
	lr =	simm.s32 $0x1  }
0x2: {  	[smem:$0x3F9D] =	sst lr;
	_ =	strace $0xD0000000  }
0x3: {  	_ = 	snop  }
0x4: {  	_ = 	snop  }
0x5: {  	_ = 	snop  }
0x6: {  	_ = 	snop  }
0x7: {  	_ = 	snop  }
__scs_overlays_trampoline_lowered:
0x8: {  	[smem:$0x3FAC] =	sst s0  }
0x9: {  	[smem:$0x3FAD] =	sst s1  }
0xa: {  	[smem:$0x3FAE] =	sst s2  }
0xb: {  	[smem:$0x3FAF] =	sst s3  }
0xc: {  	[smem:$0x3FB0] =	sst s4  }
0xd: {  	[smem:$0x3FB1] =	sst s5  }
0xe: {  	[smem:$0x3FB2] =	sst s6  }
0xf: {  	[smem:$0x3FB3] =	sst s7  }
0x10: {  	[smem:$0x3FB4] =	sst s8  }
0x11: {  	[smem:$0x3FB5] =	sst s9;
	s0 =	simm.s32 @!p0 $0x0  }
0x12: {  	s1 =	sld [smem:$0x3F9B];
	s0 =	simm.s32 @p0 $0x1  }
0x13: {  	[smem:$0x3FB6] =	sst s0;
	s0 =	simm.s32 @!p1 $0x0  }
0x14: {  	s2 =	sld [smem:$0x3F9A];
	s0 =	simm.s32 @p1 $0x1  }
0x15: {  	[smem:$0x3FB7] =	sst s0;
	s0 =	simm.s32 @!p2 $0x0  }
0x16: {  	s3 =	sld [smem:$0x3FDB];
	s0 =	simm.s32 @p2 $0x1  }
0x17: {  	s4 =	simm.s32 $0x1BF5;
	[smem:$0x3FB9] =	sst s0  }
0x18: {  	s0 =	sld [smem:$0x3F9C];
	_ =	swait.ge [sflag:s4], $0x0  }
0x19: {  	s7 =	sld [smem:$0x3F9D]  }
0x1a: {  	s8 =	sadd.s32 $0xFFFFE003, lr  }
0x1b: {  	s9 =	sadd.s32 $0xFFFFFEF7, lr;
	s5 =	simm.s32 $0xFFFFFFFF;
	p2 =	slt.u32 s8, $0xFFFFF086  }
0x1c: {  	p1 =	slt.u32 s9, $0xF7A;
	s5 =	simm.s32 @!p2 $0x0  }
0x1d: {  	s5 =	simm.s32 @p1 $0x1;
	p0 =	seq.s32 s7, s2  }
0x1e: {  	s7 =	smul.u32 @!p0 $0xF7A, s2;
	p2 =	seq.s32 @!p0 s5, $0x0  }
0x1f: {  	s9 =	smul.u32 $0xF7A, s1;
	s8 =	simm.s32 @!p0 $0x1BF5;
	p2 =	por !p2, p0  }
0x20: {  	[sflag:s8] =	ssyncset.s32 @!p0 $0xFFFFF086;
	s6 =	sadd.s32 @!p0 s3, s7;
	s7 =	simm.s32 @!p0 $0x108  }
0x21: {  	s3 =	sadd.s32 s3, s9;
	s6 =	sadd.s32 @!p0 $0x88, s6;
	s7 =	simm.s32 @p2 $0x1082  }
0x22: {  	[simem:s7], [sflag:s8] =	dma.local @!p0 [hbm:s6], $0xF7A  }
0x23: {  	s9 =	sor.u32 $0xD0000000, s2;
	s6 =	simm.s32 $0x108;
	_ =	swait.ge @!p0 [sflag:s8], $0x0  }
0x24: {  	s3 =	sadd.s32 $0x88, s3;
	s6 =	simm.s32 @!p1 $0x1082;
	[sflag:s4] =	ssyncset.s32 $0xFFFFF086  }
0x25: {  	[simem:s6], [sflag:s4] =	dma.local [hbm:s3], $0xF7A  }
0x26: {  	[smem:$0x3F9D] =	sst s1;
	(tag) =	ssettag s2;
	_ =	strace s9  }
0x27: {  	s1 =	sld [smem:$0x3FAD]  }
0x28: {  	s2 =	sld [smem:$0x3FAE]  }
0x29: {  	s4 =	sld [smem:$0x3FB0]  }
0x2a: {  	p0 =	seq.s32 s5, $0x0;
	s5 =	sld [smem:$0x3FB1]  }
0x2b: {  	s6 =	sld [smem:$0x3FB2]  }
0x2c: {  	s7 =	sld [smem:$0x3FB3]  }
0x2d: {  	s3 =	simm.s32 $0x108;
	s8 =	sld [smem:$0x3FB4]  }
0x2e: {  	s3 =	simm.s32 @!p0 $0x1082;
	s9 =	sld [smem:$0x3FB5]  }
0x2f: {  	lr =	sadd.s32 s0, s3;
	s0 =	sld [smem:$0x3FAC]  }
0x30: {  	s3 =	sld [smem:$0x3FAF]  }
0x31: {  	[smem:$0x3FB8] =	sst s10  }
0x32: {  	s10 =	sld [smem:$0x3FB6];
	_ =	sdelay $0x3  }
0x33: {  	p0 =	seq.s32 s10, $0x1;
	s10 =	sld [smem:$0x3FB8];
	_ =	sdelay $0x3  }
0x34: {  	[smem:$0x3FB8] =	sst s10  }
0x35: {  	s10 =	sld [smem:$0x3FB7];
	_ =	sdelay $0x3  }
0x36: {  	p1 =	seq.s32 s10, $0x1;
	s10 =	sld [smem:$0x3FB8];
	_ =	sdelay $0x3  }
0x37: {  	[smem:$0x3FB8] =	sst s10  }
0x38: {  	s10 =	sld [smem:$0x3FB9]  }
0x39: {  	_ = 	snop;
	(pc) =	sbr.ind lr, $3  }
0x3a: {  	_ = 	snop  }
0x3b: {  	_ = 	snop  }
0x3c: {  	p2 =	seq.s32 s10, $0x1;
	s10 =	sld [smem:$0x3FB8]  }
0x3d: {  	_ =	shalt  }
0x3e: {  	_ =	shalt  }
0x3f: {  	_ =	shalt  }
0x40: {  	_ =	shalt  }
0x41: {  	_ =	shalt  }
0x42: {  	_ =	shalt  }
0x43: {  	_ =	shalt  }
0x44: {  	_ =	shalt  }
0x45: {  	_ =	shalt  }
0x46: {  	_ =	shalt  }
0x47: {  	_ =	shalt  }
0x48: {  	_ =	shalt  }
0x49: {  	_ =	shalt  }
0x4a: {  	_ =	shalt  }
0x4b: {  	_ =	shalt  }
0x4c: {  	_ =	shalt  }
0x4d: {  	_ =	shalt  }
0x4e: {  	_ =	shalt  }
0x4f: {  	_ =	shalt  }
0x50: {  	_ =	shalt  }
0x51: {  	_ =	shalt  }
0x52: {  	_ =	shalt  }
0x53: {  	_ =	shalt  }
0x54: {  	_ =	shalt  }
0x55: {  	_ =	shalt  }
0x56: {  	_ =	shalt  }
0x57: {  	_ =	shalt  }
0x58: {  	_ =	shalt  }
0x59: {  	_ =	shalt  }
0x5a: {  	_ =	shalt  }
0x5b: {  	_ =	shalt  }
0x5c: {  	_ =	shalt  }
0x5d: {  	_ =	shalt  }
0x5e: {  	_ =	shalt  }
0x5f: {  	_ =	shalt  }
0x60: {  	_ =	shalt  }
0x61: {  	_ =	shalt  }
0x62: {  	_ =	shalt  }
0x63: {  	_ =	shalt  }
0x64: {  	_ =	shalt  }
0x65: {  	_ =	shalt  }
0x66: {  	_ =	shalt  }
0x67: {  	_ =	shalt  }
0x68: {  	_ =	shalt  }
0x69: {  	_ =	shalt  }
0x6a: {  	_ =	shalt  }
0x6b: {  	_ =	shalt  }
0x6c: {  	_ =	shalt  }
0x6d: {  	_ =	shalt  }
0x6e: {  	_ =	shalt  }
0x6f: {  	_ =	shalt  }
0x70: {  	_ =	shalt  }
0x71: {  	_ =	shalt  }
0x72: {  	_ =	shalt  }
0x73: {  	_ =	shalt  }
0x74: {  	_ =	shalt  }
0x75: {  	_ =	shalt  }
0x76: {  	_ =	shalt  }
0x77: {  	_ =	shalt  }
0x78: {  	_ =	shalt  }
0x79: {  	_ =	shalt  }
0x7a: {  	_ =	shalt  }
0x7b: {  	_ =	shalt  }
0x7c: {  	_ =	shalt  }
0x7d: {  	_ =	shalt  }
0x7e: {  	_ =	shalt  }
0x7f: {  	_ =	shalt  }
0x80: {  	_ =	shalt  }
0x81: {  	_ =	shalt  }
0x82: {  	_ =	shalt  }
0x83: {  	_ =	shalt  }
0x84: {  	_ =	shalt  }
0x85: {  	_ =	shalt  }
0x86: {  	_ =	shalt  }
0x87: {  	_ =	shalt  }
.Lfunc_end0:
.L_simem_size_0:
called_computation_lowered:
.L_overlay_start_0:
0x88: {  	s2 =	sld [smem:$0x3FD9]  }
0x89: {  	s3 =	sld [smem:$0x3FFE];
	_ =	sdelay $0x1  }
0x8a: {  	s1 =	srdreg.scid  }
0x8b: {  	s0 =	sand.u32 $0x1, s1  }
0x8c: {  	s14 =	sshll.u32 s0, $0xA;
	s2 =	sadd.s32 s3, s2  }
0x8d: {  	s2 =	sadd.s32 s2, s14  }
0x8e: {  	[smem:$0x3FC4] =	sst s2  }
0x8f: {  	_ = 	snop  }
0x90: {  	s2 =	sld [smem:$0x3FD0];
	_ =	sdelay $0x2  }
0x91: {  	s15 =	simm.s32 $0xA;
	s4 =	simm.s32 $0x10  }
0x92: {  	[smem:s4], [sflag:s15] =	dma.local [hbm:s2], $0x1  }
0x93: {  	_ =	swait.eq [sflag:s15], $0x1  }
0x94: {  	s16 =	sld [smem:$0x10]  }
0x95: {  	s17 =	sld [smem:$0x11]  }
0x96: {  	s5 =	sld [smem:$0x12]  }
0x97: {  	s6 =	sld [smem:$0x13];
	[sflag:s15] =	ssyncset.done $0x0  }
0x98: {  	s7 =	sld [smem:$0x14];
	[sflag:s15] =	ssyncadd.s32 $0xFFFFFFFF  }
0x99: {  	s18 =	sld [smem:$0x15];
	(tm) =	ssettm $0x1  }
0x9a: {  	s8 =	sld [smem:$0x3FFB];
	_ =	sdelay $0x3  }
0x9b: {  	_ =	strace s8  }
0x9c: {  	s8 =	sld [smem:$0x3FFC];
	_ =	sdelay $0x3  }
0x9d: {  	_ =	strace s8  }
0x9e: {  	s8 =	sld [smem:$0x3FFD];
	_ =	sdelay $0x3  }
0x9f: {  	_ =	strace s8  }
0xa0: {  	_ =	strace $0x8FFFFFFF  }
0xa1: {  	s19 =	sld [smem:$0x3FDB];
	_ =	sdelay $0x1  }
0xa2: {  	s9 =	simm.s32 $_scs_section_size  }
0xa3: {  	s10 =	simm.s32 $_size__tile_overlayer_lowered;
	s11 =	simm.s32 $_tile_overlayer_lowered  }
0xa4: {  	s22 =	simm.s32 $0x1BFF;
	s21 =	sshll.u32 s11, $0x1;
	s8 =	sadd.s32 s9, s19  }
0xa5: {  	s12 =	simm.s32 $0x0;
	s20 =	sshll.u32 s10, $0x1;
	s10 =	sadd.s32 s21, s8  }
0xa6: {  	[timem:s12], [sflag:s22] =	dma.local [hbm:s10], s20  }
0xa7: {  	_ =	swait.ge [sflag:s22], s20  }
0xa8: {  	s9 =	ssub.s32 $0x0, s20;
	[sflag:s22] =	ssyncset.done $0x0  }
0xa9: {  	[sflag:s22] =	ssyncadd.s32 s9;
	_ =	sdelay $0x1  }
0xaa: {  	s23 =	simm.s32 $0x1B8B  }
0xab: {  	_ =	swait.ge [sflag:s23], $0x1  }
0xac: {  	[sflag:s23] =	ssyncset.done $0x0  }
0xad: {  	s25 =	simm.s32 $0x1B8E;
	s24 =	sld [smem:$0x3FFE];
	[sflag:s23] =	ssyncadd.s32 $0xFFFFFFFF  }
0xae: {  	s26 =	simm.s32 $execute0_lowered;
	[smem:$0x3FD2] =	sst s25  }
0xaf: {  	s10 =	sshll.u32 s26, $0x1;
	_ =	strace $0x80000046;
	[dreg:$0x1] =	wrdreg $0xFFFFFFFF  }
0xb0: {  	s28 =	simm.s32 $_size_execute0_lowered;
	s8 =	sadd.s32 s8, s10;
	[dreg:$0x0] =	wrdreg $0x0  }
0xb1: {  	s10 =	sshll.u32 s28, $0x1;
	[dreg:$0x2] =	wrdreg s8  }
0xb2: {  	[dreg:$0x3] =	wrdreg s10  }
0xb3: {  	[dreg:$0x4] =	wrdreg $0xC0  }
0xb4: {  	_ =	task [dreg:s12], $0x5FFFF  }
0xb5: {  	[dreg:$0x1] =	wrdreg $0xFFFFFFFF  }
0xb6: {  	[dreg:$0x0] =	wrdreg $0x60  }
0xb7: {  	[dreg:$0x2] =	wrdreg s5  }
0xb8: {  	[dreg:$0x3] =	wrdreg s17  }
0xb9: {  	[dreg:$0x4] =	wrdreg s18  }
0xba: {  	[dreg:$0x5] =	wrdreg s7  }
0xbb: {  	[dreg:$0x6] =	wrdreg s24  }
0xbc: {  	[dreg:$0x7] =	wrdreg s16  }
0xbd: {  	[dreg:$0x8] =	wrdreg s6  }
0xbe: {  	[dreg:$0x9] =	wrdreg $0x9  }
0xbf: {  	_ =	task.clear_ibuf [dreg:s12], $0xAFFFF;
	_ =	strace $0x90000046  }
0xc0: {  	s29 =	simm.s32 $0x9;
	_ =	strace $0x80000048  }
0xc1: {  	_ =	swait.ge [sflag:s29], $0x1  }
0xc2: {  	[sflag:s29] =	ssyncadd.s32 $0xFFFFFFFF  }
0xc3: {  	_ =	strace $0x90000048  }
0xc4: {  	_ =	sfence  }
0xc5: {  	s30 =	sld [smem:$0x0];
	_ =	sdelay $0x2  }
0xc6: {  	s31 =	sshll.u32 s1, $0xD;
	s1 =	sshrl.u32 s1, $0x2  }
0xc7: {  	s3 =	sand.u32 $0x4000, s31;
	s1 =	sadd.s32 s1, s30  }
0xc8: {  	s0 =	sor.u32 s3, s0;
	s1 =	sshll.u32 s1, $0x11  }
0xc9: {  	s0 =	sor.u32 s1, s0  }
0xca: {  	s0 =	sadd.s32 $0x8F2B, s0  }
0xcb: {  	[sflag:s0] =	ssyncadd.remote.s32 $0x1  }
0xcc: {  	_ =	sfence.sel $0xFFFF  }
0xcd: {  	[dreg:$0x0] =	wrdreg $0xFFFFFFFF;
	(pc) =	sbr.abs _section_cstart, $3  }
0xce: {  	[dreg:$0x1] =	wrdreg $0xFFFFFFFF  }
0xcf: {  	_ =	task.clear_ibuf [dreg:s12], $0x2FFFF;
	_ =	strace $0x9FFFFFFF  }
0xd0: {  	(tm) =	ssettm $0x7FFFFFFF  }
0xd1: {  	_ =	shalt  }
tec
execute0_lowered:
.L_overlay_start_1:
0x0: {  	(tag) =	ssettag $0x1  }
0x1: {  	s6 =	rddreg [dreg:$0x0]  }
0x2: {  	s0 =	rddreg [dreg:$0x1]  }
0x3: {  	s2 =	rddreg [dreg:$0x2]  }
0x4: {  	s11 =	rddreg [dreg:$0x3]  }
0x5: {  	s7 =	rddreg [dreg:$0x4]  }
0x6: {  	s3 =	srdreg.scid;
	s4 =	rddreg [dreg:$0x5]  }
0x7: {  	s1 =	stileid.u32;
	s13 =	rddreg [dreg:$0x6]  }
0x8: {  	s5 =	simm.s32 $0x0;
	s17 =	simm.s32 $0x1700;
	s18 =	simm.s32 $0x3800  }
0x9: {  	s19 =	simm.s32 $0x4380;
	s21 =	simm.s32 $0x3780;
	s22 =	simm.s32 $0x2780  }
0xa: {  	v0 =	vimm.s32 $0xDCDC9898;
	s23 =	simm.s32 $0x0;
	s12 =	sand.u32 $0x1, s3;
	s3 =	rddreg [dreg:$0x7]  }
0xb: {  	s26 =	sshll.u32 s1, $0x1;
	[smem:$0x7FF] =	sst s5;
	v1 =	vunpack.c.l.s4.s8 v0;
	v0 =	vimm.s32 $0x54541010;
	s30 =	smul.u32 $0x1640, s1  }
0xc: {  	v3 =	vimm.s32 $0xFEFEBABA;
	v4 =	vimm.s32 $0x76763232;
	s20 =	sor.u32 s12, s26;
	s9 =	ssub.s32 $0x2, s12;
	v2 =	vunpack.c.l.s4.s8 v0;
	s31 =	smul.u32 $0xB20, s12  }
0xd: {  	vm0 =	vcmask $0x700;
	v3 =	vunpack.c.l.s4.s8 v3;
	v4 =	vunpack.c.l.s4.s8 v4;
	_ =	strace $0x80000047;
	s12 =	sadd.s32 $0x3E00, s13;
	s8 =	smul.u32 $0xB20, s20  }
0xe: {  	v0 =	vlaneseq.u32;
	s10 =	sshrl.u32 s9, $0x1;
	s15 =	sadd.s32 s20, s7;
	s28 =	smul.u32 $0x16C, s20;
	v1 =	vunpack.c.0.s8.s32 v1;
	v2 =	vunpack.c.0.s8.s32 v2  }
0xf: {  	vm13 =	vcmask $0x1710;
	s29 =	sshll.u32 s20, $0x9;
	v5 =	vand.u32 $0x1, v0;
	v3 =	vunpack.c.0.s8.s32 v3;
	p0 =	seq.s32 s20, $0x1F;
	p1 =	seq.s32 s20, $0x0  }
.Ltmp0:
0x10: {  	v4 =	vunpack.c.0.s8.s32 v4;
	s20 =	simm.s32 $0x1780;
	s16 =	ssub.s32 s9, s10;
	v6 =	vcombine.low v2, v1;
	v1 =	vimm.f32 $5.000000000e-01;
	(pc) =	sbr.rel .LBB2_1-.Ltmp0, $4  }
0x11: {  	vm14 =	vcmask $0x2720;
	s10 =	sadd.s32 s13, s29;
	v5 =	vmul.u32 $0xFFFFFFFF, v5;
	s8 =	sshrl.u32 s8, $0x3;
	s9 =	sadd.s32 s11, s28;
	v2 =	vsel vm0, $0xBF000000, v1  }
0x12: {  	vm15 =	vcmask $0x3730;
	s11 =	sadd.s32 $0x2C14, s11;
	s13 =	smax.u32 s16, $0x1;
	s16 =	simm.s32 $0xB80;
	v4 =	vcombine.low v4, v3;
	v3 =	vsel vm13, $0xBF000000, v2  }
0x13: {  	s14 =	sadd.s32 s8, s7;
	s6 =	sadd.s32 s6, s8;
	s8 =	sadd.s32 $0x4000, s15;
	v1 =	vimm.s32 $0x0;
	v2 =	vadd.s32 $0x1, v5;
	v5 =	vsel vm14, $0xBF000000, v3  }
0x14: {  	s15 =	simm.s32 $0x1;
	s7 =	sadd.s32 $0x1200, s14;
	s14 =	sadd.s32 s31, s30;
	v4 =	vand.u32 $0xF, v4;
	v3 =	vand.u32 $0xF, v6;
	v5 =	vsel vm15, $0xBF000000, v5  }
.LBB2_9:
0x15: {  	_ = 	snop  }
0x16: {  	v9 =	vor.u32 s25, v3;
	v8 =	vmul.f32 v6, v8  }
0x17: {  	s24 =	sadd.s32 $0x10, s24  }
0x18: {  	[tilespmem:s24+$0x0] =	vst v8  }
0x19: {  	v7 =	vld.idx.msk [tilespmem:v7+s20+$0x0], $0xffff;
	_ =	sdelay $0x1  }
0x1a: {  	v8 =	vld.idx.msk [tilespmem:v9+s20+$0x0], $0xffff;
	_ =	sdelay $0x2  }
0x1b: {  	v7 =	vmul.f32 v5, v7;
	_ =	sdelay $0x1  }
0x1c: {  	v7 =	vadd.f32 v7, v8;
	_ =	sdelay $0x1  }
0x1d: {  	v6 =	vmul.f32 v6, v7  }
0x1e: {  	s24 =	sadd.s32 $0x10, s24  }
0x1f: {  	[tilespmem:s24+$0x0] =	vst v6  }
0x20: {  	[hbm4b:s4+s5] =	stream.linear.scatter [tilespmem:s22], [sflag:$0x1], $0x1000, $0x38;
	[tilespmem:$0x5380] =	vst v63  }
0x21: {  	_ =	swait.ge [sflag:s15], $0x1000  }
0x22: {  	[sflag:s15] =	ssyncset.done $0x0  }
0x23: {  	[sflag:s15] =	ssyncadd.s32 $0xFFFFF000  }
.LBB2_13:
0x24: {  	s23 =	sadd.s32 $0x1, s23  }
0x25: {  	p2 =	sne.s32 s23, s13  }
.Ltmp1:
0x26: {  	_ = 	snop;
	(pc) =	sbr.rel @!p2 .LBB2_14-.Ltmp1, $1  }
0x27: {  	_ =	sdelay $0x3  }
.LBB2_1:
0x28: {  	[tilespmem:s5], [sflag:$0x1] =	stream.linear.gather [hbm4b:s6+s5], $0xB20, $0x38;
	[tilespmem:$0x5380] =	vst v63  }
0x29: {  	_ =	swait.ge [sflag:s15], $0xB20  }
0x2a: {  	[sflag:s15] =	ssyncset.done $0x0  }
0x2b: {  	s24 =	simm.s32 $0x0;
	[sflag:s15] =	ssyncadd.s32 $0xFFFFF4E0  }
0x2c: {  	v6 =	vld [tilespmem:s24+$0x0];
	_ =	sdelay $0x4  }
0x2d: {  	vm0 =	vgt.f32 v6, $1.000000010e-01  }
0x2e: {  	v6 =	vsel vm0, $0x1, v1  }
0x2f: {  	(xrf0) =	vadd.scan.msk.s32 $0xffff, v6;
	_ =	sdelay $0x4  }
0x30: {  	v6 =	vsel vm0, $0xFFFFFFFF, v1  }
0x31: {  	v6 =	vadd.s32 s5, v6;
	v7, _, _ =	vpop (xrf0)  }
0x32: {  	v6 =	vadd.s32 v7, v6;
	(v2sf) =	vpush v7, $0xF;
	_ =	sdelay $0x3  }
0x33: {  	v8 =	vor.u32 s14, v0;
	s28 =	simm.s32 $0x10  }
0x34: {  	s26 =	simm.s32 $0x80;
	s25 =	simm.s32 $0x0;
	s24 =	smov.u32 s14;
	[tilespmem:v6+s16+$0x0] =	vst.idx.msk vm0, v8  }
.LBB2_2:
0x35: {  	p2 =	sne.s32 s26, $0x2C40;
	v6 =	vld [tilespmem:s28+$0x0];
	_ =	sdelay $0x4  }
0x36: {  	vm0 =	vgt.f32 v6, $1.000000010e-01  }
0x37: {  	v6 =	vsel vm0, $0xFFFFFFFF, v1;
	v7 =	vsel vm0, $0x1, v1  }
0x38: {  	(xrf0) =	vadd.scan.msk.s32 $0xffff, v7;
	_ =	sdelay $0x1  }
0x39: {  	s28 =	spop (v2sf)  }
0x3a: {  	s25 =	sadd.s32 s25, s28  }
0x3b: {  	v6 =	vadd.s32 s25, v6;
	_ =	sdelay $0x1  }
0x3c: {  	v7, _, _ =	vpop (xrf0)  }
0x3d: {  	v6 =	vadd.s32 v7, v6;
	(v2sf) =	vpush v7, $0xF  }
.Ltmp2:
0x3e: {  	(pc) =	sbr.rel @p2 .LBB2_2-.Ltmp2, $4  }
0x3f: {  	_ = 	snop  }
0x40: {  	s24 =	sadd.s32 $0x10, s24  }
0x41: {  	v7 =	vor.u32 s24, v0  }
0x42: {  	s28 =	sshra.s32 s26, $0x2;
	s26 =	sadd.s32 $0x40, s26;
	[tilespmem:v6+s16+$0x0] =	vst.idx.msk vm0, v7  }
0x43: {  	v6 =	vld [tilespmem:s28+$0x0];
	_ =	sdelay $0x4  }
0x44: {  	vm0 =	vgt.f32 v6, $1.000000010e-01  }
0x45: {  	v6 =	vsel vm0, $0x1, v1  }
0x46: {  	(xrf0) =	vadd.scan.msk.s32 $0xffff, v6;
	_ =	sdelay $0x5  }
0x47: {  	v6, _, _ =	vpop (xrf0)  }
0x48: {  	(v2sf) =	vpush v6, $0xF;
	_ =	sdelay $0x4  }
0x49: {  	s26 =	spop (v2sf)  }
0x4a: {  	v7 =	vsel vm0, $0xFFFFFFFF, v1;
	s25 =	sadd.s32 s25, s26  }
0x4b: {  	v7 =	vadd.s32 s25, v7  }
0x4c: {  	v6 =	vadd.s32 v6, v7;
	_ =	sdelay $0x2  }
0x4d: {  	s24 =	sadd.s32 $0x10, s24  }
0x4e: {  	v7 =	vor.u32 s24, v0  }
0x4f: {  	[tilespmem:v6+s16+$0x0] =	vst.idx.msk vm0, v7  }
0x50: {  	[hbm4b:s7+s5] =	stream.linear.scatter [tilespmem:s16], [sflag:$0x1], $0xB20, $0x38;
	[tilespmem:$0x5380] =	vst v63  }
0x51: {  	s31 =	spop (v2sf)  }
0x52: {  	_ =	swait.ge [sflag:s15], $0xB20  }
0x53: {  	s24 =	sadd.s32 s25, s31;
	[sflag:s15] =	ssyncset.done $0x0  }
0x54: {  	v6 =	vmov s24;
	[sflag:s15] =	ssyncadd.s32 $0xFFFFF4E0  }
.Ltmp3:
0x55: {  	[tilespmem:$0x1700] =	vst v6;
	(pc) =	sbr.rel @!p0 .LBB2_4-.Ltmp3, $4  }
0x56: {  	[hbm4b:s8+s5] =	stream.linear.scatter [tilespmem:s17], [sflag:$0x1], $0x8, $0x38;
	[tilespmem:$0x5380] =	vst v63  }
0x57: {  	_ =	swait.ge [sflag:s15], $0x8  }
0x58: {  	s24 =	simm.s32 $0x0;
	[sflag:s15] =	ssyncset.done $0x0  }
0x59: {  	v6 =	vadd.s32 s24, v0;
	[sflag:s15] =	ssyncadd.s32 $0xFFFFFFF8  }
0x5a: {  	[tilespmem:s18], [sflag:$0x1] =	stream.linear.gather [hbm4b:s11+s24], $0x2D8, $0x38;
	[tilespmem:$0x5380] =	vst v63  }
0x5b: {  	_ =	swait.ge [sflag:s15], $0x2D8  }
0x5c: {  	[sflag:s15] =	ssyncset.done $0x0  }
0x5d: {  	[sflag:s15] =	ssyncadd.s32 $0xFFFFFD28  }
0x5e: {  	s28 =	simm.s32 $0x10;
	v6 =	vld.idx.msk [tilespmem:v6+s18+$0x0], $0xffff  }
0x5f: {  	v7 =	vadd.s32 s28, v0;
	_ =	sdelay $0x2  }
0x60: {  	s24 =	simm.s32 $0x43B0  }
0x61: {  	[tilespmem:s24+$0xFFFFFFD0] =	vst v6  }
0x62: {  	s25 =	simm.s32 $0x20;
	v6 =	vld.idx.msk [tilespmem:v7+s18+$0x0], $0xffff  }
0x63: {  	v7 =	vadd.s32 s25, v0;
	_ =	sdelay $0x3  }
0x64: {  	[tilespmem:s24+$0xFFFFFFE0] =	vst v6  }
0x65: {  	s29 =	simm.s32 $0x30;
	v6 =	vld.idx.msk [tilespmem:v7+s18+$0x0], $0xffff  }
0x66: {  	v7 =	vadd.s32 s29, v0;
	_ =	sdelay $0x3  }
0x67: {  	[tilespmem:s24+$0xFFFFFFF0] =	vst v6  }
0x68: {  	s30 =	simm.s32 $0x40;
	v6 =	vld.idx.msk [tilespmem:v7+s18+$0x0], $0xffff  }
0x69: {  	v7 =	vadd.s32 s30, v0;
	_ =	sdelay $0x3  }
0x6a: {  	[tilespmem:s24+$0x0] =	vst v6  }
0x6b: {  	s31 =	simm.s32 $0x50;
	v6 =	vld.idx.msk [tilespmem:v7+s18+$0x0], $0xffff  }
0x6c: {  	v7 =	vadd.s32 s31, v0;
	_ =	sdelay $0x3  }
0x6d: {  	[tilespmem:s24+$0x10] =	vst v6  }
0x6e: {  	s25 =	simm.s32 $0x5B;
	v6 =	vld.idx.msk [tilespmem:v7+s18+$0x0], $0xffff  }
0x6f: {  	s26 =	simm.s32 $0xB6;
	v7 =	vadd.s32 s25, v0  }
.LBB2_11:
0x70: {  	p2 =	sne.s32 s26, $0x27D;
	_ =	sdelay $0x2  }
0x71: {  	[tilespmem:s24+$0x20] =	vst v6  }
0x72: {  	v6 =	vld.idx.msk [tilespmem:v7+s18+$0x0], $0xffff  }
0x73: {  	s28 =	sadd.s32 $0x10, s25  }
0x74: {  	v7 =	vadd.s32 s28, v0;
	_ =	sdelay $0x2  }
0x75: {  	s24 =	sadd.s32 $0x80, s24  }
0x76: {  	[tilespmem:s24+$0xFFFFFFD0] =	vst v6  }
0x77: {  	v6 =	vld.idx.msk [tilespmem:v7+s18+$0x0], $0xffff  }
0x78: {  	s28 =	sadd.s32 $0x20, s25  }
0x79: {  	v7 =	vadd.s32 s28, v0;
	_ =	sdelay $0x3  }
0x7a: {  	[tilespmem:s24+$0xFFFFFFE0] =	vst v6  }
0x7b: {  	v6 =	vld.idx.msk [tilespmem:v7+s18+$0x0], $0xffff  }
0x7c: {  	s28 =	sadd.s32 $0x30, s25  }
0x7d: {  	v7 =	vadd.s32 s28, v0;
	_ =	sdelay $0x3  }
0x7e: {  	[tilespmem:s24+$0xFFFFFFF0] =	vst v6  }
0x7f: {  	v6 =	vld.idx.msk [tilespmem:v7+s18+$0x0], $0xffff  }
0x80: {  	s28 =	sadd.s32 $0x40, s25  }
0x81: {  	v7 =	vadd.s32 s28, v0;
	_ =	sdelay $0x3  }
0x82: {  	[tilespmem:s24+$0x0] =	vst v6  }
0x83: {  	v6 =	vld.idx.msk [tilespmem:v7+s18+$0x0], $0xffff  }
0x84: {  	s28 =	sadd.s32 $0x50, s25;
	s25 =	smov.u32 s26  }
0x85: {  	v7 =	vadd.s32 s28, v0;
	_ =	sdelay $0x2  }
.Ltmp4:
0x86: {  	(pc) =	sbr.rel @p2 .LBB2_11-.Ltmp4, $3  }
0x87: {  	[tilespmem:s24+$0x10] =	vst v6  }
0x88: {  	v6 =	vld.idx.msk [tilespmem:v7+s18+$0x0], $0xffff;
	_ =	sdelay $0x1  }
0x89: {  	s26 =	sadd.s32 $0x5B, s26;
	v7 =	vadd.s32 s25, v0  }
0x8a: {  	_ =	sdelay $0x2  }
0x8b: {  	[tilespmem:s24+$0x20] =	vst v6  }
0x8c: {  	s26 =	sadd.s32 $0x10, s25;
	v6 =	vld.idx.msk [tilespmem:v7+s18+$0x0], $0xffff  }
0x8d: {  	v7 =	vadd.s32 s26, v0;
	_ =	sdelay $0x2  }
0x8e: {  	s24 =	sadd.s32 $0x80, s24  }
0x8f: {  	[tilespmem:s24+$0xFFFFFFD0] =	vst v6  }
0x90: {  	s28 =	sadd.s32 $0x20, s25;
	v6 =	vld.idx.msk [tilespmem:v7+s18+$0x0], $0xffff  }
0x91: {  	v7 =	vadd.s32 s28, v0;
	_ =	sdelay $0x3  }
0x92: {  	[tilespmem:s24+$0xFFFFFFE0] =	vst v6  }
0x93: {  	s29 =	sadd.s32 $0x30, s25;
	v6 =	vld.idx.msk [tilespmem:v7+s18+$0x0], $0xffff  }
0x94: {  	v7 =	vadd.s32 s29, v0;
	_ =	sdelay $0x3  }
0x95: {  	[tilespmem:s24+$0xFFFFFFF0] =	vst v6  }
0x96: {  	s30 =	sadd.s32 $0x40, s25;
	v6 =	vld.idx.msk [tilespmem:v7+s18+$0x0], $0xffff  }
0x97: {  	v7 =	vadd.s32 s30, v0;
	_ =	sdelay $0x3  }
0x98: {  	[tilespmem:s24+$0x0] =	vst v6  }
0x99: {  	s31 =	sadd.s32 $0x50, s25;
	v6 =	vld.idx.msk [tilespmem:v7+s18+$0x0], $0xffff  }
0x9a: {  	v7 =	vadd.s32 s31, v0;
	_ =	sdelay $0x3  }
0x9b: {  	[tilespmem:s24+$0x10] =	vst v6  }
0x9c: {  	v6 =	vld.idx.msk [tilespmem:v7+s18+$0x0], $0xffff;
	_ =	sdelay $0x4  }
.Ltmp5:
0x9d: {  	[tilespmem:s24+$0x20] =	vst v6;
	(pc) =	sbr.rel .LBB2_13-.Ltmp5, $4  }
0x9e: {  	[hbm4b:s12+s5] =	stream.linear.scatter [tilespmem:s19], [sflag:$0x1], $0x400, $0x38;
	[tilespmem:$0x5380] =	vst v63  }
0x9f: {  	_ =	swait.ge [sflag:s15], $0x400  }
0xa0: {  	[sflag:s15] =	ssyncset.done $0x0  }
0xa1: {  	[sflag:s15] =	ssyncadd.s32 $0xFFFFFC00  }
.LBB2_4:
0xa2: {  	[tilespmem:s18], [sflag:$0x1] =	stream.linear.gather [hbm4b:s9+s24], $0xB60, $0x38;
	[tilespmem:$0x5380] =	vst v63  }
0xa3: {  	_ =	swait.ge [sflag:s15], $0xB60  }
0xa4: {  	[sflag:s15] =	ssyncset.done $0x0  }
0xa5: {  	[sflag:s15] =	ssyncadd.s32 $0xFFFFF4A0  }
0xa6: {  	s28 =	simm.s32 $0x10;
	v6 =	vld.idx.msk [tilespmem:v6+s18+$0x0], $0xffff  }
0xa7: {  	v7 =	vadd.s32 s28, v0;
	_ =	sdelay $0x2  }
0xa8: {  	s24 =	simm.s32 $0x43B0  }
0xa9: {  	[tilespmem:s24+$0xFFFFFFD0] =	vst v6  }
0xaa: {  	s25 =	simm.s32 $0x20;
	v6 =	vld.idx.msk [tilespmem:v7+s18+$0x0], $0xffff  }
0xab: {  	v7 =	vadd.s32 s25, v0;
	_ =	sdelay $0x3  }
0xac: {  	[tilespmem:s24+$0xFFFFFFE0] =	vst v6  }
0xad: {  	s29 =	simm.s32 $0x30;
	v6 =	vld.idx.msk [tilespmem:v7+s18+$0x0], $0xffff  }
0xae: {  	v7 =	vadd.s32 s29, v0;
	_ =	sdelay $0x3  }
0xaf: {  	[tilespmem:s24+$0xFFFFFFF0] =	vst v6  }
0xb0: {  	s30 =	simm.s32 $0x40;
	v6 =	vld.idx.msk [tilespmem:v7+s18+$0x0], $0xffff  }
0xb1: {  	v7 =	vadd.s32 s30, v0;
	_ =	sdelay $0x3  }
0xb2: {  	[tilespmem:s24+$0x0] =	vst v6  }
0xb3: {  	s31 =	simm.s32 $0x50;
	v6 =	vld.idx.msk [tilespmem:v7+s18+$0x0], $0xffff  }
0xb4: {  	v7 =	vadd.s32 s31, v0;
	_ =	sdelay $0x3  }
0xb5: {  	[tilespmem:s24+$0x10] =	vst v6  }
0xb6: {  	s25 =	simm.s32 $0x5B;
	v6 =	vld.idx.msk [tilespmem:v7+s18+$0x0], $0xffff  }
0xb7: {  	s26 =	simm.s32 $0xB6;
	v7 =	vadd.s32 s25, v0  }
.LBB2_5:
0xb8: {  	p2 =	sne.s32 s26, $0xB05;
	_ =	sdelay $0x2  }
0xb9: {  	[tilespmem:s24+$0x20] =	vst v6  }
0xba: {  	v6 =	vld.idx.msk [tilespmem:v7+s18+$0x0], $0xffff  }
0xbb: {  	s28 =	sadd.s32 $0x10, s25  }
0xbc: {  	v7 =	vadd.s32 s28, v0;
	_ =	sdelay $0x2  }
0xbd: {  	s24 =	sadd.s32 $0x80, s24  }
0xbe: {  	[tilespmem:s24+$0xFFFFFFD0] =	vst v6  }
0xbf: {  	v6 =	vld.idx.msk [tilespmem:v7+s18+$0x0], $0xffff  }
0xc0: {  	s28 =	sadd.s32 $0x20, s25  }
0xc1: {  	v7 =	vadd.s32 s28, v0;
	_ =	sdelay $0x3  }
0xc2: {  	[tilespmem:s24+$0xFFFFFFE0] =	vst v6  }
0xc3: {  	v6 =	vld.idx.msk [tilespmem:v7+s18+$0x0], $0xffff  }
0xc4: {  	s28 =	sadd.s32 $0x30, s25  }
0xc5: {  	v7 =	vadd.s32 s28, v0;
	_ =	sdelay $0x3  }
0xc6: {  	[tilespmem:s24+$0xFFFFFFF0] =	vst v6  }
0xc7: {  	v6 =	vld.idx.msk [tilespmem:v7+s18+$0x0], $0xffff  }
0xc8: {  	s28 =	sadd.s32 $0x40, s25  }
0xc9: {  	v7 =	vadd.s32 s28, v0;
	_ =	sdelay $0x3  }
0xca: {  	[tilespmem:s24+$0x0] =	vst v6  }
0xcb: {  	v6 =	vld.idx.msk [tilespmem:v7+s18+$0x0], $0xffff  }
0xcc: {  	s28 =	sadd.s32 $0x50, s25;
	s25 =	smov.u32 s26  }
0xcd: {  	v7 =	vadd.s32 s28, v0;
	_ =	sdelay $0x2  }
.Ltmp6:
0xce: {  	(pc) =	sbr.rel @p2 .LBB2_5-.Ltmp6, $3  }
0xcf: {  	[tilespmem:s24+$0x10] =	vst v6  }
0xd0: {  	v6 =	vld.idx.msk [tilespmem:v7+s18+$0x0], $0xffff;
	_ =	sdelay $0x1  }
0xd1: {  	s26 =	sadd.s32 $0x5B, s26;
	v7 =	vadd.s32 s25, v0  }
0xd2: {  	_ =	sdelay $0x2  }
0xd3: {  	[tilespmem:s24+$0x20] =	vst v6  }
0xd4: {  	s26 =	sadd.s32 $0x10, s25;
	v6 =	vld.idx.msk [tilespmem:v7+s18+$0x0], $0xffff  }
0xd5: {  	v7 =	vadd.s32 s26, v0;
	_ =	sdelay $0x2  }
0xd6: {  	s24 =	sadd.s32 $0x80, s24  }
0xd7: {  	[tilespmem:s24+$0xFFFFFFD0] =	vst v6  }
0xd8: {  	s28 =	sadd.s32 $0x20, s25;
	v6 =	vld.idx.msk [tilespmem:v7+s18+$0x0], $0xffff  }
0xd9: {  	v7 =	vadd.s32 s28, v0;
	_ =	sdelay $0x3  }
0xda: {  	[tilespmem:s24+$0xFFFFFFE0] =	vst v6  }
0xdb: {  	s29 =	sadd.s32 $0x30, s25;
	v6 =	vld.idx.msk [tilespmem:v7+s18+$0x0], $0xffff  }
0xdc: {  	v7 =	vadd.s32 s29, v0;
	_ =	sdelay $0x3  }
0xdd: {  	[tilespmem:s24+$0xFFFFFFF0] =	vst v6  }
0xde: {  	s30 =	sadd.s32 $0x40, s25;
	v6 =	vld.idx.msk [tilespmem:v7+s18+$0x0], $0xffff  }
0xdf: {  	v7 =	vadd.s32 s30, v0;
	_ =	sdelay $0x3  }
0xe0: {  	[tilespmem:s24+$0x0] =	vst v6  }
0xe1: {  	s31 =	sadd.s32 $0x50, s25;
	v6 =	vld.idx.msk [tilespmem:v7+s18+$0x0], $0xffff  }
0xe2: {  	v7 =	vadd.s32 s31, v0;
	_ =	sdelay $0x3  }
0xe3: {  	[tilespmem:s24+$0x10] =	vst v6  }
0xe4: {  	v6 =	vld.idx.msk [tilespmem:v7+s18+$0x0], $0xffff;
	_ =	sdelay $0x4  }
.Ltmp7:
0xe5: {  	[tilespmem:s24+$0x20] =	vst v6;
	(pc) =	sbr.rel @!p1 .LBB2_13-.Ltmp7, $4  }
0xe6: {  	[hbm4b:s10+s5] =	stream.linear.scatter [tilespmem:s19], [sflag:$0x1], $0x1000, $0x38;
	[tilespmem:$0x5380] =	vst v63  }
0xe7: {  	_ =	swait.ge [sflag:s15], $0x1000  }
0xe8: {  	[sflag:s15] =	ssyncset.done $0x0  }
0xe9: {  	[sflag:s15] =	ssyncadd.s32 $0xFFFFF000  }
0xea: {  	s24 =	simm.s32 $0x0  }
0xeb: {  	[tilespmem:s20], [sflag:$0x1] =	stream.linear.gather [hbm4b:s0+s24], $0x1000, $0x38;
	[tilespmem:$0x5380] =	vst v63  }
0xec: {  	_ =	swait.ge [sflag:s15], $0x1000  }
0xed: {  	[sflag:s15] =	ssyncset.done $0x0  }
0xee: {  	v6 =	vor.u32 s24, v4;
	[sflag:s15] =	ssyncadd.s32 $0xFFFFF000  }
0xef: {  	[tilespmem:s21], [sflag:$0x1] =	stream.linear.gather [hbm4b:s2+s24], $0x80, $0x38;
	[tilespmem:$0x5380] =	vst v63  }
0xf0: {  	v7 =	vor.u32 s24, v3;
	_ =	swait.ge [sflag:s15], $0x80  }
0xf1: {  	[sflag:s15] =	ssyncset.done $0x0  }
0xf2: {  	[sflag:s15] =	ssyncadd.s32 $0xFFFFFF80  }
0xf3: {  	v6 =	vld.idx.msk [tilespmem:v6+s20+$0x0], $0xffff  }
0xf4: {  	v8 =	vld.idx.msk [tilespmem:v2+s21+$0x0], $0xffff  }
0xf5: {  	v7 =	vld.idx.msk [tilespmem:v7+s20+$0x0], $0xffff;
	_ =	sdelay $0x2  }
0xf6: {  	v9 =	vmul.f32 v5, v6  }
0xf7: {  	s31 =	simm.s32 $0x10  }
0xf8: {  	v6 =	vcvt.s32.f32 v8;
	v8 =	vor.u32 s31, v4;
	v7 =	vadd.f32 v9, v7;
	_ =	sdelay $0x1  }
0xf9: {  	v9 =	vor.u32 s31, v3;
	v7 =	vmul.f32 v6, v7  }
0xfa: {  	s24 =	simm.s32 $0x2780  }
0xfb: {  	[tilespmem:s24+$0x0] =	vst v7  }
0xfc: {  	v7 =	vld.idx.msk [tilespmem:v8+s20+$0x0], $0xffff;
	_ =	sdelay $0x1  }
0xfd: {  	v8 =	vld.idx.msk [tilespmem:v9+s20+$0x0], $0xffff;
	_ =	sdelay $0x2  }
0xfe: {  	v9 =	vmul.f32 v5, v7  }
0xff: {  	s25 =	simm.s32 $0x20  }
0x100: {  	s26 =	simm.s32 $0x30;
	v7 =	vor.u32 s25, v4;
	v8 =	vadd.f32 v9, v8  }
.LBB2_8:
0x101: {  	p2 =	sne.s32 s26, $0xF90  }
0x102: {  	v9 =	vor.u32 s25, v3;
	v8 =	vmul.f32 v6, v8;
	s25 =	smov.u32 s26  }
0x103: {  	s24 =	sadd.s32 $0x10, s24  }
0x104: {  	[tilespmem:s24+$0x0] =	vst v8  }
0x105: {  	v7 =	vld.idx.msk [tilespmem:v7+s20+$0x0], $0xffff;
	_ =	sdelay $0x1  }
0x106: {  	v8 =	vld.idx.msk [tilespmem:v9+s20+$0x0], $0xffff;
	_ =	sdelay $0x1  }
.Ltmp8:
0x107: {  	(pc) =	sbr.rel @p2 .LBB2_8-.Ltmp8, $3  }
0x108: {  	_ = 	snop  }
0x109: {  	v9 =	vmul.f32 v5, v7;
	_ =	sdelay $0x1  }
0x10a: {  	s26 =	sadd.s32 $0x10, s26;
	v7 =	vor.u32 s25, v4;
	v8 =	vadd.f32 v9, v8  }
.Ltmp9:
0x10b: {  	_ = 	snop;
	(pc) =	sbr.rel .LBB2_9-.Ltmp9, $1  }
0x10c: {  	_ =	sdelay $0x3  }
.LBB2_14:
0x10d: {  	_ =	sfence.sel $0x180000  }
0x10e: {  	[bflag:$0x0] =	sbarrier.arrive $0xFFFF  }
0x10f: {  	p0 =	sne.s32 s1, $0x0;
	_ =	strace $0x90000047  }
0x110: {  	s0 =	sadd.s32 @!p0 $0x100000, s3;
	[bflag:$0x2] =	sbarrier.arrive $0xFFFF  }
0x111: {  	[sflag:s0] =	ssyncadd.tile.s32 @!p0 $0x1;
	_ =	shalt  }
.Lfunc_end2:
_tile_overlayer_lowered:
.L_overlay_start_2:
0x112: {  	(tag) =	ssettag $0x2  }
0x113: {  	s0 =	rddreg [dreg:$0x0];
	s2 =	stileid.u32  }
0x114: {  	s1 =	rddreg [dreg:$0x1];
	p0 =	sne.s32 s2, $0x0  }
0x115: {  	s3 =	rddreg [dreg:$0x2];
	[bflag:$0x3] =	sbarrier.arrive $0xFFFF;
	s2 =	simm.s32 @!p0 $0x1C01  }
0x116: {  	[timem:s3], [sflag:s2] =	dma.local @!p0 [hbm:s0], s1  }
0x117: {  	s0 =	simm.s32 @!p0 $0x1  }
0x118: {  	_ =	swait.ge @!p0 [sflag:s0], s1  }
0x119: {  	s1 =	ssub.s32 @!p0 $0x0, s1;
	[sflag:s0] =	ssyncset.done @!p0 $0x0  }
0x11a: {  	[sflag:s0] =	ssyncadd.s32 @!p0 s1  }
0x11b: {  	[bflag:$0x3] =	sbarrier.arrive $0xFFFF  }
0x11c: {  	_ =	shalt  }

// kernel: kernel.7.cloned.1.call-start
scs
__scs_entry_jumppad:
0x0: {  	(pc) =	sbr.rel $0x88, $3  }
0x1: {  	(tag) =	ssettag $0x0;
	lr =	simm.s32 $0x1  }
0x2: {  	[smem:$0x3F9D] =	sst lr;
	_ =	strace $0xD0000000  }
0x3: {  	_ = 	snop  }
0x4: {  	_ = 	snop  }
0x5: {  	_ = 	snop  }
0x6: {  	_ = 	snop  }
0x7: {  	_ = 	snop  }
__scs_overlays_trampoline_lowered:
0x8: {  	[smem:$0x3FAC] =	sst s0  }
0x9: {  	[smem:$0x3FAD] =	sst s1  }
0xa: {  	[smem:$0x3FAE] =	sst s2  }
0xb: {  	[smem:$0x3FAF] =	sst s3  }
0xc: {  	[smem:$0x3FB0] =	sst s4  }
0xd: {  	[smem:$0x3FB1] =	sst s5  }
0xe: {  	[smem:$0x3FB2] =	sst s6  }
0xf: {  	[smem:$0x3FB3] =	sst s7  }
0x10: {  	[smem:$0x3FB4] =	sst s8  }
0x11: {  	[smem:$0x3FB5] =	sst s9;
	s0 =	simm.s32 @!p0 $0x0  }
0x12: {  	s1 =	sld [smem:$0x3F9B];
	s0 =	simm.s32 @p0 $0x1  }
0x13: {  	[smem:$0x3FB6] =	sst s0;
	s0 =	simm.s32 @!p1 $0x0  }
0x14: {  	s2 =	sld [smem:$0x3F9A];
	s0 =	simm.s32 @p1 $0x1  }
0x15: {  	[smem:$0x3FB7] =	sst s0;
	s0 =	simm.s32 @!p2 $0x0  }
0x16: {  	s3 =	sld [smem:$0x3FDB];
	s0 =	simm.s32 @p2 $0x1  }
0x17: {  	s4 =	simm.s32 $0x1BF5;
	[smem:$0x3FB9] =	sst s0  }
0x18: {  	s0 =	sld [smem:$0x3F9C];
	_ =	swait.ge [sflag:s4], $0x0  }
0x19: {  	s7 =	sld [smem:$0x3F9D]  }
0x1a: {  	s8 =	sadd.s32 $0xFFFFE003, lr  }
0x1b: {  	s9 =	sadd.s32 $0xFFFFFEF7, lr;
	s5 =	simm.s32 $0xFFFFFFFF;
	p2 =	slt.u32 s8, $0xFFFFF086  }
0x1c: {  	p1 =	slt.u32 s9, $0xF7A;
	s5 =	simm.s32 @!p2 $0x0  }
0x1d: {  	s5 =	simm.s32 @p1 $0x1;
	p0 =	seq.s32 s7, s2  }
0x1e: {  	s7 =	smul.u32 @!p0 $0xF7A, s2;
	p2 =	seq.s32 @!p0 s5, $0x0  }
0x1f: {  	s9 =	smul.u32 $0xF7A, s1;
	s8 =	simm.s32 @!p0 $0x1BF5;
	p2 =	por !p2, p0  }
0x20: {  	[sflag:s8] =	ssyncset.s32 @!p0 $0xFFFFF086;
	s6 =	sadd.s32 @!p0 s3, s7;
	s7 =	simm.s32 @!p0 $0x108  }
0x21: {  	s3 =	sadd.s32 s3, s9;
	s6 =	sadd.s32 @!p0 $0x88, s6;
	s7 =	simm.s32 @p2 $0x1082  }
0x22: {  	[simem:s7], [sflag:s8] =	dma.local @!p0 [hbm:s6], $0xF7A  }
0x23: {  	s9 =	sor.u32 $0xD0000000, s2;
	s6 =	simm.s32 $0x108;
	_ =	swait.ge @!p0 [sflag:s8], $0x0  }
0x24: {  	s3 =	sadd.s32 $0x88, s3;
	s6 =	simm.s32 @!p1 $0x1082;
	[sflag:s4] =	ssyncset.s32 $0xFFFFF086  }
0x25: {  	[simem:s6], [sflag:s4] =	dma.local [hbm:s3], $0xF7A  }
0x26: {  	[smem:$0x3F9D] =	sst s1;
	(tag) =	ssettag s2;
	_ =	strace s9  }
0x27: {  	s1 =	sld [smem:$0x3FAD]  }
0x28: {  	s2 =	sld [smem:$0x3FAE]  }
0x29: {  	s4 =	sld [smem:$0x3FB0]  }
0x2a: {  	p0 =	seq.s32 s5, $0x0;
	s5 =	sld [smem:$0x3FB1]  }
0x2b: {  	s6 =	sld [smem:$0x3FB2]  }
0x2c: {  	s7 =	sld [smem:$0x3FB3]  }
0x2d: {  	s3 =	simm.s32 $0x108;
	s8 =	sld [smem:$0x3FB4]  }
0x2e: {  	s3 =	simm.s32 @!p0 $0x1082;
	s9 =	sld [smem:$0x3FB5]  }
0x2f: {  	lr =	sadd.s32 s0, s3;
	s0 =	sld [smem:$0x3FAC]  }
0x30: {  	s3 =	sld [smem:$0x3FAF]  }
0x31: {  	[smem:$0x3FB8] =	sst s10  }
0x32: {  	s10 =	sld [smem:$0x3FB6];
	_ =	sdelay $0x3  }
0x33: {  	p0 =	seq.s32 s10, $0x1;
	s10 =	sld [smem:$0x3FB8];
	_ =	sdelay $0x3  }
0x34: {  	[smem:$0x3FB8] =	sst s10  }
0x35: {  	s10 =	sld [smem:$0x3FB7];
	_ =	sdelay $0x3  }
0x36: {  	p1 =	seq.s32 s10, $0x1;
	s10 =	sld [smem:$0x3FB8];
	_ =	sdelay $0x3  }
0x37: {  	[smem:$0x3FB8] =	sst s10  }
0x38: {  	s10 =	sld [smem:$0x3FB9]  }
0x39: {  	_ = 	snop;
	(pc) =	sbr.ind lr, $3  }
0x3a: {  	_ = 	snop  }
0x3b: {  	_ = 	snop  }
0x3c: {  	p2 =	seq.s32 s10, $0x1;
	s10 =	sld [smem:$0x3FB8]  }
0x3d: {  	_ =	shalt  }
0x3e: {  	_ =	shalt  }
0x3f: {  	_ =	shalt  }
0x40: {  	_ =	shalt  }
0x41: {  	_ =	shalt  }
0x42: {  	_ =	shalt  }
0x43: {  	_ =	shalt  }
0x44: {  	_ =	shalt  }
0x45: {  	_ =	shalt  }
0x46: {  	_ =	shalt  }
0x47: {  	_ =	shalt  }
0x48: {  	_ =	shalt  }
0x49: {  	_ =	shalt  }
0x4a: {  	_ =	shalt  }
0x4b: {  	_ =	shalt  }
0x4c: {  	_ =	shalt  }
0x4d: {  	_ =	shalt  }
0x4e: {  	_ =	shalt  }
0x4f: {  	_ =	shalt  }
0x50: {  	_ =	shalt  }
0x51: {  	_ =	shalt  }
0x52: {  	_ =	shalt  }
0x53: {  	_ =	shalt  }
0x54: {  	_ =	shalt  }
0x55: {  	_ =	shalt  }
0x56: {  	_ =	shalt  }
0x57: {  	_ =	shalt  }
0x58: {  	_ =	shalt  }
0x59: {  	_ =	shalt  }
0x5a: {  	_ =	shalt  }
0x5b: {  	_ =	shalt  }
0x5c: {  	_ =	shalt  }
0x5d: {  	_ =	shalt  }
0x5e: {  	_ =	shalt  }
0x5f: {  	_ =	shalt  }
0x60: {  	_ =	shalt  }
0x61: {  	_ =	shalt  }
0x62: {  	_ =	shalt  }
0x63: {  	_ =	shalt  }
0x64: {  	_ =	shalt  }
0x65: {  	_ =	shalt  }
0x66: {  	_ =	shalt  }
0x67: {  	_ =	shalt  }
0x68: {  	_ =	shalt  }
0x69: {  	_ =	shalt  }
0x6a: {  	_ =	shalt  }
0x6b: {  	_ =	shalt  }
0x6c: {  	_ =	shalt  }
0x6d: {  	_ =	shalt  }
0x6e: {  	_ =	shalt  }
0x6f: {  	_ =	shalt  }
0x70: {  	_ =	shalt  }
0x71: {  	_ =	shalt  }
0x72: {  	_ =	shalt  }
0x73: {  	_ =	shalt  }
0x74: {  	_ =	shalt  }
0x75: {  	_ =	shalt  }
0x76: {  	_ =	shalt  }
0x77: {  	_ =	shalt  }
0x78: {  	_ =	shalt  }
0x79: {  	_ =	shalt  }
0x7a: {  	_ =	shalt  }
0x7b: {  	_ =	shalt  }
0x7c: {  	_ =	shalt  }
0x7d: {  	_ =	shalt  }
0x7e: {  	_ =	shalt  }
0x7f: {  	_ =	shalt  }
0x80: {  	_ =	shalt  }
0x81: {  	_ =	shalt  }
0x82: {  	_ =	shalt  }
0x83: {  	_ =	shalt  }
0x84: {  	_ =	shalt  }
0x85: {  	_ =	shalt  }
0x86: {  	_ =	shalt  }
0x87: {  	_ =	shalt  }
.Lfunc_end0:
.L_simem_size_0:
called_computation.1_lowered:
.L_overlay_start_0:
0x88: {  	s2 =	sld [smem:$0x3FD9]  }
0x89: {  	s3 =	sld [smem:$0x3FFE];
	_ =	sdelay $0x1  }
0x8a: {  	s1 =	srdreg.scid  }
0x8b: {  	s0 =	sand.u32 $0x1, s1  }
0x8c: {  	s14 =	sshll.u32 s0, $0xA;
	s2 =	sadd.s32 s3, s2  }
0x8d: {  	s2 =	sadd.s32 s2, s14  }
0x8e: {  	[smem:$0x3FC4] =	sst s2  }
0x8f: {  	_ = 	snop  }
0x90: {  	s2 =	sld [smem:$0x3FD0];
	_ =	sdelay $0x2  }
0x91: {  	s4 =	simm.s32 $0xA;
	s5 =	simm.s32 $0x10;
	s15 =	sld [smem:$0x3FC7]  }
0x92: {  	[smem:s5], [sflag:s4] =	dma.local [hbm:s2], $0x1  }
0x93: {  	_ =	swait.eq [sflag:s4], $0x1  }
0x94: {  	s16 =	sld [smem:$0x10]  }
0x95: {  	s17 =	sld [smem:$0x11]  }
0x96: {  	s6 =	sld [smem:$0x12]  }
0x97: {  	s7 =	sld [smem:$0x13];
	[sflag:s4] =	ssyncset.done $0x0  }
0x98: {  	s8 =	sld [smem:$0x14];
	[sflag:s4] =	ssyncadd.s32 $0xFFFFFFFF  }
0x99: {  	s18 =	sld [smem:$0x15];
	(tm) =	ssettm $0x1  }
0x9a: {  	s9 =	sld [smem:$0x3FFB];
	_ =	sdelay $0x3  }
0x9b: {  	_ =	strace s9  }
0x9c: {  	s9 =	sld [smem:$0x3FFC];
	_ =	sdelay $0x3  }
0x9d: {  	_ =	strace s9  }
0x9e: {  	s9 =	sld [smem:$0x3FFD];
	_ =	sdelay $0x3  }
0x9f: {  	_ =	strace s9  }
0xa0: {  	_ =	strace $0x8FFFFFFF  }
0xa1: {  	s19 =	sld [smem:$0x3FDB];
	_ =	sdelay $0x1  }
0xa2: {  	s10 =	simm.s32 $_scs_section_size  }
0xa3: {  	s11 =	simm.s32 $_size__tile_overlayer_lowered;
	s12 =	simm.s32 $_tile_overlayer_lowered  }
0xa4: {  	s22 =	simm.s32 $0x1BFF;
	s21 =	sshll.u32 s12, $0x1;
	s9 =	sadd.s32 s10, s19  }
0xa5: {  	s13 =	simm.s32 $0x0;
	s20 =	sshll.u32 s11, $0x1;
	s11 =	sadd.s32 s21, s9  }
0xa6: {  	[timem:s13], [sflag:s22] =	dma.local [hbm:s11], s20  }
0xa7: {  	_ =	swait.ge [sflag:s22], s20  }
0xa8: {  	s10 =	ssub.s32 $0x0, s20;
	[sflag:s22] =	ssyncset.done $0x0  }
0xa9: {  	[sflag:s22] =	ssyncadd.s32 s10;
	_ =	sdelay $0x1  }
0xaa: {  	s23 =	simm.s32 $0x1B8B  }
0xab: {  	_ =	swait.ge [sflag:s23], $0x1  }
0xac: {  	[sflag:s23] =	ssyncset.done $0x0  }
0xad: {  	s25 =	simm.s32 $0x1B8E;
	s24 =	sld [smem:$0x3FFE];
	[sflag:s23] =	ssyncadd.s32 $0xFFFFFFFF  }
0xae: {  	s26 =	simm.s32 $execute0_lowered;
	[smem:$0x3FD2] =	sst s25  }
0xaf: {  	s11 =	sshll.u32 s26, $0x1;
	_ =	strace $0x80000049;
	[dreg:$0x1] =	wrdreg $0xFFFFFFFF  }
0xb0: {  	s28 =	simm.s32 $_size_execute0_lowered;
	s9 =	sadd.s32 s9, s11;
	[dreg:$0x0] =	wrdreg $0x0  }
0xb1: {  	s11 =	sshll.u32 s28, $0x1;
	[dreg:$0x2] =	wrdreg s9  }
0xb2: {  	[dreg:$0x3] =	wrdreg s11  }
0xb3: {  	[dreg:$0x4] =	wrdreg $0xC0  }
0xb4: {  	_ =	task [dreg:s13], $0x5FFFF  }
0xb5: {  	[dreg:$0x1] =	wrdreg $0xFFFFFFFF  }
0xb6: {  	[dreg:$0x0] =	wrdreg $0x60  }
0xb7: {  	[dreg:$0x2] =	wrdreg s24  }
0xb8: {  	[dreg:$0x3] =	wrdreg s6  }
0xb9: {  	[dreg:$0x4] =	wrdreg s16  }
0xba: {  	[dreg:$0x5] =	wrdreg s17  }
0xbb: {  	[dreg:$0x6] =	wrdreg s7  }
0xbc: {  	[dreg:$0x7] =	wrdreg s15  }
0xbd: {  	[dreg:$0x8] =	wrdreg s8  }
0xbe: {  	[dreg:$0x9] =	wrdreg s18  }
0xbf: {  	[dreg:$0xa] =	wrdreg $0x9  }
0xc0: {  	_ =	task.clear_ibuf [dreg:s13], $0xBFFFF;
	_ =	strace $0x90000049  }
0xc1: {  	s29 =	simm.s32 $0x9;
	_ =	strace $0x8000004B  }
0xc2: {  	_ =	swait.ge [sflag:s29], $0x1  }
0xc3: {  	[sflag:s29] =	ssyncadd.s32 $0xFFFFFFFF  }
0xc4: {  	_ =	strace $0x9000004B  }
0xc5: {  	_ =	sfence  }
0xc6: {  	s30 =	sld [smem:$0x0];
	_ =	sdelay $0x2  }
0xc7: {  	s31 =	sshll.u32 s1, $0xD;
	s1 =	sshrl.u32 s1, $0x2  }
0xc8: {  	s3 =	sand.u32 $0x4000, s31;
	s1 =	sadd.s32 s1, s30  }
0xc9: {  	s0 =	sor.u32 s3, s0;
	s1 =	sshll.u32 s1, $0x11  }
0xca: {  	s0 =	sor.u32 s1, s0  }
0xcb: {  	s0 =	sadd.s32 $0x8F2B, s0  }
0xcc: {  	[sflag:s0] =	ssyncadd.remote.s32 $0x1  }
0xcd: {  	_ =	sfence.sel $0xFFFF  }
0xce: {  	[dreg:$0x0] =	wrdreg $0xFFFFFFFF;
	(pc) =	sbr.abs _section_cstart, $3  }
0xcf: {  	[dreg:$0x1] =	wrdreg $0xFFFFFFFF  }
0xd0: {  	_ =	task.clear_ibuf [dreg:s13], $0x2FFFF;
	_ =	strace $0x9FFFFFFF  }
0xd1: {  	(tm) =	ssettm $0x7FFFFFFF  }
tec
execute0_lowered:
.L_overlay_start_1:
0x0: {  	(tag) =	ssettag $0x1  }
0x1: {  	s0 =	rddreg [dreg:$0x0]  }
0x2: {  	s5 =	rddreg [dreg:$0x5]  }
0x3: {  	s1 =	rddreg [dreg:$0x6]  }
0x4: {  	s2 =	srdreg.scid;
	s16 =	stileid.u32  }
0x5: {  	s3 =	rddreg [dreg:$0x7];
	s7 =	simm.s32 $0x0;
	s28 =	simm.s32 $0x4800  }
0x6: {  	s29 =	simm.s32 $0x5800;
	s30 =	simm.s32 $0x100;
	s31 =	simm.s32 $0x80  }
0x7: {  	s2 =	sand.u32 $0x1, s2;
	s4 =	sshll.u32 s16, $0x1;
	s15 =	smul.u32 $0x1640, s16  }
0x8: {  	[smem:$0x7FF] =	sst s7;
	s8 =	sadd.s32 $0x1200, s0;
	s26 =	smul.u32 $0x16400, s16  }
0x9: {  	s10 =	sadd.s32 $0x4000, s0;
	s14 =	sadd.s32 $0x15000, s0;
	s18 =	smul.u32 $0x2C800, s16  }
0xa: {  	s19 =	sadd.s32 $0x2C6C00, s3;
	_ =	strace $0x8000004A;
	[dreg:$0x1b] =	wrdreg s8  }
0xb: {  	s21 =	sadd.s32 $0x16DE00, s0;
	s16 =	simm.s32 $0xD900;
	[dreg:$0xb] =	wrdreg s10  }
0xc: {  	s4 =	sor.u32 s2, s4;
	s24 =	smul.u32 $0xB20, s2;
	[dreg:$0x12] =	wrdreg s19  }
0xd: {  	s11 =	ssub.s32 $0x2, s2;
	[dreg:$0xa] =	wrdreg s21;
	s6 =	smul.u32 $0xB20, s4  }
0xe: {  	s21 =	simm.s32 $0x2500;
	s19 =	simm.s32 $0xE900;
	s9 =	smul.u32 $0x590, s4  }
0xf: {  	s13 =	sshrl.u32 s11, $0x1;
	s17 =	sadd.s32 s26, s14;
	s20 =	sadd.s32 s18, s3  }
0x10: {  	p0 =	seq.s32 s4, $0x1F;
	s26 =	sadd.s32 $0x2B1C00, s3;
	s18 =	simm.s32 $0x12100  }
0x11: {  	s11 =	ssub.s32 s11, s13;
	s8 =	sadd.s32 s24, s15;
	s24 =	sadd.s32 $0x9B1C, s0  }
0x12: {  	[dreg:$0x1a] =	wrdreg s26;
	s26 =	simm.s32 $0x2;
	s22 =	sshrl.u32 s6, $0x3  }
0x13: {  	s12 =	sadd.s32 s9, s0;
	s6 =	sadd.s32 $0xB00, s6;
	[dreg:$0x16] =	wrdreg s24  }
0x14: {  	s9 =	sadd.s32 s1, s9;
	s1 =	sadd.s32 $0xAC70, s1;
	[dreg:$0x1c] =	wrdreg s8  }
0x15: {  	s24 =	simm.s32 $0x11900;
	s10 =	sadd.s32 s22, s0;
	[dreg:$0x10] =	wrdreg s9  }
0x16: {  	s23 =	sshll.u32 s6, $0x5;
	s15 =	sadd.s32 $0x9E00, s12;
	[dreg:$0x17] =	wrdreg s1  }
0x17: {  	s6 =	sshll.u32 s6, $0x4;
	s22 =	sadd.s32 $0x178600, s0;
	[dreg:$0x11] =	wrdreg s15  }
0x18: {  	s1 =	simm.s32 $0x1;
	s13 =	sadd.s32 s3, s23;
	[dreg:$0x14] =	wrdreg s22  }
0x19: {  	s12 =	simm.s32 $0xD100;
	s6 =	sadd.s32 s14, s6;
	[dreg:$0xc] =	wrdreg s13  }
0x1a: {  	s9 =	simm.s32 $0x11100;
	s25 =	sadd.s32 $0x4200, s10;
	[dreg:$0xd] =	wrdreg s6  }
0x1b: {  	s10 =	sadd.s32 $0x7000, s10;
	s23 =	sadd.s32 $0x6D1C, s0;
	[dreg:$0xe] =	wrdreg s25  }
0x1c: {  	s0 =	sadd.s32 $0x14A70, s0;
	[dreg:$0xf] =	wrdreg s10;
	s13 =	smul.u32 $0xB200, s2  }
0x1d: {  	s15 =	simm.s32 $0x13100;
	s2 =	smul.u32 $0x16400, s2;
	[dreg:$0x15] =	wrdreg s23  }
.Ltmp0:
0x1e: {  	v3 =	vimm.s32 $0x10;
	[dreg:$0x18] =	wrdreg s0;
	s25 =	smax.u32 s11, $0x1;
	(pc) =	sbr.rel .LBB2_1-.Ltmp0, $4  }
0x1f: {  	v0 =	vlaneseq.u32;
	s22 =	simm.s32 $0x13900;
	s10 =	simm.s32 $0xF900;
	[dreg:$0x19] =	wrdreg s25  }
0x20: {  	v4 =	vimm.s32 $0x0;
	vm0 =	vmmov $0xffff;
	v1 =	vmul.u32 $0x8, v0;
	s25 =	simm.s32 $0xC100;
	s6 =	sadd.s32 s13, s17;
	s2 =	sadd.s32 s2, s20  }
0x21: {  	v5 =	vand.u32 $0x3, v0;
	v6 =	vand.u32 $0x7, v0;
	v7 =	vshrl.u32 v0, $0x3;
	s13 =	simm.s32 $0xF100;
	s17 =	simm.s32 $0x10900;
	[dreg:$0x9] =	wrdreg s6  }
0x22: {  	v8 =	vor.u32 $0x8, v0;
	v7 =	vmul.u32 $0x8, v7;
	v2 =	vor.u32 $0x80, v1;
	[dreg:$0x13] =	wrdreg s2;
	s2 =	simm.s32 $0x0;
	s6 =	simm.s32 $0xE100  }
.LBB2_12:
0x23: {  	s2 =	sadd.s32 $0x1, s2;
	s0 =	rddreg [dreg:$0x19]  }
0x24: {  	p1 =	sne.s32 s2, s0  }
.Ltmp1:
0x25: {  	_ = 	snop;
	(pc) =	sbr.rel @!p1 .LBB2_13-.Ltmp1, $2  }
0x26: {  	_ =	sdelay $0x2  }
0x27: {  	s8 =	rddreg [dreg:$0x1c]  }
.LBB2_1:
0x28: {  	[dreg:$0x1d] =	wrdreg s2  }
0x29: {  	s0 =	rddreg [dreg:$0xb]  }
0x2a: {  	[tilespmem:s7], [sflag:$0x2] =	stream.linear.gather [hbm4b:s0+s7], $0x100, $0x38;
	[tilespmem:$0x18100] =	vst v63  }
0x2b: {  	_ =	swait.ge [sflag:s26], $0x100  }
0x2c: {  	[sflag:s26] =	ssyncset.done $0x0  }
0x2d: {  	[sflag:s26] =	ssyncadd.s32 $0xFFFFFF00  }
0x2e: {  	v9 =	vld.idx.msk [tilespmem:v1+s7+$0x0], $0xffff  }
0x2f: {  	v10 =	vld.idx.msk [tilespmem:v2+s7+$0x0], $0xffff;
	_ =	sdelay $0x3  }
0x30: {  	(xrf0) =	vadd.scan.msk.s32 $0xffff, v9  }
0x31: {  	(xrf0) =	vadd.scan.msk.s32 $0xffff, v10;
	_ =	sdelay $0x4  }
0x32: {  	v11, _, _ =	vpop (xrf0)  }
0x33: {  	(v2sf) =	vpush v11, $0xF;
	v12, _, _ =	vpop (xrf0)  }
0x34: {  	(v2sf) =	vpush v12, $0xF;
	_ =	sdelay $0x8  }
0x35: {  	v13 =	vbroadcast v11, $0xF  }
0x36: {  	v9 =	vsub.s32 v11, v9;
	v10 =	vsub.s32 v12, v10  }
0x37: {  	[tilespmem:$0x100] =	vst v9;
	v10 =	vadd.s32 v13, v10  }
0x38: {  	s20 =	rddreg [dreg:$0x2];
	[tilespmem:$0x110] =	vst v10  }
0x39: {  	[tilespmem:s28], [sflag:$0x2] =	stream.linear.gather [hbm4b:s20+s7], $0x1000, $0x38;
	[tilespmem:$0x18100] =	vst v63  }
0x3a: {  	s14 =	spop (v2sf)  }
0x3b: {  	s4 =	spop (v2sf)  }
0x3c: {  	_ =	swait.ge [sflag:s26], $0x1000  }
0x3d: {  	[sflag:s26] =	ssyncset.done $0x0  }
0x3e: {  	[sflag:s26] =	ssyncadd.s32 $0xFFFFF000  }
0x3f: {  	s23 =	rddreg [dreg:$0x3]  }
0x40: {  	[tilespmem:s29], [sflag:$0x2] =	stream.linear.gather [hbm4b:s23+s7], $0x1000, $0x38;
	[tilespmem:$0x18100] =	vst v63  }
0x41: {  	_ =	swait.ge [sflag:s26], $0x1000  }
0x42: {  	s0 =	sadd.s32 s14, s4;
	[sflag:s26] =	ssyncset.done $0x0  }
0x43: {  	s4 =	simm.s32 $0x0;
	v9 =	vmov s0;
	s0 =	simm.s32 $0x0;
	[sflag:s26] =	ssyncadd.s32 $0xFFFFF000  }
.LBB2_2:
0x44: {  	v10 =	vld.idx.msk [tilespmem:v3+s30+$0x0], $0xffff;
	_ =	sdelay $0x2  }
0x45: {  	s11 =	sadd.s32 s0, s8  }
0x46: {  	v11 =	vor.u32 s11, v0  }
0x47: {  	vm1 =	vgt.s32 v10, v11  }
0x48: {  	v10 =	vsel vm1, $0x0, v3  }
0x49: {  	v12 =	vor.u32 $0x8, v10;
	_ =	sdelay $0x4  }
0x4a: {  	v13 =	vld.idx.msk [tilespmem:v12+s30+$0x0], $0xffff;
	_ =	sdelay $0x4  }
0x4b: {  	vm1 =	vgt.s32 v13, v11  }
0x4c: {  	v10 =	vsel vm1, v10, v12  }
0x4d: {  	v12 =	vor.u32 $0x4, v10;
	_ =	sdelay $0x4  }
0x4e: {  	v61 =	vld.idx.msk [tilespmem:v12+s30+$0x0], $0xffff;
	_ =	sdelay $0x4  }
0x4f: {  	vm1 =	vgt.s32 v61, v11  }
0x50: {  	v10 =	vsel vm1, v10, v12  }
0x51: {  	v12 =	vor.u32 $0x2, v10;
	_ =	sdelay $0x4  }
0x52: {  	v62 =	vld.idx.msk [tilespmem:v12+s30+$0x0], $0xffff;
	_ =	sdelay $0x4  }
0x53: {  	vm1 =	vgt.s32 v62, v11  }
0x54: {  	v10 =	vsel vm1, v10, v12  }
0x55: {  	v12 =	vadd.s32 $0x1, v10;
	_ =	sdelay $0x4  }
0x56: {  	v63 =	vld.idx.msk [tilespmem:v12+s30+$0x0], $0xffff;
	_ =	sdelay $0x4  }
0x57: {  	vm1 =	vgt.s32 v63, v11  }
0x58: {  	v10 =	vsel vm1, v10, v12;
	_ =	sdelay $0x4  }
0x59: {  	v12 =	vld.idx.msk [tilespmem:v10+s30+$0x0], $0xffff;
	_ =	sdelay $0x2  }
0x5a: {  	p1 =	sne.s32 s4, $0x2DC0  }
.Ltmp2:
0x5b: {  	v10 =	vmul.u32 $0xB20, v10;
	(pc) =	sbr.rel @p1 .LBB2_2-.Ltmp2, $4  }
0x5c: {  	s23 =	sand.u32 $0x3E00, s4;
	v12 =	vsub.s32 v11, v12  }
0x5d: {  	s14 =	sand.u32 $0x70, s0;
	s11 =	sshrl.u32 s23, $0x2;
	vm1 =	vlt.s32 v11, v9;
	v10 =	vadd.s32 v10, v12  }
0x5e: {  	s11 =	sor.u32 s14, s11;
	v10 =	vnsel vm1, $0x0, v10  }
0x5f: {  	s0 =	sadd.s32 $0x10, s0;
	s4 =	sadd.s32 $0x40, s4;
	[tilespmem:s11+$0x180] =	vst v10  }
0x60: {  	s0 =	simm.s32 $0x180;
	s2 =	simm.s32 $0xD80;
	s3 =	rddreg [dreg:$0x1b]  }
0x61: {  	[tilespmem:s2], [sflag:$0x1] =	stream.indirect.gather [hbm4b:s3+s31], $0x1, s0, s31, $0xb8;
	[tilespmem:$0x18100] =	vst v63  }
0x62: {  	_ =	swait.ge [sflag:s1], $0x80  }
0x63: {  	[sflag:s1] =	ssyncset.done $0x0  }
0x64: {  	s20 =	simm.s32 $0x200;
	s23 =	simm.s32 $0xE00;
	[sflag:s1] =	ssyncadd.s32 $0xFFFFFF80  }
0x65: {  	[tilespmem:s23], [sflag:$0x1] =	stream.indirect.gather [hbm4b:s3+s31], $0x1, s20, s31, $0xb8;
	[tilespmem:$0x18100] =	vst v63  }
0x66: {  	_ =	swait.ge [sflag:s1], $0x80  }
0x67: {  	[sflag:s1] =	ssyncset.done $0x0  }
0x68: {  	s4 =	simm.s32 $0xE80;
	s2 =	simm.s32 $0x280;
	[sflag:s1] =	ssyncadd.s32 $0xFFFFFF80  }
0x69: {  	[tilespmem:s4], [sflag:$0x1] =	stream.indirect.gather [hbm4b:s3+s31], $0x1, s2, s31, $0xb8;
	[tilespmem:$0x18100] =	vst v63  }
0x6a: {  	_ =	swait.ge [sflag:s1], $0x80  }
0x6b: {  	[sflag:s1] =	ssyncset.done $0x0  }
0x6c: {  	s11 =	simm.s32 $0x300;
	s14 =	simm.s32 $0xF00;
	[sflag:s1] =	ssyncadd.s32 $0xFFFFFF80  }
0x6d: {  	[tilespmem:s14], [sflag:$0x1] =	stream.indirect.gather [hbm4b:s3+s31], $0x1, s11, s31, $0xb8;
	[tilespmem:$0x18100] =	vst v63  }
0x6e: {  	_ =	swait.ge [sflag:s1], $0x80  }
0x6f: {  	[sflag:s1] =	ssyncset.done $0x0  }
0x70: {  	s20 =	simm.s32 $0x380;
	s23 =	simm.s32 $0xF80;
	[sflag:s1] =	ssyncadd.s32 $0xFFFFFF80  }
0x71: {  	[tilespmem:s23], [sflag:$0x1] =	stream.indirect.gather [hbm4b:s3+s31], $0x1, s20, s31, $0xb8;
	[tilespmem:$0x18100] =	vst v63  }
0x72: {  	_ =	swait.ge [sflag:s1], $0x80  }
0x73: {  	[sflag:s1] =	ssyncset.done $0x0  }
0x74: {  	s2 =	simm.s32 $0x400;
	s4 =	simm.s32 $0x1000;
	[sflag:s1] =	ssyncadd.s32 $0xFFFFFF80  }
0x75: {  	[tilespmem:s4], [sflag:$0x1] =	stream.indirect.gather [hbm4b:s3+s31], $0x1, s2, s31, $0xb8;
	[tilespmem:$0x18100] =	vst v63  }
0x76: {  	_ =	swait.ge [sflag:s1], $0x80  }
0x77: {  	[sflag:s1] =	ssyncset.done $0x0  }
0x78: {  	s11 =	simm.s32 $0x480;
	s14 =	simm.s32 $0x1080;
	[sflag:s1] =	ssyncadd.s32 $0xFFFFFF80  }
0x79: {  	[tilespmem:s14], [sflag:$0x1] =	stream.indirect.gather [hbm4b:s3+s31], $0x1, s11, s31, $0xb8;
	[tilespmem:$0x18100] =	vst v63  }
0x7a: {  	_ =	swait.ge [sflag:s1], $0x80  }
0x7b: {  	[sflag:s1] =	ssyncset.done $0x0  }
0x7c: {  	s20 =	simm.s32 $0x500;
	s23 =	simm.s32 $0x1100;
	[sflag:s1] =	ssyncadd.s32 $0xFFFFFF80  }
0x7d: {  	[tilespmem:s23], [sflag:$0x1] =	stream.indirect.gather [hbm4b:s3+s31], $0x1, s20, s31, $0xb8;
	[tilespmem:$0x18100] =	vst v63  }
0x7e: {  	_ =	swait.ge [sflag:s1], $0x80  }
0x7f: {  	[sflag:s1] =	ssyncset.done $0x0  }
0x80: {  	s2 =	simm.s32 $0x580;
	s4 =	simm.s32 $0x1180;
	[sflag:s1] =	ssyncadd.s32 $0xFFFFFF80  }
0x81: {  	[tilespmem:s4], [sflag:$0x1] =	stream.indirect.gather [hbm4b:s3+s31], $0x1, s2, s31, $0xb8;
	[tilespmem:$0x18100] =	vst v63  }
0x82: {  	_ =	swait.ge [sflag:s1], $0x80  }
0x83: {  	[sflag:s1] =	ssyncset.done $0x0  }
0x84: {  	s11 =	simm.s32 $0x600;
	s14 =	simm.s32 $0x1200;
	[sflag:s1] =	ssyncadd.s32 $0xFFFFFF80  }
0x85: {  	[tilespmem:s14], [sflag:$0x1] =	stream.indirect.gather [hbm4b:s3+s31], $0x1, s11, s31, $0xb8;
	[tilespmem:$0x18100] =	vst v63  }
0x86: {  	_ =	swait.ge [sflag:s1], $0x80  }
0x87: {  	[sflag:s1] =	ssyncset.done $0x0  }
0x88: {  	s20 =	simm.s32 $0x680;
	s23 =	simm.s32 $0x1280;
	[sflag:s1] =	ssyncadd.s32 $0xFFFFFF80  }
0x89: {  	[tilespmem:s23], [sflag:$0x1] =	stream.indirect.gather [hbm4b:s3+s31], $0x1, s20, s31, $0xb8;
	[tilespmem:$0x18100] =	vst v63  }
0x8a: {  	_ =	swait.ge [sflag:s1], $0x80  }
0x8b: {  	[sflag:s1] =	ssyncset.done $0x0  }
0x8c: {  	s2 =	simm.s32 $0x700;
	s4 =	simm.s32 $0x1300;
	[sflag:s1] =	ssyncadd.s32 $0xFFFFFF80  }
0x8d: {  	[tilespmem:s4], [sflag:$0x1] =	stream.indirect.gather [hbm4b:s3+s31], $0x1, s2, s31, $0xb8;
	[tilespmem:$0x18100] =	vst v63  }
0x8e: {  	_ =	swait.ge [sflag:s1], $0x80  }
0x8f: {  	[sflag:s1] =	ssyncset.done $0x0  }
0x90: {  	s11 =	simm.s32 $0x780;
	s14 =	simm.s32 $0x1380;
	[sflag:s1] =	ssyncadd.s32 $0xFFFFFF80  }
0x91: {  	[tilespmem:s14], [sflag:$0x1] =	stream.indirect.gather [hbm4b:s3+s31], $0x1, s11, s31, $0xb8;
	[tilespmem:$0x18100] =	vst v63  }
0x92: {  	_ =	swait.ge [sflag:s1], $0x80  }
0x93: {  	[sflag:s1] =	ssyncset.done $0x0  }
0x94: {  	s20 =	simm.s32 $0x800;
	s23 =	simm.s32 $0x1400;
	[sflag:s1] =	ssyncadd.s32 $0xFFFFFF80  }
0x95: {  	[tilespmem:s23], [sflag:$0x1] =	stream.indirect.gather [hbm4b:s3+s31], $0x1, s20, s31, $0xb8;
	[tilespmem:$0x18100] =	vst v63  }
0x96: {  	_ =	swait.ge [sflag:s1], $0x80  }
0x97: {  	[sflag:s1] =	ssyncset.done $0x0  }
0x98: {  	s2 =	simm.s32 $0x880;
	s4 =	simm.s32 $0x1480;
	[sflag:s1] =	ssyncadd.s32 $0xFFFFFF80  }
0x99: {  	[tilespmem:s4], [sflag:$0x1] =	stream.indirect.gather [hbm4b:s3+s31], $0x1, s2, s31, $0xb8;
	[tilespmem:$0x18100] =	vst v63  }
0x9a: {  	_ =	swait.ge [sflag:s1], $0x80  }
0x9b: {  	[sflag:s1] =	ssyncset.done $0x0  }
0x9c: {  	s11 =	simm.s32 $0x900;
	s14 =	simm.s32 $0x1500;
	[sflag:s1] =	ssyncadd.s32 $0xFFFFFF80  }
0x9d: {  	[tilespmem:s14], [sflag:$0x1] =	stream.indirect.gather [hbm4b:s3+s31], $0x1, s11, s31, $0xb8;
	[tilespmem:$0x18100] =	vst v63  }
0x9e: {  	_ =	swait.ge [sflag:s1], $0x80  }
0x9f: {  	[sflag:s1] =	ssyncset.done $0x0  }
0xa0: {  	s20 =	simm.s32 $0x980;
	s23 =	simm.s32 $0x1580;
	[sflag:s1] =	ssyncadd.s32 $0xFFFFFF80  }
0xa1: {  	[tilespmem:s23], [sflag:$0x1] =	stream.indirect.gather [hbm4b:s3+s31], $0x1, s20, s31, $0xb8;
	[tilespmem:$0x18100] =	vst v63  }
0xa2: {  	_ =	swait.ge [sflag:s1], $0x80  }
0xa3: {  	[sflag:s1] =	ssyncset.done $0x0  }
0xa4: {  	s2 =	simm.s32 $0xA00;
	s4 =	simm.s32 $0x1600;
	[sflag:s1] =	ssyncadd.s32 $0xFFFFFF80  }
0xa5: {  	[tilespmem:s4], [sflag:$0x1] =	stream.indirect.gather [hbm4b:s3+s31], $0x1, s2, s31, $0xb8;
	[tilespmem:$0x18100] =	vst v63  }
0xa6: {  	_ =	swait.ge [sflag:s1], $0x80  }
0xa7: {  	[sflag:s1] =	ssyncset.done $0x0  }
0xa8: {  	s11 =	simm.s32 $0xA80;
	s14 =	simm.s32 $0x1680;
	[sflag:s1] =	ssyncadd.s32 $0xFFFFFF80  }
0xa9: {  	[tilespmem:s14], [sflag:$0x1] =	stream.indirect.gather [hbm4b:s3+s31], $0x1, s11, s31, $0xb8;
	[tilespmem:$0x18100] =	vst v63  }
0xaa: {  	_ =	swait.ge [sflag:s1], $0x80  }
0xab: {  	[sflag:s1] =	ssyncset.done $0x0  }
0xac: {  	s20 =	simm.s32 $0xB00;
	s23 =	simm.s32 $0x1700;
	[sflag:s1] =	ssyncadd.s32 $0xFFFFFF80  }
0xad: {  	[tilespmem:s23], [sflag:$0x1] =	stream.indirect.gather [hbm4b:s3+s31], $0x1, s20, s31, $0xb8;
	[tilespmem:$0x18100] =	vst v63  }
0xae: {  	_ =	swait.ge [sflag:s1], $0x80  }
0xaf: {  	[sflag:s1] =	ssyncset.done $0x0  }
0xb0: {  	s2 =	simm.s32 $0xB80;
	s4 =	simm.s32 $0x1780;
	[sflag:s1] =	ssyncadd.s32 $0xFFFFFF80  }
0xb1: {  	[tilespmem:s4], [sflag:$0x1] =	stream.indirect.gather [hbm4b:s3+s31], $0x1, s2, s31, $0xb8;
	[tilespmem:$0x18100] =	vst v63  }
0xb2: {  	_ =	swait.ge [sflag:s1], $0x80  }
0xb3: {  	[sflag:s1] =	ssyncset.done $0x0  }
0xb4: {  	s11 =	simm.s32 $0xC00;
	s14 =	simm.s32 $0x1800;
	[sflag:s1] =	ssyncadd.s32 $0xFFFFFF80  }
0xb5: {  	[tilespmem:s14], [sflag:$0x1] =	stream.indirect.gather [hbm4b:s3+s31], $0x1, s11, s31, $0xb8;
	[tilespmem:$0x18100] =	vst v63  }
0xb6: {  	_ =	swait.ge [sflag:s1], $0x80  }
0xb7: {  	[sflag:s1] =	ssyncset.done $0x0  }
0xb8: {  	s20 =	simm.s32 $0xC80;
	s23 =	simm.s32 $0x1880;
	[sflag:s1] =	ssyncadd.s32 $0xFFFFFF80  }
0xb9: {  	[tilespmem:s23], [sflag:$0x1] =	stream.indirect.gather [hbm4b:s3+s31], $0x1, s20, s31, $0xb8;
	[tilespmem:$0x18100] =	vst v63  }
0xba: {  	_ =	swait.ge [sflag:s1], $0x80  }
0xbb: {  	[sflag:s1] =	ssyncset.done $0x0  }
0xbc: {  	s4 =	simm.s32 $0x0;
	[sflag:s1] =	ssyncadd.s32 $0xFFFFFF80  }
0xbd: {  	v10 =	vld [tilespmem:s4+$0xD80];
	_ =	sdelay $0x2  }
0xbe: {  	v11 =	vor.u32 s8, v0  }
0xbf: {  	vm1 =	vlt.s32 v11, v9;
	s0 =	simm.s32 $0x10  }
0xc0: {  	v11 =	vnsel vm1, $0x0, v10;
	v10 =	vld [tilespmem:s0+$0xD80]  }
0xc1: {  	v12 =	vcvt.s32.f32 v11  }
0xc2: {  	s11 =	sadd.s32 $0x10, s8  }
0xc3: {  	v13 =	vor.u32 s11, v0;
	v14 =	vmul.f32 $1.098901130e-02, v12  }
0xc4: {  	s14 =	simm.s32 $0x20;
	vm1 =	vlt.s32 v13, v9;
	[tilespmem:s4+$0x1900] =	vst v11  }
0xc5: {  	v12 =	vnsel vm1, $0x0, v10;
	v10 =	vld [tilespmem:s14+$0xD80];
	v13 =	vtrunc.f32 v14  }
0xc6: {  	v15 =	vcvt.f32.s32 v13  }
0xc7: {  	s11 =	sadd.s32 $0x10, s11;
	v13 =	vcvt.s32.f32 v12  }
0xc8: {  	v14 =	vor.u32 s11, v0;
	v16 =	vmul.u32 $0xFFFFFFA5, v15  }
0xc9: {  	vm1 =	vlt.s32 v14, v9;
	v13 =	vmul.f32 $1.098901130e-02, v13  }
0xca: {  	s20 =	simm.s32 $0x30;
	[tilespmem:s0+$0x1900] =	vst v12;
	v10 =	vnsel vm1, $0x0, v10;
	v14 =	vadd.s32 v11, v16  }
0xcb: {  	v13 =	vtrunc.f32 v13;
	vm1 =	vgt.s32 v14, $0x5A;
	v16 =	vshra.s32 v14, $0x1F;
	v14 =	vld [tilespmem:s20+$0xD80]  }
0xcc: {  	v13 =	vcvt.f32.s32 v13;
	v17 =	vsel vm1, $0x1, v4;
	v15 =	vadd.s32 v15, v16  }
0xcd: {  	s23 =	sadd.s32 $0x10, s11;
	v18 =	vcvt.s32.f32 v10;
	v17 =	vadd.s32 v17, v15  }
0xce: {  	v19 =	vor.u32 s23, v0;
	[tilespmem:s14+$0x1900] =	vst v10;
	v16 =	vmul.u32 $0xFFFFFFA5, v13;
	v15 =	vmul.u32 $0xFFFFFFA5, v17  }
0xcf: {  	s11 =	simm.s32 $0x100;
	vm1 =	vlt.s32 v19, v9;
	[tilespmem:s4+$0x2500] =	vst v17;
	v17 =	vmul.f32 $1.098901130e-02, v18  }
.LBB2_4:
0xd0: {  	s2 =	sshra.s32 s11, $0x2;
	v16 =	vadd.s32 v12, v16;
	v15 =	vadd.s32 v11, v15;
	v11 =	vmovc v12;
	v12 =	vmovc v10;
	v10 =	vnsel vm1, $0x0, v14;
	p1 =	sne.s32 s11, $0x2DC0  }
.Ltmp3:
0xd1: {  	v14 =	vld [tilespmem:s2+$0xD80];
	v17 =	vtrunc.f32 v17;
	vm1 =	vgt.s32 v16, $0x5A;
	v16 =	vshra.s32 v16, $0x1F;
	[tilespmem:s4+$0x3100] =	vst v15;
	s4 =	smov.u32 s0;
	s0 =	smov.u32 s14;
	(pc) =	sbr.rel @p1 .LBB2_4-.Ltmp3, $4  }
0xd2: {  	s11 =	sadd.s32 $0x40, s11;
	s14 =	smov.u32 s20;
	[tilespmem:s20+$0x1900] =	vst v10;
	v15 =	vsel vm1, $0x1, v4;
	v16 =	vadd.s32 v13, v16;
	v13 =	vcvt.f32.s32 v17  }
0xd3: {  	s23 =	sadd.s32 $0x10, s23;
	v17 =	vcvt.s32.f32 v10;
	s20 =	smov.u32 s2;
	v18 =	vadd.s32 v15, v16  }
0xd4: {  	v19 =	vor.u32 s23, v0;
	v16 =	vmul.u32 $0xFFFFFFA5, v13;
	v15 =	vmul.u32 $0xFFFFFFA5, v18;
	[tilespmem:s4+$0x2500] =	vst v18  }
0xd5: {  	vm1 =	vlt.s32 v19, v9;
	v17 =	vmul.f32 $1.098901130e-02, v17  }
0xd6: {  	v9 =	vnsel vm1, $0x0, v14  }
0xd7: {  	v14 =	vcvt.s32.f32 v9;
	_ =	sdelay $0x1  }
0xd8: {  	v16 =	vadd.s32 v12, v16;
	v17 =	vtrunc.f32 v17;
	v14 =	vmul.f32 $1.098901130e-02, v14  }
0xd9: {  	vm1 =	vgt.s32 v16, $0x5A;
	v16 =	vshra.s32 v16, $0x1F;
	v17 =	vcvt.f32.s32 v17  }
0xda: {  	v18 =	vsel vm1, $0x1, v4;
	v13 =	vadd.s32 v13, v16;
	v14 =	vtrunc.f32 v14  }
0xdb: {  	v13 =	vadd.s32 v18, v13;
	v53 =	vmul.u32 $0xFFFFFFA5, v17;
	v14 =	vcvt.f32.s32 v14  }
0xdc: {  	v18 =	vmul.u32 $0xFFFFFFA5, v13  }
0xdd: {  	v11 =	vadd.s32 v11, v15;
	v54 =	vadd.s32 v10, v53;
	v55 =	vmul.u32 $0xFFFFFFA5, v14  }
0xde: {  	v56 =	vadd.s32 v12, v18;
	vm1 =	vgt.s32 v54, $0x5A;
	v15 =	vshra.s32 v54, $0x1F  }
0xdf: {  	[tilespmem:s4+$0x3100] =	vst v11;
	v11 =	vadd.s32 v17, v15;
	v57 =	vsel vm1, $0x1, v4;
	v16 =	vadd.s32 v9, v55  }
0xe0: {  	[tilespmem:s20+$0x1900] =	vst v9;
	v11 =	vadd.s32 v57, v11;
	vm1 =	vgt.s32 v16, $0x5A;
	v58 =	vshra.s32 v16, $0x1F  }
0xe1: {  	[tilespmem:s0+$0x2500] =	vst v13;
	v59 =	vmul.u32 $0xFFFFFFA5, v11;
	v60 =	vsel vm1, $0x1, v4;
	v14 =	vadd.s32 v14, v58  }
0xe2: {  	[tilespmem:s0+$0x3100] =	vst v56;
	v61 =	vadd.s32 v60, v14  }
0xe3: {  	[tilespmem:s14+$0x2500] =	vst v11;
	v10 =	vadd.s32 v10, v59;
	v11 =	vmul.u32 $0xFFFFFFA5, v61  }
0xe4: {  	[tilespmem:s14+$0x3100] =	vst v10  }
0xe5: {  	[tilespmem:s20+$0x2500] =	vst v61;
	v9 =	vadd.s32 v9, v11  }
0xe6: {  	s2 =	rddreg [dreg:$0x1];
	s3 =	simm.s32 $0x3C80;
	s4 =	simm.s32 $0x1900;
	[tilespmem:s20+$0x3100] =	vst v9  }
0xe7: {  	[tilespmem:s3], [sflag:$0x1] =	stream.indirect.gather [hbm4b:s2+s31], $0x1, s4, s31, $0xb8;
	[tilespmem:$0x18100] =	vst v63  }
0xe8: {  	_ =	swait.ge [sflag:s1], $0x80  }
0xe9: {  	[sflag:s1] =	ssyncset.done $0x0  }
0xea: {  	s8 =	simm.s32 $0x1980;
	s11 =	simm.s32 $0x3D00;
	[sflag:s1] =	ssyncadd.s32 $0xFFFFFF80  }
0xeb: {  	[tilespmem:s11], [sflag:$0x1] =	stream.indirect.gather [hbm4b:s2+s31], $0x1, s8, s31, $0xb8;
	[tilespmem:$0x18100] =	vst v63  }
0xec: {  	_ =	swait.ge [sflag:s1], $0x80  }
0xed: {  	[sflag:s1] =	ssyncset.done $0x0  }
0xee: {  	s14 =	simm.s32 $0x1A00;
	s20 =	simm.s32 $0x3D80;
	[sflag:s1] =	ssyncadd.s32 $0xFFFFFF80  }
0xef: {  	[tilespmem:s20], [sflag:$0x1] =	stream.indirect.gather [hbm4b:s2+s31], $0x1, s14, s31, $0xb8;
	[tilespmem:$0x18100] =	vst v63  }
0xf0: {  	_ =	swait.ge [sflag:s1], $0x80  }
0xf1: {  	[sflag:s1] =	ssyncset.done $0x0  }
0xf2: {  	s23 =	simm.s32 $0x1A80;
	s3 =	simm.s32 $0x3E00;
	[sflag:s1] =	ssyncadd.s32 $0xFFFFFF80  }
0xf3: {  	[tilespmem:s3], [sflag:$0x1] =	stream.indirect.gather [hbm4b:s2+s31], $0x1, s23, s31, $0xb8;
	[tilespmem:$0x18100] =	vst v63  }
0xf4: {  	_ =	swait.ge [sflag:s1], $0x80  }
0xf5: {  	[sflag:s1] =	ssyncset.done $0x0  }
0xf6: {  	s8 =	simm.s32 $0x1B00;
	s11 =	simm.s32 $0x3E80;
	[sflag:s1] =	ssyncadd.s32 $0xFFFFFF80  }
0xf7: {  	[tilespmem:s11], [sflag:$0x1] =	stream.indirect.gather [hbm4b:s2+s31], $0x1, s8, s31, $0xb8;
	[tilespmem:$0x18100] =	vst v63  }
0xf8: {  	_ =	swait.ge [sflag:s1], $0x80  }
0xf9: {  	[sflag:s1] =	ssyncset.done $0x0  }
0xfa: {  	s14 =	simm.s32 $0x1B80;
	s20 =	simm.s32 $0x3F00;
	[sflag:s1] =	ssyncadd.s32 $0xFFFFFF80  }
0xfb: {  	[tilespmem:s20], [sflag:$0x1] =	stream.indirect.gather [hbm4b:s2+s31], $0x1, s14, s31, $0xb8;
	[tilespmem:$0x18100] =	vst v63  }
0xfc: {  	_ =	swait.ge [sflag:s1], $0x80  }
0xfd: {  	[sflag:s1] =	ssyncset.done $0x0  }
0xfe: {  	s23 =	simm.s32 $0x1C00;
	s3 =	simm.s32 $0x3F80;
	[sflag:s1] =	ssyncadd.s32 $0xFFFFFF80  }
0xff: {  	[tilespmem:s3], [sflag:$0x1] =	stream.indirect.gather [hbm4b:s2+s31], $0x1, s23, s31, $0xb8;
	[tilespmem:$0x18100] =	vst v63  }
0x100: {  	_ =	swait.ge [sflag:s1], $0x80  }
0x101: {  	[sflag:s1] =	ssyncset.done $0x0  }
0x102: {  	s8 =	simm.s32 $0x1C80;
	s11 =	simm.s32 $0x4000;
	[sflag:s1] =	ssyncadd.s32 $0xFFFFFF80  }
0x103: {  	[tilespmem:s11], [sflag:$0x1] =	stream.indirect.gather [hbm4b:s2+s31], $0x1, s8, s31, $0xb8;
	[tilespmem:$0x18100] =	vst v63  }
0x104: {  	_ =	swait.ge [sflag:s1], $0x80  }
0x105: {  	[sflag:s1] =	ssyncset.done $0x0  }
0x106: {  	s14 =	simm.s32 $0x1D00;
	s20 =	simm.s32 $0x4080;
	[sflag:s1] =	ssyncadd.s32 $0xFFFFFF80  }
0x107: {  	[tilespmem:s20], [sflag:$0x1] =	stream.indirect.gather [hbm4b:s2+s31], $0x1, s14, s31, $0xb8;
	[tilespmem:$0x18100] =	vst v63  }
0x108: {  	_ =	swait.ge [sflag:s1], $0x80  }
0x109: {  	[sflag:s1] =	ssyncset.done $0x0  }
0x10a: {  	s23 =	simm.s32 $0x1D80;
	s3 =	simm.s32 $0x4100;
	[sflag:s1] =	ssyncadd.s32 $0xFFFFFF80  }
0x10b: {  	[tilespmem:s3], [sflag:$0x1] =	stream.indirect.gather [hbm4b:s2+s31], $0x1, s23, s31, $0xb8;
	[tilespmem:$0x18100] =	vst v63  }
0x10c: {  	_ =	swait.ge [sflag:s1], $0x80  }
0x10d: {  	[sflag:s1] =	ssyncset.done $0x0  }
0x10e: {  	s8 =	simm.s32 $0x1E00;
	s11 =	simm.s32 $0x4180;
	[sflag:s1] =	ssyncadd.s32 $0xFFFFFF80  }
0x10f: {  	[tilespmem:s11], [sflag:$0x1] =	stream.indirect.gather [hbm4b:s2+s31], $0x1, s8, s31, $0xb8;
	[tilespmem:$0x18100] =	vst v63  }
0x110: {  	_ =	swait.ge [sflag:s1], $0x80  }
0x111: {  	[sflag:s1] =	ssyncset.done $0x0  }
0x112: {  	s14 =	simm.s32 $0x1E80;
	s20 =	simm.s32 $0x4200;
	[sflag:s1] =	ssyncadd.s32 $0xFFFFFF80  }
0x113: {  	[tilespmem:s20], [sflag:$0x1] =	stream.indirect.gather [hbm4b:s2+s31], $0x1, s14, s31, $0xb8;
	[tilespmem:$0x18100] =	vst v63  }
0x114: {  	_ =	swait.ge [sflag:s1], $0x80  }
0x115: {  	[sflag:s1] =	ssyncset.done $0x0  }
0x116: {  	s23 =	simm.s32 $0x1F00;
	s3 =	simm.s32 $0x4280;
	[sflag:s1] =	ssyncadd.s32 $0xFFFFFF80  }
0x117: {  	[tilespmem:s3], [sflag:$0x1] =	stream.indirect.gather [hbm4b:s2+s31], $0x1, s23, s31, $0xb8;
	[tilespmem:$0x18100] =	vst v63  }
0x118: {  	_ =	swait.ge [sflag:s1], $0x80  }
0x119: {  	[sflag:s1] =	ssyncset.done $0x0  }
0x11a: {  	s8 =	simm.s32 $0x1F80;
	s11 =	simm.s32 $0x4300;
	[sflag:s1] =	ssyncadd.s32 $0xFFFFFF80  }
0x11b: {  	[tilespmem:s11], [sflag:$0x1] =	stream.indirect.gather [hbm4b:s2+s31], $0x1, s8, s31, $0xb8;
	[tilespmem:$0x18100] =	vst v63  }
0x11c: {  	_ =	swait.ge [sflag:s1], $0x80  }
0x11d: {  	[sflag:s1] =	ssyncset.done $0x0  }
0x11e: {  	s14 =	simm.s32 $0x2000;
	s20 =	simm.s32 $0x4380;
	[sflag:s1] =	ssyncadd.s32 $0xFFFFFF80  }
0x11f: {  	[tilespmem:s20], [sflag:$0x1] =	stream.indirect.gather [hbm4b:s2+s31], $0x1, s14, s31, $0xb8;
	[tilespmem:$0x18100] =	vst v63  }
0x120: {  	_ =	swait.ge [sflag:s1], $0x80  }
0x121: {  	[sflag:s1] =	ssyncset.done $0x0  }
0x122: {  	s23 =	simm.s32 $0x2080;
	s3 =	simm.s32 $0x4400;
	[sflag:s1] =	ssyncadd.s32 $0xFFFFFF80  }
0x123: {  	[tilespmem:s3], [sflag:$0x1] =	stream.indirect.gather [hbm4b:s2+s31], $0x1, s23, s31, $0xb8;
	[tilespmem:$0x18100] =	vst v63  }
0x124: {  	_ =	swait.ge [sflag:s1], $0x80  }
0x125: {  	[sflag:s1] =	ssyncset.done $0x0  }
0x126: {  	s8 =	simm.s32 $0x2100;
	s11 =	simm.s32 $0x4480;
	[sflag:s1] =	ssyncadd.s32 $0xFFFFFF80  }
0x127: {  	[tilespmem:s11], [sflag:$0x1] =	stream.indirect.gather [hbm4b:s2+s31], $0x1, s8, s31, $0xb8;
	[tilespmem:$0x18100] =	vst v63  }
0x128: {  	_ =	swait.ge [sflag:s1], $0x80  }
0x129: {  	[sflag:s1] =	ssyncset.done $0x0  }
0x12a: {  	s14 =	simm.s32 $0x2180;
	s20 =	simm.s32 $0x4500;
	[sflag:s1] =	ssyncadd.s32 $0xFFFFFF80  }
0x12b: {  	[tilespmem:s20], [sflag:$0x1] =	stream.indirect.gather [hbm4b:s2+s31], $0x1, s14, s31, $0xb8;
	[tilespmem:$0x18100] =	vst v63  }
0x12c: {  	_ =	swait.ge [sflag:s1], $0x80  }
0x12d: {  	[sflag:s1] =	ssyncset.done $0x0  }
0x12e: {  	s23 =	simm.s32 $0x2200;
	s3 =	simm.s32 $0x4580;
	[sflag:s1] =	ssyncadd.s32 $0xFFFFFF80  }
0x12f: {  	[tilespmem:s3], [sflag:$0x1] =	stream.indirect.gather [hbm4b:s2+s31], $0x1, s23, s31, $0xb8;
	[tilespmem:$0x18100] =	vst v63  }
0x130: {  	_ =	swait.ge [sflag:s1], $0x80  }
0x131: {  	[sflag:s1] =	ssyncset.done $0x0  }
0x132: {  	s8 =	simm.s32 $0x2280;
	s11 =	simm.s32 $0x4600;
	[sflag:s1] =	ssyncadd.s32 $0xFFFFFF80  }
0x133: {  	[tilespmem:s11], [sflag:$0x1] =	stream.indirect.gather [hbm4b:s2+s31], $0x1, s8, s31, $0xb8;
	[tilespmem:$0x18100] =	vst v63  }
0x134: {  	_ =	swait.ge [sflag:s1], $0x80  }
0x135: {  	[sflag:s1] =	ssyncset.done $0x0  }
0x136: {  	s14 =	simm.s32 $0x2300;
	s20 =	simm.s32 $0x4680;
	[sflag:s1] =	ssyncadd.s32 $0xFFFFFF80  }
0x137: {  	[tilespmem:s20], [sflag:$0x1] =	stream.indirect.gather [hbm4b:s2+s31], $0x1, s14, s31, $0xb8;
	[tilespmem:$0x18100] =	vst v63  }
0x138: {  	_ =	swait.ge [sflag:s1], $0x80  }
0x139: {  	s23 =	simm.s32 $0x0;
	[sflag:s1] =	ssyncset.done $0x0  }
0x13a: {  	s3 =	simm.s32 $0x2380;
	s11 =	simm.s32 $0x4700;
	[sflag:s1] =	ssyncadd.s32 $0xFFFFFF80  }
0x13b: {  	v9 =	vmov s23;
	v10 =	vor.u32 s23, v0;
	[tilespmem:s11], [sflag:$0x1] =	stream.indirect.gather [hbm4b:s2+s31], $0x1, s3, s31, $0xb8;
	[tilespmem:$0x18100] =	vst v63  }
0x13c: {  	v10 =	vshrl.u32 v10, $0x2;
	v9 =	vshrl.u32 v9, $0x2;
	_ =	swait.ge [sflag:s1], $0x80  }
0x13d: {  	v10 =	vand.u32 $0x7F, v10;
	v9 =	vand.u32 $0xF80, v9;
	[sflag:s1] =	ssyncset.done $0x0  }
0x13e: {  	v9 =	vor.u32 v9, v10;
	s8 =	simm.s32 $0x2400;
	s11 =	simm.s32 $0x4780;
	[sflag:s1] =	ssyncadd.s32 $0xFFFFFF80  }
0x13f: {  	[tilespmem:s11], [sflag:$0x1] =	stream.indirect.gather [hbm4b:s2+s31], $0x1, s8, s31, $0xb8;
	[tilespmem:$0x18100] =	vst v63  }
0x140: {  	_ =	swait.ge [sflag:s1], $0x80  }
0x141: {  	[sflag:s1] =	ssyncset.done $0x0  }
0x142: {  	[sflag:s1] =	ssyncadd.s32 $0xFFFFFF80  }
0x143: {  	v9 =	vld.idx.msk [tilespmem:v9+s21+$0x0], $0xffff;
	_ =	sdelay $0x4  }
0x144: {  	v9 =	vshll.u32 v9, $0x2  }
0x145: {  	v9 =	vor.u32 v5, v9;
	_ =	sdelay $0x4  }
0x146: {  	v10 =	vld.idx.msk [tilespmem:v9+s28+$0x0], $0xffff;
	_ =	sdelay $0x2  }
0x147: {  	s14 =	simm.s32 $0x10  }
0x148: {  	s20 =	simm.s32 $0x6800;
	v11 =	vmov s14;
	v62 =	vor.u32 s14, v0  }
0x149: {  	v11 =	vshrl.u32 v11, $0x2;
	[tilespmem:s20+$0x0] =	vst v10;
	v10 =	vshrl.u32 v62, $0x2  }
0x14a: {  	v11 =	vand.u32 $0xF80, v11;
	v9 =	vld.idx.msk [tilespmem:v9+s29+$0x0], $0xffff;
	v10 =	vand.u32 $0x7F, v10  }
0x14b: {  	v10 =	vor.u32 v11, v10;
	_ =	sdelay $0x2  }
0x14c: {  	s0 =	simm.s32 $0x9480  }
0x14d: {  	[tilespmem:s0+$0x0] =	vst v9  }
0x14e: {  	v9 =	vld.idx.msk [tilespmem:v10+s21+$0x0], $0xffff;
	_ =	sdelay $0x4  }
0x14f: {  	v9 =	vshll.u32 v9, $0x2  }
0x150: {  	v9 =	vor.u32 v5, v9;
	_ =	sdelay $0x4  }
0x151: {  	v63 =	vld.idx.msk [tilespmem:v9+s28+$0x0], $0xffff;
	_ =	sdelay $0x3  }
0x152: {  	s4 =	simm.s32 $0x6810;
	s23 =	simm.s32 $0x20  }
0x153: {  	s14 =	simm.s32 $0x30;
	s11 =	rddreg [dreg:$0x4];
	v11 =	vor.u32 s23, v0;
	v10 =	vmov s23;
	[tilespmem:s4+$0x0] =	vst v63  }
.LBB2_6:
0x154: {  	p1 =	sne.s32 s14, $0x2C70;
	v11 =	vshrl.u32 v11, $0x2;
	v10 =	vshrl.u32 v10, $0x2;
	v9 =	vld.idx.msk [tilespmem:v9+s29+$0x0], $0xffff  }
0x155: {  	v11 =	vand.u32 $0x7F, v11;
	v10 =	vand.u32 $0xF80, v10  }
0x156: {  	v10 =	vor.u32 v10, v11;
	_ =	sdelay $0x2  }
0x157: {  	s0 =	sadd.s32 $0x10, s0  }
0x158: {  	[tilespmem:s0+$0x0] =	vst v9  }
0x159: {  	v9 =	vld.idx.msk [tilespmem:v10+s21+$0x0], $0xffff;
	_ =	sdelay $0x5  }
0x15a: {  	v9 =	vshll.u32 v9, $0x2  }
0x15b: {  	v9 =	vor.u32 v5, v9;
	_ =	sdelay $0x4  }
0x15c: {  	v12 =	vld.idx.msk [tilespmem:v9+s28+$0x0], $0xffff;
	_ =	sdelay $0x1  }
.Ltmp4:
0x15d: {  	(pc) =	sbr.rel @p1 .LBB2_6-.Ltmp4, $3  }
0x15e: {  	_ =	sdelay $0x1  }
0x15f: {  	s4 =	sadd.s32 $0x10, s4  }
0x160: {  	v11 =	vor.u32 s14, v0;
	v10 =	vmov s14;
	s14 =	sadd.s32 $0x10, s14;
	[tilespmem:s4+$0x0] =	vst v12  }
0x161: {  	_ =	sdelay $0x2  }
0x162: {  	v11 =	vshrl.u32 v11, $0x2;
	v10 =	vshrl.u32 v10, $0x2  }
0x163: {  	v9 =	vld.idx.msk [tilespmem:v9+s29+$0x0], $0xffff;
	v11 =	vand.u32 $0x7F, v11;
	v10 =	vand.u32 $0xF80, v10  }
0x164: {  	v10 =	vor.u32 v10, v11;
	_ =	sdelay $0x2  }
0x165: {  	s0 =	sadd.s32 $0x10, s0  }
0x166: {  	[tilespmem:s0+$0x0] =	vst v9  }
0x167: {  	v9 =	vld.idx.msk [tilespmem:v10+s21+$0x0], $0xffff;
	_ =	sdelay $0x4  }
0x168: {  	v9 =	vshll.u32 v9, $0x2  }
0x169: {  	v9 =	vor.u32 v5, v9;
	_ =	sdelay $0x4  }
0x16a: {  	v10 =	vld.idx.msk [tilespmem:v9+s28+$0x0], $0xffff;
	_ =	sdelay $0x3  }
0x16b: {  	s2 =	sadd.s32 $0x10, s4  }
0x16c: {  	[tilespmem:s2+$0x0] =	vst v10  }
0x16d: {  	v9 =	vld.idx.msk [tilespmem:v9+s29+$0x0], $0xffff  }
.Ltmp5:
0x16e: {  	_ = 	snop;
	(pc) =	sbr.rel @!p0 .LBB2_8-.Ltmp5, $4  }
0x16f: {  	s4 =	rddreg [dreg:$0x13]  }
0x170: {  	s20 =	simm.s32 $0x0;
	s14 =	rddreg [dreg:$0x1a]  }
0x171: {  	s23 =	simm.s32 $0xC900;
	s3 =	simm.s32 $0x10100;
	s0 =	sadd.s32 $0x10, s0  }
0x172: {  	s8 =	simm.s32 $0x12900;
	s2 =	simm.s32 $0x14100;
	[tilespmem:s0+$0x0] =	vst v9;
	s0 =	simm.s32 $0x2500  }
.LBB2_10:
0x173: {  	v9 =	vld [tilespmem:s0+$0x0];
	_ =	sdelay $0x4  }
0x174: {  	v10 =	vshll.u32 v9, $0x1  }
0x175: {  	v9 =	vand.u32 $0x7, v9;
	v10 =	vand.u32 $0xFFFFFFF0, v10  }
0x176: {  	v9 =	vor.u32 v9, v10  }
0x177: {  	v10 =	vperm.xlane v9, v6;
	_ =	sdelay $0x1  }
0x178: {  	v9 =	vperm.xlane v9, v8;
	v10 =	vadd.s32 v7, v10;
	_ =	sdelay $0x1  }
0x179: {  	v9 =	vadd.s32 v7, v9;
	_ =	sdelay $0x2  }
0x17a: {  	[tilespmem:s25], [sflag:$0x1] =	stream.indirect_vreg.gather [hbm4b:s5+s7], $0x80, v10, vm0, $0xb8;
	[tilespmem:$0x18100] =	vst v63  }
0x17b: {  	_ = 	snop  }
0x17c: {  	[tilespmem:s23], [sflag:$0x1] =	stream.indirect_vreg.gather [hbm4b:s5+s7], $0x80, v9, vm0, $0xb8;
	[tilespmem:$0x18100] =	vst v63  }
0x17d: {  	v9 =	vld [tilespmem:s0+$0x10];
	_ =	sdelay $0x4  }
0x17e: {  	v10 =	vshll.u32 v9, $0x1  }
0x17f: {  	v9 =	vand.u32 $0x7, v9;
	v10 =	vand.u32 $0xFFFFFFF0, v10  }
0x180: {  	v9 =	vor.u32 v9, v10  }
0x181: {  	v10 =	vperm.xlane v9, v6;
	_ =	sdelay $0x1  }
0x182: {  	v9 =	vperm.xlane v9, v8;
	v10 =	vadd.s32 v7, v10;
	_ =	sdelay $0x1  }
0x183: {  	v9 =	vadd.s32 v7, v9;
	_ =	sdelay $0x2  }
0x184: {  	[tilespmem:s12], [sflag:$0x1] =	stream.indirect_vreg.gather [hbm4b:s5+s7], $0x80, v10, vm0, $0xb8;
	[tilespmem:$0x18100] =	vst v63  }
0x185: {  	_ = 	snop  }
0x186: {  	[tilespmem:s16], [sflag:$0x1] =	stream.indirect_vreg.gather [hbm4b:s5+s7], $0x80, v9, vm0, $0xb8;
	[tilespmem:$0x18100] =	vst v63  }
0x187: {  	v9 =	vld [tilespmem:s0+$0x20];
	_ =	sdelay $0x4  }
0x188: {  	v10 =	vshll.u32 v9, $0x1  }
0x189: {  	v9 =	vand.u32 $0x7, v9;
	v10 =	vand.u32 $0xFFFFFFF0, v10  }
0x18a: {  	v9 =	vor.u32 v9, v10  }
0x18b: {  	v10 =	vperm.xlane v9, v6;
	_ =	sdelay $0x1  }
0x18c: {  	v9 =	vperm.xlane v9, v8;
	v10 =	vadd.s32 v7, v10;
	_ =	sdelay $0x1  }
0x18d: {  	v9 =	vadd.s32 v7, v9;
	_ =	sdelay $0x2  }
0x18e: {  	[tilespmem:s6], [sflag:$0x1] =	stream.indirect_vreg.gather [hbm4b:s5+s7], $0x80, v10, vm0, $0xb8;
	[tilespmem:$0x18100] =	vst v63  }
0x18f: {  	_ = 	snop  }
0x190: {  	[tilespmem:s19], [sflag:$0x1] =	stream.indirect_vreg.gather [hbm4b:s5+s7], $0x80, v9, vm0, $0xb8;
	[tilespmem:$0x18100] =	vst v63  }
0x191: {  	v9 =	vld [tilespmem:s0+$0x30];
	_ =	sdelay $0x4  }
0x192: {  	v10 =	vshll.u32 v9, $0x1  }
0x193: {  	v9 =	vand.u32 $0x7, v9;
	v10 =	vand.u32 $0xFFFFFFF0, v10  }
0x194: {  	v9 =	vor.u32 v9, v10  }
0x195: {  	v10 =	vperm.xlane v9, v6;
	_ =	sdelay $0x1  }
0x196: {  	v9 =	vperm.xlane v9, v8;
	v10 =	vadd.s32 v7, v10;
	_ =	sdelay $0x1  }
0x197: {  	v9 =	vadd.s32 v7, v9;
	_ =	sdelay $0x2  }
0x198: {  	[tilespmem:s13], [sflag:$0x1] =	stream.indirect_vreg.gather [hbm4b:s5+s7], $0x80, v10, vm0, $0xb8;
	[tilespmem:$0x18100] =	vst v63  }
0x199: {  	_ = 	snop  }
0x19a: {  	[tilespmem:s10], [sflag:$0x1] =	stream.indirect_vreg.gather [hbm4b:s5+s7], $0x80, v9, vm0, $0xb8;
	[tilespmem:$0x18100] =	vst v63  }
0x19b: {  	v9 =	vld [tilespmem:s0+$0x40];
	_ =	sdelay $0x4  }
0x19c: {  	v10 =	vshll.u32 v9, $0x1  }
0x19d: {  	v9 =	vand.u32 $0x7, v9;
	v10 =	vand.u32 $0xFFFFFFF0, v10  }
0x19e: {  	v9 =	vor.u32 v9, v10  }
0x19f: {  	v10 =	vperm.xlane v9, v6;
	_ =	sdelay $0x1  }
0x1a0: {  	v9 =	vperm.xlane v9, v8;
	v10 =	vadd.s32 v7, v10;
	_ =	sdelay $0x1  }
0x1a1: {  	v9 =	vadd.s32 v7, v9;
	_ =	sdelay $0x2  }
0x1a2: {  	[tilespmem:s3], [sflag:$0x1] =	stream.indirect_vreg.gather [hbm4b:s5+s7], $0x80, v10, vm0, $0xb8;
	[tilespmem:$0x18100] =	vst v63  }
0x1a3: {  	_ = 	snop  }
0x1a4: {  	[tilespmem:s17], [sflag:$0x1] =	stream.indirect_vreg.gather [hbm4b:s5+s7], $0x80, v9, vm0, $0xb8;
	[tilespmem:$0x18100] =	vst v63  }
0x1a5: {  	v9 =	vld [tilespmem:s0+$0x50];
	_ =	sdelay $0x4  }
0x1a6: {  	v10 =	vshll.u32 v9, $0x1  }
0x1a7: {  	v9 =	vand.u32 $0x7, v9;
	v10 =	vand.u32 $0xFFFFFFF0, v10  }
0x1a8: {  	v9 =	vor.u32 v9, v10  }
0x1a9: {  	v10 =	vperm.xlane v9, v6;
	_ =	sdelay $0x1  }
0x1aa: {  	v9 =	vperm.xlane v9, v8;
	v10 =	vadd.s32 v7, v10;
	_ =	sdelay $0x1  }
0x1ab: {  	v9 =	vadd.s32 v7, v9;
	_ =	sdelay $0x2  }
0x1ac: {  	[tilespmem:s9], [sflag:$0x1] =	stream.indirect_vreg.gather [hbm4b:s5+s7], $0x80, v10, vm0, $0xb8;
	[tilespmem:$0x18100] =	vst v63  }
0x1ad: {  	_ = 	snop  }
0x1ae: {  	[tilespmem:s24], [sflag:$0x1] =	stream.indirect_vreg.gather [hbm4b:s5+s7], $0x80, v9, vm0, $0xb8;
	[tilespmem:$0x18100] =	vst v63  }
0x1af: {  	v9 =	vld [tilespmem:s0+$0x60];
	_ =	sdelay $0x4  }
0x1b0: {  	v10 =	vshll.u32 v9, $0x1  }
0x1b1: {  	v9 =	vand.u32 $0x7, v9;
	v10 =	vand.u32 $0xFFFFFFF0, v10  }
0x1b2: {  	v9 =	vor.u32 v9, v10  }
0x1b3: {  	v10 =	vperm.xlane v9, v6;
	_ =	sdelay $0x1  }
0x1b4: {  	v9 =	vperm.xlane v9, v8;
	v10 =	vadd.s32 v7, v10;
	_ =	sdelay $0x1  }
0x1b5: {  	v9 =	vadd.s32 v7, v9;
	_ =	sdelay $0x2  }
0x1b6: {  	[tilespmem:s18], [sflag:$0x1] =	stream.indirect_vreg.gather [hbm4b:s5+s7], $0x80, v10, vm0, $0xb8;
	[tilespmem:$0x18100] =	vst v63  }
0x1b7: {  	_ = 	snop  }
0x1b8: {  	[tilespmem:s8], [sflag:$0x1] =	stream.indirect_vreg.gather [hbm4b:s5+s7], $0x80, v9, vm0, $0xb8;
	[tilespmem:$0x18100] =	vst v63  }
0x1b9: {  	v9 =	vld [tilespmem:s0+$0x70];
	_ =	sdelay $0x4  }
0x1ba: {  	v10 =	vshll.u32 v9, $0x1  }
0x1bb: {  	v9 =	vand.u32 $0x7, v9;
	v10 =	vand.u32 $0xFFFFFFF0, v10  }
0x1bc: {  	v9 =	vor.u32 v9, v10  }
0x1bd: {  	v10 =	vperm.xlane v9, v6;
	_ =	sdelay $0x1  }
0x1be: {  	v9 =	vperm.xlane v9, v8;
	v10 =	vadd.s32 v7, v10;
	_ =	sdelay $0x1  }
0x1bf: {  	v9 =	vadd.s32 v7, v9;
	_ =	sdelay $0x2  }
0x1c0: {  	[tilespmem:s15], [sflag:$0x1] =	stream.indirect_vreg.gather [hbm4b:s5+s7], $0x80, v10, vm0, $0xb8;
	[tilespmem:$0x18100] =	vst v63  }
0x1c1: {  	_ = 	snop  }
0x1c2: {  	[tilespmem:s22], [sflag:$0x1] =	stream.indirect_vreg.gather [hbm4b:s5+s7], $0x80, v9, vm0, $0xb8;
	[tilespmem:$0x18100] =	vst v63  }
0x1c3: {  	_ = 	snop  }
0x1c4: {  	[tilespmem:s2], [sflag:$0x1] =	stream.indirect.gather [hbm4b:s11+s31], $0x80, s0, s31, $0xb8;
	[tilespmem:$0x18100] =	vst v63  }
0x1c5: {  	_ =	swait.ge [sflag:s1], $0x8000  }
0x1c6: {  	[sflag:s1] =	ssyncset.done $0x0  }
0x1c7: {  	[sflag:s1] =	ssyncadd.s32 $0xFFFF8000  }
0x1c8: {  	_ =	swait.ge [sflag:s1], $0x4000  }
0x1c9: {  	[sflag:s1] =	ssyncset.done $0x0  }
0x1ca: {  	[sflag:s1] =	ssyncadd.s32 $0xFFFFC000  }
0x1cb: {  	[hbm4b:s14+s7] =	stream.linear.scatter [tilespmem:s25], [sflag:$0x2], $0x8000, $0x38;
	[tilespmem:$0x18100] =	vst v63  }
0x1cc: {  	s4 =	simm.s32 $0x14100;
	_ =	swait.ge [sflag:s26], $0x8000  }
0x1cd: {  	p1 =	sne.s32 s20, $0xA000;
	s2 =	rddreg [dreg:$0xa];
	[sflag:s26] =	ssyncset.done $0x0  }
.Ltmp6:
0x1ce: {  	[sflag:s26] =	ssyncadd.s32 $0xFFFF8000;
	s2 =	sadd.s32 s20, s2;
	(pc) =	sbr.rel @p1 .LBB2_10-.Ltmp6, $4  }
0x1cf: {  	[hbm4b:s2+s7] =	stream.linear.scatter [tilespmem:s4], [sflag:$0x2], $0x4000, $0x38;
	[tilespmem:$0x18100] =	vst v63  }
0x1d0: {  	_ =	swait.ge [sflag:s26], $0x4000  }
0x1d1: {  	s0 =	sadd.s32 $0x80, s0;
	s14 =	sadd.s32 $0x1000, s14;
	[sflag:s26] =	ssyncset.done $0x0  }
0x1d2: {  	s20 =	sadd.s32 $0x800, s20;
	s2 =	simm.s32 $0x14100;
	[sflag:s26] =	ssyncadd.s32 $0xFFFFC000  }
0x1d3: {  	v9 =	vld [tilespmem:$0x2F80];
	_ =	sdelay $0x4  }
0x1d4: {  	v10 =	vshll.u32 v9, $0x1  }
0x1d5: {  	v9 =	vand.u32 $0x7, v9;
	v10 =	vand.u32 $0xFFFFFFF0, v10  }
0x1d6: {  	v9 =	vor.u32 v9, v10  }
0x1d7: {  	v10 =	vperm.xlane v9, v6;
	_ =	sdelay $0x1  }
0x1d8: {  	v9 =	vperm.xlane v9, v8;
	v10 =	vadd.s32 v7, v10;
	_ =	sdelay $0x1  }
0x1d9: {  	v9 =	vadd.s32 v7, v9;
	_ =	sdelay $0x2  }
0x1da: {  	[tilespmem:s25], [sflag:$0x1] =	stream.indirect_vreg.gather [hbm4b:s5+s7], $0x80, v10, vm0, $0xb8;
	[tilespmem:$0x18100] =	vst v63  }
0x1db: {  	_ = 	snop  }
0x1dc: {  	[tilespmem:s23], [sflag:$0x1] =	stream.indirect_vreg.gather [hbm4b:s5+s7], $0x80, v9, vm0, $0xb8;
	[tilespmem:$0x18100] =	vst v63  }
0x1dd: {  	v9 =	vld [tilespmem:$0x2F90];
	_ =	sdelay $0x4  }
0x1de: {  	v10 =	vshll.u32 v9, $0x1  }
0x1df: {  	v9 =	vand.u32 $0x7, v9;
	v10 =	vand.u32 $0xFFFFFFF0, v10  }
0x1e0: {  	v9 =	vor.u32 v9, v10  }
0x1e1: {  	v10 =	vperm.xlane v9, v6;
	_ =	sdelay $0x1  }
0x1e2: {  	v9 =	vperm.xlane v9, v8;
	v10 =	vadd.s32 v7, v10;
	_ =	sdelay $0x1  }
0x1e3: {  	v9 =	vadd.s32 v7, v9;
	_ =	sdelay $0x2  }
0x1e4: {  	[tilespmem:s12], [sflag:$0x1] =	stream.indirect_vreg.gather [hbm4b:s5+s7], $0x80, v10, vm0, $0xb8;
	[tilespmem:$0x18100] =	vst v63  }
0x1e5: {  	_ = 	snop  }
0x1e6: {  	[tilespmem:s16], [sflag:$0x1] =	stream.indirect_vreg.gather [hbm4b:s5+s7], $0x80, v9, vm0, $0xb8;
	[tilespmem:$0x18100] =	vst v63  }
0x1e7: {  	v9 =	vld [tilespmem:$0x2FA0];
	_ =	sdelay $0x4  }
0x1e8: {  	v10 =	vshll.u32 v9, $0x1  }
0x1e9: {  	v9 =	vand.u32 $0x7, v9;
	v10 =	vand.u32 $0xFFFFFFF0, v10  }
0x1ea: {  	v9 =	vor.u32 v9, v10  }
0x1eb: {  	v10 =	vperm.xlane v9, v6;
	_ =	sdelay $0x1  }
0x1ec: {  	v9 =	vperm.xlane v9, v8;
	v10 =	vadd.s32 v7, v10;
	_ =	sdelay $0x1  }
0x1ed: {  	v9 =	vadd.s32 v7, v9;
	_ =	sdelay $0x2  }
0x1ee: {  	[tilespmem:s6], [sflag:$0x1] =	stream.indirect_vreg.gather [hbm4b:s5+s7], $0x80, v10, vm0, $0xb8;
	[tilespmem:$0x18100] =	vst v63  }
0x1ef: {  	_ = 	snop  }
0x1f0: {  	[tilespmem:s19], [sflag:$0x1] =	stream.indirect_vreg.gather [hbm4b:s5+s7], $0x80, v9, vm0, $0xb8;
	[tilespmem:$0x18100] =	vst v63  }
0x1f1: {  	v9 =	vld [tilespmem:$0x2FB0];
	_ =	sdelay $0x4  }
0x1f2: {  	v10 =	vshll.u32 v9, $0x1  }
0x1f3: {  	v9 =	vand.u32 $0x7, v9;
	v10 =	vand.u32 $0xFFFFFFF0, v10  }
0x1f4: {  	v9 =	vor.u32 v9, v10  }
0x1f5: {  	v10 =	vperm.xlane v9, v6;
	_ =	sdelay $0x1  }
0x1f6: {  	v9 =	vperm.xlane v9, v8;
	v10 =	vadd.s32 v7, v10;
	_ =	sdelay $0x1  }
0x1f7: {  	v9 =	vadd.s32 v7, v9;
	_ =	sdelay $0x2  }
0x1f8: {  	[tilespmem:s13], [sflag:$0x1] =	stream.indirect_vreg.gather [hbm4b:s5+s7], $0x80, v10, vm0, $0xb8;
	[tilespmem:$0x18100] =	vst v63  }
0x1f9: {  	_ = 	snop  }
0x1fa: {  	[tilespmem:s10], [sflag:$0x1] =	stream.indirect_vreg.gather [hbm4b:s5+s7], $0x80, v9, vm0, $0xb8;
	[tilespmem:$0x18100] =	vst v63  }
0x1fb: {  	v9 =	vld [tilespmem:$0x2FC0];
	_ =	sdelay $0x4  }
0x1fc: {  	v10 =	vshll.u32 v9, $0x1  }
0x1fd: {  	v9 =	vand.u32 $0x7, v9;
	v10 =	vand.u32 $0xFFFFFFF0, v10  }
0x1fe: {  	v9 =	vor.u32 v9, v10  }
0x1ff: {  	v10 =	vperm.xlane v9, v6;
	_ =	sdelay $0x1  }
0x200: {  	v9 =	vperm.xlane v9, v8;
	v10 =	vadd.s32 v7, v10;
	_ =	sdelay $0x1  }
0x201: {  	v9 =	vadd.s32 v7, v9;
	_ =	sdelay $0x2  }
0x202: {  	[tilespmem:s3], [sflag:$0x1] =	stream.indirect_vreg.gather [hbm4b:s5+s7], $0x80, v10, vm0, $0xb8;
	[tilespmem:$0x18100] =	vst v63  }
0x203: {  	_ = 	snop  }
0x204: {  	[tilespmem:s17], [sflag:$0x1] =	stream.indirect_vreg.gather [hbm4b:s5+s7], $0x80, v9, vm0, $0xb8;
	[tilespmem:$0x18100] =	vst v63  }
0x205: {  	v9 =	vld [tilespmem:$0x2FD0];
	_ =	sdelay $0x4  }
0x206: {  	v10 =	vshll.u32 v9, $0x1  }
0x207: {  	v9 =	vand.u32 $0x7, v9;
	v10 =	vand.u32 $0xFFFFFFF0, v10  }
0x208: {  	v9 =	vor.u32 v9, v10  }
0x209: {  	v10 =	vperm.xlane v9, v6;
	_ =	sdelay $0x1  }
0x20a: {  	v9 =	vperm.xlane v9, v8;
	v10 =	vadd.s32 v7, v10;
	_ =	sdelay $0x1  }
0x20b: {  	v9 =	vadd.s32 v7, v9;
	_ =	sdelay $0x2  }
0x20c: {  	[tilespmem:s9], [sflag:$0x1] =	stream.indirect_vreg.gather [hbm4b:s5+s7], $0x80, v10, vm0, $0xb8;
	[tilespmem:$0x18100] =	vst v63  }
0x20d: {  	_ = 	snop  }
0x20e: {  	[tilespmem:s24], [sflag:$0x1] =	stream.indirect_vreg.gather [hbm4b:s5+s7], $0x80, v9, vm0, $0xb8;
	[tilespmem:$0x18100] =	vst v63  }
0x20f: {  	v9 =	vld [tilespmem:$0x2FE0];
	_ =	sdelay $0x4  }
0x210: {  	v10 =	vshll.u32 v9, $0x1  }
0x211: {  	v9 =	vand.u32 $0x7, v9;
	v10 =	vand.u32 $0xFFFFFFF0, v10  }
0x212: {  	v9 =	vor.u32 v9, v10  }
0x213: {  	v10 =	vperm.xlane v9, v6;
	_ =	sdelay $0x1  }
0x214: {  	v9 =	vperm.xlane v9, v8;
	v10 =	vadd.s32 v7, v10;
	_ =	sdelay $0x1  }
0x215: {  	v9 =	vadd.s32 v7, v9;
	_ =	sdelay $0x2  }
0x216: {  	[tilespmem:s18], [sflag:$0x1] =	stream.indirect_vreg.gather [hbm4b:s5+s7], $0x80, v10, vm0, $0xb8;
	[tilespmem:$0x18100] =	vst v63  }
0x217: {  	_ = 	snop  }
0x218: {  	[tilespmem:s8], [sflag:$0x1] =	stream.indirect_vreg.gather [hbm4b:s5+s7], $0x80, v9, vm0, $0xb8;
	[tilespmem:$0x18100] =	vst v63  }
0x219: {  	v9 =	vld [tilespmem:$0x2FF0];
	_ =	sdelay $0x4  }
0x21a: {  	v10 =	vshll.u32 v9, $0x1  }
0x21b: {  	v9 =	vand.u32 $0x7, v9;
	v10 =	vand.u32 $0xFFFFFFF0, v10  }
0x21c: {  	v9 =	vor.u32 v9, v10  }
0x21d: {  	v10 =	vperm.xlane v9, v6;
	_ =	sdelay $0x1  }
0x21e: {  	v9 =	vperm.xlane v9, v8;
	v10 =	vadd.s32 v7, v10;
	_ =	sdelay $0x1  }
0x21f: {  	v9 =	vadd.s32 v7, v9;
	_ =	sdelay $0x2  }
0x220: {  	[tilespmem:s15], [sflag:$0x1] =	stream.indirect_vreg.gather [hbm4b:s5+s7], $0x80, v10, vm0, $0xb8;
	[tilespmem:$0x18100] =	vst v63  }
0x221: {  	_ = 	snop  }
0x222: {  	[tilespmem:s22], [sflag:$0x1] =	stream.indirect_vreg.gather [hbm4b:s5+s7], $0x80, v9, vm0, $0xb8;
	[tilespmem:$0x18100] =	vst v63  }
0x223: {  	s0 =	simm.s32 $0x2F80  }
0x224: {  	[tilespmem:s2], [sflag:$0x1] =	stream.indirect.gather [hbm4b:s11+s31], $0x80, s0, s31, $0xb8;
	[tilespmem:$0x18100] =	vst v63  }
0x225: {  	_ =	swait.ge [sflag:s1], $0x8000  }
0x226: {  	[sflag:s1] =	ssyncset.done $0x0  }
0x227: {  	[sflag:s1] =	ssyncadd.s32 $0xFFFF8000  }
0x228: {  	_ =	swait.ge [sflag:s1], $0x4000  }
0x229: {  	[sflag:s1] =	ssyncset.done $0x0  }
0x22a: {  	s20 =	rddreg [dreg:$0x12];
	[sflag:s1] =	ssyncadd.s32 $0xFFFFC000  }
0x22b: {  	[hbm4b:s20+s7] =	stream.linear.scatter [tilespmem:s25], [sflag:$0x2], $0x1800, $0x38;
	[tilespmem:$0x18100] =	vst v63  }
0x22c: {  	_ =	swait.ge [sflag:s26], $0x1800  }
0x22d: {  	[sflag:s26] =	ssyncset.done $0x0  }
0x22e: {  	s23 =	rddreg [dreg:$0x14];
	[sflag:s26] =	ssyncadd.s32 $0xFFFFE800  }
0x22f: {  	[hbm4b:s23+s7] =	stream.linear.scatter [tilespmem:s2], [sflag:$0x2], $0xC00, $0x38;
	[tilespmem:$0x18100] =	vst v63  }
0x230: {  	_ =	swait.ge [sflag:s26], $0xC00  }
0x231: {  	[sflag:s26] =	ssyncset.done $0x0  }
0x232: {  	s3 =	simm.s32 $0x3C80;
	s2 =	rddreg [dreg:$0x15];
	[sflag:s26] =	ssyncadd.s32 $0xFFFFF400  }
0x233: {  	[hbm4b:s2+s7] =	stream.linear.scatter [tilespmem:s3], [sflag:$0x2], $0xA98, $0x38;
	[tilespmem:$0x18100] =	vst v63  }
0x234: {  	_ =	swait.ge [sflag:s26], $0xA98  }
0x235: {  	[sflag:s26] =	ssyncset.done $0x0  }
0x236: {  	s8 =	simm.s32 $0x3100;
	s4 =	rddreg [dreg:$0x16];
	[sflag:s26] =	ssyncadd.s32 $0xFFFFF568  }
0x237: {  	[hbm4b:s4+s7] =	stream.linear.scatter [tilespmem:s8], [sflag:$0x2], $0xA98, $0x38;
	[tilespmem:$0x18100] =	vst v63  }
0x238: {  	_ =	swait.ge [sflag:s26], $0xA98  }
0x239: {  	[sflag:s26] =	ssyncset.done $0x0  }
0x23a: {  	s14 =	simm.s32 $0x6800;
	s11 =	rddreg [dreg:$0x17];
	[sflag:s26] =	ssyncadd.s32 $0xFFFFF568  }
0x23b: {  	[hbm4b:s11+s7] =	stream.linear.scatter [tilespmem:s14], [sflag:$0x2], $0x2A60, $0x38;
	[tilespmem:$0x18100] =	vst v63  }
0x23c: {  	_ =	swait.ge [sflag:s26], $0x2A60  }
0x23d: {  	s23 =	simm.s32 $0x9480;
	[sflag:s26] =	ssyncset.done $0x0  }
.Ltmp7:
0x23e: {  	s20 =	rddreg [dreg:$0x18];
	[sflag:s26] =	ssyncadd.s32 $0xFFFFD5A0;
	(pc) =	sbr.rel .LBB2_12-.Ltmp7, $4  }
0x23f: {  	[hbm4b:s20+s7] =	stream.linear.scatter [tilespmem:s23], [sflag:$0x2], $0x2A60, $0x38;
	[tilespmem:$0x18100] =	vst v63  }
0x240: {  	_ =	swait.ge [sflag:s26], $0x2A60  }
0x241: {  	[sflag:s26] =	ssyncset.done $0x0  }
0x242: {  	s2 =	rddreg [dreg:$0x1d];
	[sflag:s26] =	ssyncadd.s32 $0xFFFFD5A0  }
.LBB2_8:
0x243: {  	v9 =	vld [tilespmem:s0+$0x0];
	_ =	sdelay $0x4  }
0x244: {  	v10 =	vshll.u32 v9, $0x1  }
0x245: {  	v9 =	vand.u32 $0x7, v9;
	v10 =	vand.u32 $0xFFFFFFF0, v10  }
0x246: {  	v9 =	vor.u32 v9, v10  }
0x247: {  	v10 =	vperm.xlane v9, v6;
	_ =	sdelay $0x1  }
0x248: {  	v9 =	vperm.xlane v9, v8;
	v10 =	vadd.s32 v7, v10;
	_ =	sdelay $0x1  }
0x249: {  	v9 =	vadd.s32 v7, v9;
	_ =	sdelay $0x2  }
0x24a: {  	[tilespmem:s25], [sflag:$0x1] =	stream.indirect_vreg.gather [hbm4b:s5+s7], $0x80, v10, vm0, $0xb8;
	[tilespmem:$0x18100] =	vst v63  }
0x24b: {  	_ = 	snop  }
0x24c: {  	[tilespmem:s23], [sflag:$0x1] =	stream.indirect_vreg.gather [hbm4b:s5+s7], $0x80, v9, vm0, $0xb8;
	[tilespmem:$0x18100] =	vst v63  }
0x24d: {  	v9 =	vld [tilespmem:s0+$0x10];
	_ =	sdelay $0x4  }
0x24e: {  	v10 =	vshll.u32 v9, $0x1  }
0x24f: {  	v9 =	vand.u32 $0x7, v9;
	v10 =	vand.u32 $0xFFFFFFF0, v10  }
0x250: {  	v9 =	vor.u32 v9, v10  }
0x251: {  	v10 =	vperm.xlane v9, v6;
	_ =	sdelay $0x1  }
0x252: {  	v9 =	vperm.xlane v9, v8;
	v10 =	vadd.s32 v7, v10;
	_ =	sdelay $0x1  }
0x253: {  	v9 =	vadd.s32 v7, v9;
	_ =	sdelay $0x2  }
0x254: {  	[tilespmem:s12], [sflag:$0x1] =	stream.indirect_vreg.gather [hbm4b:s5+s7], $0x80, v10, vm0, $0xb8;
	[tilespmem:$0x18100] =	vst v63  }
0x255: {  	_ = 	snop  }
0x256: {  	[tilespmem:s16], [sflag:$0x1] =	stream.indirect_vreg.gather [hbm4b:s5+s7], $0x80, v9, vm0, $0xb8;
	[tilespmem:$0x18100] =	vst v63  }
0x257: {  	v9 =	vld [tilespmem:s0+$0x20];
	_ =	sdelay $0x4  }
0x258: {  	v10 =	vshll.u32 v9, $0x1  }
0x259: {  	v9 =	vand.u32 $0x7, v9;
	v10 =	vand.u32 $0xFFFFFFF0, v10  }
0x25a: {  	v9 =	vor.u32 v9, v10  }
0x25b: {  	v10 =	vperm.xlane v9, v6;
	_ =	sdelay $0x1  }
0x25c: {  	v9 =	vperm.xlane v9, v8;
	v10 =	vadd.s32 v7, v10;
	_ =	sdelay $0x1  }
0x25d: {  	v9 =	vadd.s32 v7, v9;
	_ =	sdelay $0x2  }
0x25e: {  	[tilespmem:s6], [sflag:$0x1] =	stream.indirect_vreg.gather [hbm4b:s5+s7], $0x80, v10, vm0, $0xb8;
	[tilespmem:$0x18100] =	vst v63  }
0x25f: {  	_ = 	snop  }
0x260: {  	[tilespmem:s19], [sflag:$0x1] =	stream.indirect_vreg.gather [hbm4b:s5+s7], $0x80, v9, vm0, $0xb8;
	[tilespmem:$0x18100] =	vst v63  }
0x261: {  	v9 =	vld [tilespmem:s0+$0x30];
	_ =	sdelay $0x4  }
0x262: {  	v10 =	vshll.u32 v9, $0x1  }
0x263: {  	v9 =	vand.u32 $0x7, v9;
	v10 =	vand.u32 $0xFFFFFFF0, v10  }
0x264: {  	v9 =	vor.u32 v9, v10  }
0x265: {  	v10 =	vperm.xlane v9, v6;
	_ =	sdelay $0x1  }
0x266: {  	v9 =	vperm.xlane v9, v8;
	v10 =	vadd.s32 v7, v10;
	_ =	sdelay $0x1  }
0x267: {  	v9 =	vadd.s32 v7, v9;
	_ =	sdelay $0x2  }
0x268: {  	[tilespmem:s13], [sflag:$0x1] =	stream.indirect_vreg.gather [hbm4b:s5+s7], $0x80, v10, vm0, $0xb8;
	[tilespmem:$0x18100] =	vst v63  }
0x269: {  	_ = 	snop  }
0x26a: {  	[tilespmem:s10], [sflag:$0x1] =	stream.indirect_vreg.gather [hbm4b:s5+s7], $0x80, v9, vm0, $0xb8;
	[tilespmem:$0x18100] =	vst v63  }
0x26b: {  	v9 =	vld [tilespmem:s0+$0x40];
	_ =	sdelay $0x4  }
0x26c: {  	v10 =	vshll.u32 v9, $0x1  }
0x26d: {  	v9 =	vand.u32 $0x7, v9;
	v10 =	vand.u32 $0xFFFFFFF0, v10  }
0x26e: {  	v9 =	vor.u32 v9, v10  }
0x26f: {  	v10 =	vperm.xlane v9, v6;
	_ =	sdelay $0x1  }
0x270: {  	v9 =	vperm.xlane v9, v8;
	v10 =	vadd.s32 v7, v10;
	_ =	sdelay $0x1  }
0x271: {  	v9 =	vadd.s32 v7, v9;
	_ =	sdelay $0x2  }
0x272: {  	[tilespmem:s3], [sflag:$0x1] =	stream.indirect_vreg.gather [hbm4b:s5+s7], $0x80, v10, vm0, $0xb8;
	[tilespmem:$0x18100] =	vst v63  }
0x273: {  	_ = 	snop  }
0x274: {  	[tilespmem:s17], [sflag:$0x1] =	stream.indirect_vreg.gather [hbm4b:s5+s7], $0x80, v9, vm0, $0xb8;
	[tilespmem:$0x18100] =	vst v63  }
0x275: {  	v9 =	vld [tilespmem:s0+$0x50];
	_ =	sdelay $0x4  }
0x276: {  	v10 =	vshll.u32 v9, $0x1  }
0x277: {  	v9 =	vand.u32 $0x7, v9;
	v10 =	vand.u32 $0xFFFFFFF0, v10  }
0x278: {  	v9 =	vor.u32 v9, v10  }
0x279: {  	v10 =	vperm.xlane v9, v6;
	_ =	sdelay $0x1  }
0x27a: {  	v9 =	vperm.xlane v9, v8;
	v10 =	vadd.s32 v7, v10;
	_ =	sdelay $0x1  }
0x27b: {  	v9 =	vadd.s32 v7, v9;
	_ =	sdelay $0x2  }
0x27c: {  	[tilespmem:s9], [sflag:$0x1] =	stream.indirect_vreg.gather [hbm4b:s5+s7], $0x80, v10, vm0, $0xb8;
	[tilespmem:$0x18100] =	vst v63  }
0x27d: {  	_ = 	snop  }
0x27e: {  	[tilespmem:s24], [sflag:$0x1] =	stream.indirect_vreg.gather [hbm4b:s5+s7], $0x80, v9, vm0, $0xb8;
	[tilespmem:$0x18100] =	vst v63  }
0x27f: {  	v9 =	vld [tilespmem:s0+$0x60];
	_ =	sdelay $0x4  }
0x280: {  	v10 =	vshll.u32 v9, $0x1  }
0x281: {  	v9 =	vand.u32 $0x7, v9;
	v10 =	vand.u32 $0xFFFFFFF0, v10  }
0x282: {  	v9 =	vor.u32 v9, v10  }
0x283: {  	v10 =	vperm.xlane v9, v6;
	_ =	sdelay $0x1  }
0x284: {  	v9 =	vperm.xlane v9, v8;
	v10 =	vadd.s32 v7, v10;
	_ =	sdelay $0x1  }
0x285: {  	v9 =	vadd.s32 v7, v9;
	_ =	sdelay $0x2  }
0x286: {  	[tilespmem:s18], [sflag:$0x1] =	stream.indirect_vreg.gather [hbm4b:s5+s7], $0x80, v10, vm0, $0xb8;
	[tilespmem:$0x18100] =	vst v63  }
0x287: {  	_ = 	snop  }
0x288: {  	[tilespmem:s8], [sflag:$0x1] =	stream.indirect_vreg.gather [hbm4b:s5+s7], $0x80, v9, vm0, $0xb8;
	[tilespmem:$0x18100] =	vst v63  }
0x289: {  	v9 =	vld [tilespmem:s0+$0x70];
	_ =	sdelay $0x4  }
0x28a: {  	v10 =	vshll.u32 v9, $0x1  }
0x28b: {  	v9 =	vand.u32 $0x7, v9;
	v10 =	vand.u32 $0xFFFFFFF0, v10  }
0x28c: {  	v9 =	vor.u32 v9, v10  }
0x28d: {  	v10 =	vperm.xlane v9, v6;
	_ =	sdelay $0x1  }
0x28e: {  	v9 =	vperm.xlane v9, v8;
	v10 =	vadd.s32 v7, v10;
	_ =	sdelay $0x1  }
0x28f: {  	v9 =	vadd.s32 v7, v9;
	_ =	sdelay $0x2  }
0x290: {  	[tilespmem:s15], [sflag:$0x1] =	stream.indirect_vreg.gather [hbm4b:s5+s7], $0x80, v10, vm0, $0xb8;
	[tilespmem:$0x18100] =	vst v63  }
0x291: {  	_ = 	snop  }
0x292: {  	[tilespmem:s22], [sflag:$0x1] =	stream.indirect_vreg.gather [hbm4b:s5+s7], $0x80, v9, vm0, $0xb8;
	[tilespmem:$0x18100] =	vst v63  }
0x293: {  	_ = 	snop  }
0x294: {  	[tilespmem:s2], [sflag:$0x1] =	stream.indirect.gather [hbm4b:s11+s31], $0x80, s0, s31, $0xb8;
	[tilespmem:$0x18100] =	vst v63  }
0x295: {  	_ =	swait.ge [sflag:s1], $0x8000  }
0x296: {  	[sflag:s1] =	ssyncset.done $0x0  }
0x297: {  	[sflag:s1] =	ssyncadd.s32 $0xFFFF8000  }
0x298: {  	_ =	swait.ge [sflag:s1], $0x4000  }
0x299: {  	[sflag:s1] =	ssyncset.done $0x0  }
0x29a: {  	[sflag:s1] =	ssyncadd.s32 $0xFFFFC000  }
0x29b: {  	[hbm4b:s4+s7] =	stream.linear.scatter [tilespmem:s25], [sflag:$0x2], $0x8000, $0x38;
	[tilespmem:$0x18100] =	vst v63  }
0x29c: {  	s14 =	simm.s32 $0x14100;
	_ =	swait.ge [sflag:s26], $0x8000  }
0x29d: {  	p1 =	sne.s32 s20, $0xA800;
	s2 =	rddreg [dreg:$0x9];
	[sflag:s26] =	ssyncset.done $0x0  }
.Ltmp8:
0x29e: {  	[sflag:s26] =	ssyncadd.s32 $0xFFFF8000;
	s2 =	sadd.s32 s20, s2;
	(pc) =	sbr.rel @p1 .LBB2_8-.Ltmp8, $4  }
0x29f: {  	[hbm4b:s2+s7] =	stream.linear.scatter [tilespmem:s14], [sflag:$0x2], $0x4000, $0x38;
	[tilespmem:$0x18100] =	vst v63  }
0x2a0: {  	_ =	swait.ge [sflag:s26], $0x4000  }
0x2a1: {  	s0 =	sadd.s32 $0x80, s0;
	s4 =	sadd.s32 $0x1000, s4;
	[sflag:s26] =	ssyncset.done $0x0  }
0x2a2: {  	s20 =	sadd.s32 $0x800, s20;
	s2 =	simm.s32 $0x14100;
	[sflag:s26] =	ssyncadd.s32 $0xFFFFC000  }
0x2a3: {  	v9 =	vld [tilespmem:$0x3000];
	_ =	sdelay $0x4  }
0x2a4: {  	v10 =	vshll.u32 v9, $0x1  }
0x2a5: {  	v9 =	vand.u32 $0x7, v9;
	v10 =	vand.u32 $0xFFFFFFF0, v10  }
0x2a6: {  	v9 =	vor.u32 v9, v10  }
0x2a7: {  	v10 =	vperm.xlane v9, v6;
	_ =	sdelay $0x1  }
0x2a8: {  	v9 =	vperm.xlane v9, v8;
	v10 =	vadd.s32 v7, v10;
	_ =	sdelay $0x1  }
0x2a9: {  	v9 =	vadd.s32 v7, v9;
	_ =	sdelay $0x2  }
0x2aa: {  	[tilespmem:s25], [sflag:$0x1] =	stream.indirect_vreg.gather [hbm4b:s5+s7], $0x80, v10, vm0, $0xb8;
	[tilespmem:$0x18100] =	vst v63  }
0x2ab: {  	_ = 	snop  }
0x2ac: {  	[tilespmem:s23], [sflag:$0x1] =	stream.indirect_vreg.gather [hbm4b:s5+s7], $0x80, v9, vm0, $0xb8;
	[tilespmem:$0x18100] =	vst v63  }
0x2ad: {  	v9 =	vld [tilespmem:$0x3010];
	_ =	sdelay $0x4  }
0x2ae: {  	v10 =	vshll.u32 v9, $0x1  }
0x2af: {  	v9 =	vand.u32 $0x7, v9;
	v10 =	vand.u32 $0xFFFFFFF0, v10  }
0x2b0: {  	v9 =	vor.u32 v9, v10  }
0x2b1: {  	v10 =	vperm.xlane v9, v6;
	_ =	sdelay $0x1  }
0x2b2: {  	v9 =	vperm.xlane v9, v8;
	v10 =	vadd.s32 v7, v10;
	_ =	sdelay $0x1  }
0x2b3: {  	v9 =	vadd.s32 v7, v9;
	_ =	sdelay $0x2  }
0x2b4: {  	[tilespmem:s12], [sflag:$0x1] =	stream.indirect_vreg.gather [hbm4b:s5+s7], $0x80, v10, vm0, $0xb8;
	[tilespmem:$0x18100] =	vst v63  }
0x2b5: {  	_ = 	snop  }
0x2b6: {  	[tilespmem:s16], [sflag:$0x1] =	stream.indirect_vreg.gather [hbm4b:s5+s7], $0x80, v9, vm0, $0xb8;
	[tilespmem:$0x18100] =	vst v63  }
0x2b7: {  	v9 =	vld [tilespmem:$0x3020];
	_ =	sdelay $0x4  }
0x2b8: {  	v10 =	vshll.u32 v9, $0x1  }
0x2b9: {  	v9 =	vand.u32 $0x7, v9;
	v10 =	vand.u32 $0xFFFFFFF0, v10  }
0x2ba: {  	v9 =	vor.u32 v9, v10  }
0x2bb: {  	v10 =	vperm.xlane v9, v6;
	_ =	sdelay $0x1  }
0x2bc: {  	v9 =	vperm.xlane v9, v8;
	v10 =	vadd.s32 v7, v10;
	_ =	sdelay $0x1  }
0x2bd: {  	v9 =	vadd.s32 v7, v9;
	_ =	sdelay $0x2  }
0x2be: {  	[tilespmem:s6], [sflag:$0x1] =	stream.indirect_vreg.gather [hbm4b:s5+s7], $0x80, v10, vm0, $0xb8;
	[tilespmem:$0x18100] =	vst v63  }
0x2bf: {  	_ = 	snop  }
0x2c0: {  	[tilespmem:s19], [sflag:$0x1] =	stream.indirect_vreg.gather [hbm4b:s5+s7], $0x80, v9, vm0, $0xb8;
	[tilespmem:$0x18100] =	vst v63  }
0x2c1: {  	v9 =	vld [tilespmem:$0x3030];
	_ =	sdelay $0x4  }
0x2c2: {  	v10 =	vshll.u32 v9, $0x1  }
0x2c3: {  	v9 =	vand.u32 $0x7, v9;
	v10 =	vand.u32 $0xFFFFFFF0, v10  }
0x2c4: {  	v9 =	vor.u32 v9, v10  }
0x2c5: {  	v10 =	vperm.xlane v9, v6;
	_ =	sdelay $0x1  }
0x2c6: {  	v9 =	vperm.xlane v9, v8;
	v10 =	vadd.s32 v7, v10;
	_ =	sdelay $0x1  }
0x2c7: {  	v9 =	vadd.s32 v7, v9;
	_ =	sdelay $0x2  }
0x2c8: {  	[tilespmem:s13], [sflag:$0x1] =	stream.indirect_vreg.gather [hbm4b:s5+s7], $0x80, v10, vm0, $0xb8;
	[tilespmem:$0x18100] =	vst v63  }
0x2c9: {  	_ = 	snop  }
0x2ca: {  	[tilespmem:s10], [sflag:$0x1] =	stream.indirect_vreg.gather [hbm4b:s5+s7], $0x80, v9, vm0, $0xb8;
	[tilespmem:$0x18100] =	vst v63  }
0x2cb: {  	v9 =	vld [tilespmem:$0x3040];
	_ =	sdelay $0x4  }
0x2cc: {  	v10 =	vshll.u32 v9, $0x1  }
0x2cd: {  	v9 =	vand.u32 $0x7, v9;
	v10 =	vand.u32 $0xFFFFFFF0, v10  }
0x2ce: {  	v9 =	vor.u32 v9, v10  }
0x2cf: {  	v10 =	vperm.xlane v9, v6;
	_ =	sdelay $0x1  }
0x2d0: {  	v9 =	vperm.xlane v9, v8;
	v10 =	vadd.s32 v7, v10;
	_ =	sdelay $0x1  }
0x2d1: {  	v9 =	vadd.s32 v7, v9;
	_ =	sdelay $0x2  }
0x2d2: {  	[tilespmem:s3], [sflag:$0x1] =	stream.indirect_vreg.gather [hbm4b:s5+s7], $0x80, v10, vm0, $0xb8;
	[tilespmem:$0x18100] =	vst v63  }
0x2d3: {  	_ = 	snop  }
0x2d4: {  	[tilespmem:s17], [sflag:$0x1] =	stream.indirect_vreg.gather [hbm4b:s5+s7], $0x80, v9, vm0, $0xb8;
	[tilespmem:$0x18100] =	vst v63  }
0x2d5: {  	v9 =	vld [tilespmem:$0x3050];
	_ =	sdelay $0x4  }
0x2d6: {  	v10 =	vshll.u32 v9, $0x1  }
0x2d7: {  	v9 =	vand.u32 $0x7, v9;
	v10 =	vand.u32 $0xFFFFFFF0, v10  }
0x2d8: {  	v9 =	vor.u32 v9, v10  }
0x2d9: {  	v10 =	vperm.xlane v9, v6;
	_ =	sdelay $0x1  }
0x2da: {  	v9 =	vperm.xlane v9, v8;
	v10 =	vadd.s32 v7, v10;
	_ =	sdelay $0x1  }
0x2db: {  	v9 =	vadd.s32 v7, v9;
	_ =	sdelay $0x2  }
0x2dc: {  	[tilespmem:s9], [sflag:$0x1] =	stream.indirect_vreg.gather [hbm4b:s5+s7], $0x80, v10, vm0, $0xb8;
	[tilespmem:$0x18100] =	vst v63  }
0x2dd: {  	_ = 	snop  }
0x2de: {  	[tilespmem:s24], [sflag:$0x1] =	stream.indirect_vreg.gather [hbm4b:s5+s7], $0x80, v9, vm0, $0xb8;
	[tilespmem:$0x18100] =	vst v63  }
0x2df: {  	v9 =	vld [tilespmem:$0x3060];
	_ =	sdelay $0x4  }
0x2e0: {  	v10 =	vshll.u32 v9, $0x1  }
0x2e1: {  	v9 =	vand.u32 $0x7, v9;
	v10 =	vand.u32 $0xFFFFFFF0, v10  }
0x2e2: {  	v9 =	vor.u32 v9, v10  }
0x2e3: {  	v10 =	vperm.xlane v9, v6;
	_ =	sdelay $0x1  }
0x2e4: {  	v9 =	vperm.xlane v9, v8;
	v10 =	vadd.s32 v7, v10;
	_ =	sdelay $0x1  }
0x2e5: {  	v9 =	vadd.s32 v7, v9;
	_ =	sdelay $0x2  }
0x2e6: {  	[tilespmem:s18], [sflag:$0x1] =	stream.indirect_vreg.gather [hbm4b:s5+s7], $0x80, v10, vm0, $0xb8;
	[tilespmem:$0x18100] =	vst v63  }
0x2e7: {  	_ = 	snop  }
0x2e8: {  	[tilespmem:s8], [sflag:$0x1] =	stream.indirect_vreg.gather [hbm4b:s5+s7], $0x80, v9, vm0, $0xb8;
	[tilespmem:$0x18100] =	vst v63  }
0x2e9: {  	v9 =	vld [tilespmem:$0x3070];
	_ =	sdelay $0x4  }
0x2ea: {  	v10 =	vshll.u32 v9, $0x1  }
0x2eb: {  	v9 =	vand.u32 $0x7, v9;
	v10 =	vand.u32 $0xFFFFFFF0, v10  }
0x2ec: {  	v9 =	vor.u32 v9, v10  }
0x2ed: {  	v10 =	vperm.xlane v9, v6;
	_ =	sdelay $0x1  }
0x2ee: {  	v9 =	vperm.xlane v9, v8;
	v10 =	vadd.s32 v7, v10;
	_ =	sdelay $0x1  }
0x2ef: {  	v9 =	vadd.s32 v7, v9;
	_ =	sdelay $0x2  }
0x2f0: {  	[tilespmem:s15], [sflag:$0x1] =	stream.indirect_vreg.gather [hbm4b:s5+s7], $0x80, v10, vm0, $0xb8;
	[tilespmem:$0x18100] =	vst v63  }
0x2f1: {  	_ = 	snop  }
0x2f2: {  	[tilespmem:s22], [sflag:$0x1] =	stream.indirect_vreg.gather [hbm4b:s5+s7], $0x80, v9, vm0, $0xb8;
	[tilespmem:$0x18100] =	vst v63  }
0x2f3: {  	s0 =	simm.s32 $0x3000  }
0x2f4: {  	[tilespmem:s2], [sflag:$0x1] =	stream.indirect.gather [hbm4b:s11+s31], $0x80, s0, s31, $0xb8;
	[tilespmem:$0x18100] =	vst v63  }
0x2f5: {  	_ =	swait.ge [sflag:s1], $0x8000  }
0x2f6: {  	[sflag:s1] =	ssyncset.done $0x0  }
0x2f7: {  	[sflag:s1] =	ssyncadd.s32 $0xFFFF8000  }
0x2f8: {  	_ =	swait.ge [sflag:s1], $0x4000  }
0x2f9: {  	[sflag:s1] =	ssyncset.done $0x0  }
0x2fa: {  	s20 =	rddreg [dreg:$0xc];
	[sflag:s1] =	ssyncadd.s32 $0xFFFFC000  }
0x2fb: {  	[hbm4b:s20+s7] =	stream.linear.scatter [tilespmem:s25], [sflag:$0x2], $0x2000, $0x38;
	[tilespmem:$0x18100] =	vst v63  }
0x2fc: {  	_ =	swait.ge [sflag:s26], $0x2000  }
0x2fd: {  	[sflag:s26] =	ssyncset.done $0x0  }
0x2fe: {  	s23 =	rddreg [dreg:$0xd];
	[sflag:s26] =	ssyncadd.s32 $0xFFFFE000  }
0x2ff: {  	[hbm4b:s23+s7] =	stream.linear.scatter [tilespmem:s2], [sflag:$0x2], $0x1000, $0x38;
	[tilespmem:$0x18100] =	vst v63  }
0x300: {  	_ =	swait.ge [sflag:s26], $0x1000  }
0x301: {  	[sflag:s26] =	ssyncset.done $0x0  }
0x302: {  	s3 =	simm.s32 $0x3C80;
	s2 =	rddreg [dreg:$0xe];
	[sflag:s26] =	ssyncadd.s32 $0xFFFFF000  }
0x303: {  	[hbm4b:s2+s7] =	stream.linear.scatter [tilespmem:s3], [sflag:$0x2], $0xB20, $0x38;
	[tilespmem:$0x18100] =	vst v63  }
0x304: {  	_ =	swait.ge [sflag:s26], $0xB20  }
0x305: {  	[sflag:s26] =	ssyncset.done $0x0  }
0x306: {  	s8 =	simm.s32 $0x3100;
	s4 =	rddreg [dreg:$0xf];
	[sflag:s26] =	ssyncadd.s32 $0xFFFFF4E0  }
0x307: {  	[hbm4b:s4+s7] =	stream.linear.scatter [tilespmem:s8], [sflag:$0x2], $0xB20, $0x38;
	[tilespmem:$0x18100] =	vst v63  }
0x308: {  	_ =	swait.ge [sflag:s26], $0xB20  }
0x309: {  	[sflag:s26] =	ssyncset.done $0x0  }
0x30a: {  	s14 =	simm.s32 $0x6800;
	s11 =	rddreg [dreg:$0x10];
	[sflag:s26] =	ssyncadd.s32 $0xFFFFF4E0  }
0x30b: {  	[hbm4b:s11+s7] =	stream.linear.scatter [tilespmem:s14], [sflag:$0x2], $0x2C80, $0x38;
	[tilespmem:$0x18100] =	vst v63  }
0x30c: {  	_ =	swait.ge [sflag:s26], $0x2C80  }
0x30d: {  	s23 =	simm.s32 $0x9480;
	[sflag:s26] =	ssyncset.done $0x0  }
.Ltmp9:
0x30e: {  	s20 =	rddreg [dreg:$0x11];
	[sflag:s26] =	ssyncadd.s32 $0xFFFFD380;
	(pc) =	sbr.rel .LBB2_12-.Ltmp9, $4  }
0x30f: {  	[hbm4b:s20+s7] =	stream.linear.scatter [tilespmem:s23], [sflag:$0x2], $0x2C80, $0x38;
	[tilespmem:$0x18100] =	vst v63  }
0x310: {  	_ =	swait.ge [sflag:s26], $0x2C80  }
0x311: {  	[sflag:s26] =	ssyncset.done $0x0  }
0x312: {  	s2 =	rddreg [dreg:$0x1d];
	[sflag:s26] =	ssyncadd.s32 $0xFFFFD380  }
.LBB2_13:
0x313: {  	_ =	sfence.sel $0x180000  }
0x314: {  	[bflag:$0x0] =	sbarrier.arrive $0xFFFF  }
0x315: {  	_ =	strace $0x9000004A  }
0x316: {  	s0 =	stileid.u32;
	[bflag:$0x2] =	sbarrier.arrive $0xFFFF  }
0x317: {  	p0 =	sne.s32 s0, $0x0;
	s0 =	rddreg [dreg:$0x8]  }
0x318: {  	s0 =	sadd.s32 @!p0 $0x100000, s0  }
0x319: {  	[sflag:s0] =	ssyncadd.tile.s32 @!p0 $0x1;
	_ =	shalt  }
.Lfunc_end2:
_tile_overlayer_lowered:
.L_overlay_start_2:
0x31a: {  	(tag) =	ssettag $0x2  }
0x31b: {  	s0 =	rddreg [dreg:$0x0];
	s2 =	stileid.u32  }
0x31c: {  	s1 =	rddreg [dreg:$0x1];
	p0 =	sne.s32 s2, $0x0  }
0x31d: {  	s3 =	rddreg [dreg:$0x2];
	[bflag:$0x3] =	sbarrier.arrive $0xFFFF;
	s2 =	simm.s32 @!p0 $0x1C02  }
0x31e: {  	[timem:s3], [sflag:s2] =	dma.local @!p0 [hbm:s0], s1  }
0x31f: {  	s0 =	simm.s32 @!p0 $0x2  }
0x320: {  	_ =	swait.ge @!p0 [sflag:s0], s1  }
0x321: {  	s1 =	ssub.s32 @!p0 $0x0, s1;
	[sflag:s0] =	ssyncset.done @!p0 $0x0  }
0x322: {  	[sflag:s0] =	ssyncadd.s32 @!p0 s1  }
0x323: {  	[bflag:$0x3] =	sbarrier.arrive $0xFFFF  }
0x324: {  	_ =	shalt  }

</sc_bundles>
